<compile_context>
chip_gen: v7x
topology: tpu7x:2x2x1
jax: 0.10.2.dev20260603
libtpu: 0.0.44.dev20260713+nightly
codegen_flags: <defaults>
</compile_context>

<pallas_src>
import functools

import jax
import jax.numpy as jnp
from jax import lax
from jax.experimental import pallas as pl
from jax.experimental.pallas import tpu as pltpu
from jax.experimental.pallas import tpu_sc as plsc

VOCAB_E = 1000000
DIM = 64
B = 16384

_NC = 2
_NS = 16
_NW = _NC * _NS
_B_PER_W = B // _NW
_LANES = 16
_G = 8
_NGROUP = _B_PER_W // _LANES


@functools.lru_cache(maxsize=None)
def _build_gather():
    mesh = plsc.VectorSubcoreMesh(core_axis_name="c", subcore_axis_name="s")

    @functools.partial(
        pl.kernel,
        mesh=mesh,
        out_type=jax.ShapeDtypeStruct((8, 8, B), jnp.float32),
        scratch_types=[
            pltpu.VMEM((_B_PER_W,), jnp.int32),
            pltpu.VMEM((8, 8, _LANES * _G), jnp.float32),
            pltpu.VMEM((8, 8, _B_PER_W), jnp.float32),
            pltpu.SemaphoreType.DMA,
            pltpu.SemaphoreType.DMA,
        ],
        compiler_params=pltpu.CompilerParams(
            use_tc_tiling_on_sc=True, needs_layout_passes=False),
    )
    def gather(idx_hbm, t3_hbm, out_hbm, idx_v, win_v, buf_v, sem_i, sem):
        wid = lax.axis_index("s") * _NC + lax.axis_index("c")
        pltpu.async_copy(idx_hbm.at[wid], idx_v, sem_i).wait()
        lane_iota = lax.iota(jnp.int32, _LANES)

        def group(g, _):
            vec = idx_v[pl.ds(g * _LANES, _LANES)]
            a_vec = jnp.bitwise_and(vec, -_G)
            l_vec = jnp.bitwise_and(vec, _G - 1)
            for j in range(_LANES):
                a = pl.multiple_of(jnp.sum(jnp.where(lane_iota == j, a_vec, 0)), _G)
                pltpu.async_copy(
                    t3_hbm.at[:, :, pl.ds(a, _G)],
                    win_v.at[:, :, pl.ds(j * _G, _G)],
                    sem,
                )
            pltpu.make_async_copy(
                t3_hbm.at[:, :, pl.ds(0, _LANES * _G)],
                buf_v.at[:, :, pl.ds(0, _LANES * _G)],
                sem,
            ).wait()
            base = g * _LANES
            minor_idx = lane_iota * _G + l_vec
            for dblk in range(8):
                for sub in range(8):
                    sel = plsc.load_gather(
                        win_v,
                        [
                            jnp.full((_LANES,), dblk, jnp.int32),
                            jnp.full((_LANES,), sub, jnp.int32),
                            minor_idx,
                        ],
                    )
                    buf_v[dblk, sub, pl.ds(base, _LANES)] = sel
            return ()

        lax.fori_loop(0, _NGROUP, group, ())
        base = wid * _B_PER_W
        pltpu.async_copy(
            buf_v, out_hbm.at[:, :, pl.ds(base, _B_PER_W)], sem_i).wait()

    return gather


def kernel(head, entity, rel):
    idx = head.astype(jnp.int32).reshape(_NW, _B_PER_W)
    t3 = entity.T.reshape(8, 8, VOCAB_E)
    out3 = _build_gather()(idx, t3)
    return out3.reshape(DIM, B).T

# --- scband reference (transcript-rebuilt; emitter-appended) ---
"""Pipeline reference for scband-kgmodel-27659589386485 (READ-ONLY COPY).

The authoritative reference and input builder live on the scoring server;
editing this copy changes nothing except your own understanding.
"""

import jax, jax.numpy as jnp
import numpy as np

VOCAB_E = 1000000
VOCAB_R = 2000
DIM = 64
B = 16384


def setup_inputs(seed: int = 0) -> dict:
    key = jax.random.key(seed)
    k1, k2, k3 = jax.random.split(key, 3)
    head = jax.random.randint(k1, (B,), 0, VOCAB_E)
    # learned parameters sized per init_kwargs (args.sizes = [1000000, 2000], args.dim = 64)
    entity = jax.random.normal(k2, (VOCAB_E, DIM), dtype=jnp.float32) * 0.02
    rel = jax.random.normal(k3, (VOCAB_R, DIM), dtype=jnp.float32) * 0.02
    return {"head": head, "entity": entity, "rel": rel}


def reference(head, entity, rel):
    # KGModel.get_query(head): embedding lookup into the entity table
    head_e = jnp.take(entity, head, axis=0)
    if head_e.ndim == 1:
        head_e = head_e[None, :]
    return head_e

if __name__ == "__main__":
    import jax
    _d = setup_inputs()
    print(jax.jit(kernel)(*tuple(_d.values())))

</pallas_src>

<mosaic_0001>
#map = affine_map<(d0, d1) -> (0, 0)>
#map1 = affine_map<(d0, d1) -> (0, 0, 0)>
module attributes {stable_mosaic.version = 14 : i64} {
  func.func @gather(%arg0: i32, %arg1: i32, %arg2: memref<32x512xi32, #tpu.memory_space<hbm>>, %arg3: memref<8x8x1000000xf32, #tpu.memory_space<hbm>>, %arg4: memref<8x8x16384xf32, #tpu.memory_space<hbm>>, %arg5: memref<512xi32, #tpu.memory_space<vmem>>, %arg6: memref<8x8x128xf32, #tpu.memory_space<vmem>>, %arg7: memref<8x8x512xf32, #tpu.memory_space<vmem>>, %arg8: memref<!tpu.dma_semaphore, #tpu.memory_space<semaphore_mem>>, %arg9: memref<!tpu.dma_semaphore, #tpu.memory_space<semaphore_mem>>) attributes {dimension_semantics = [#tpu.dimension_semantics<core_parallel>, #tpu.dimension_semantics<subcore_parallel>], iteration_bounds = array<i64: 2, 16>, scalar_prefetch = 0 : i64, scratch_operands = 5 : i64, tpu.core_type = #tpu.core_type<sc_vector_subcore>, window_params = [{transform_indices = #map}, {transform_indices = #map1}, {transform_indices = #map1}]} {
    %mul3A = arith.constant 2 : i32
    %mul3A_0 = arith.muli %arg1, %mul3A : i32
    %add3A = arith.addi %mul3A_0, %arg0 : i32
    %dma_start3A = arith.constant 0 : i32
    %dma_start3A_1 = tpu.memref_slice %arg2[%add3A, %dma_start3A] : memref<32x512xi32, #tpu.memory_space<hbm>> -> memref<1x512xi32, #tpu.memory_space<hbm>>
    %dma_start3A_2 = tpu.memref_squeeze %dma_start3A_1 : memref<1x512xi32, #tpu.memory_space<hbm>> -> memref<512xi32, #tpu.memory_space<hbm>>
    %dma_start3A_3 = arith.constant 0 : i32
    %dma_start3A_4 = tpu.memref_slice %arg2[%add3A, %dma_start3A_3] : memref<32x512xi32, #tpu.memory_space<hbm>> -> memref<1x512xi32, #tpu.memory_space<hbm>>
    %dma_start3A_5 = tpu.memref_squeeze %dma_start3A_4 : memref<1x512xi32, #tpu.memory_space<hbm>> -> memref<512xi32, #tpu.memory_space<hbm>>
    tpu.enqueue_dma source(%dma_start3A_5 : memref<512xi32, #tpu.memory_space<hbm>>) target(%arg5 : memref<512xi32, #tpu.memory_space<vmem>>) target_semaphore(%arg8 : memref<!tpu.dma_semaphore, #tpu.memory_space<semaphore_mem>>)
    %dma_wait3A = arith.constant 0 : i32
    %dma_wait3A_6 = tpu.memref_slice %arg2[%add3A, %dma_wait3A] : memref<32x512xi32, #tpu.memory_space<hbm>> -> memref<1x512xi32, #tpu.memory_space<hbm>>
    %dma_wait3A_7 = tpu.memref_squeeze %dma_wait3A_6 : memref<1x512xi32, #tpu.memory_space<hbm>> -> memref<512xi32, #tpu.memory_space<hbm>>
    %dma_wait3A_8 = arith.constant 0 : i32
    %dma_wait3A_9 = tpu.memref_slice %arg2[%add3A, %dma_wait3A_8] : memref<32x512xi32, #tpu.memory_space<hbm>> -> memref<1x512xi32, #tpu.memory_space<hbm>>
    %dma_wait3A_10 = tpu.memref_squeeze %dma_wait3A_9 : memref<1x512xi32, #tpu.memory_space<hbm>> -> memref<512xi32, #tpu.memory_space<hbm>>
    tpu.wait_dma2 semaphore(%arg8 : memref<!tpu.dma_semaphore, #tpu.memory_space<semaphore_mem>>) src(%dma_wait3A_10 : memref<512xi32, #tpu.memory_space<hbm>>) dst(%arg5 : memref<512xi32, #tpu.memory_space<vmem>>)
    %iota3A = tpu.iota {dimensions = array<i32: 0>} : vector<16xi32>
    %scan3A = arith.constant 0 : i32
    %scan3A_11 = arith.constant 32 : i32
    %scan3A_12 = arith.addi %scan3A, %scan3A_11 : i32
    %scan3A_13 = arith.constant 1 : i32
    scf.for %scan3A_29 = %scan3A to %scan3A_12 step %scan3A_13  : i32 {
      %mul3A_30 = arith.constant 16 : i32
      %mul3A_31 = arith.muli %scan3A_29, %mul3A_30 : i32
      %get3A = arith.index_cast %mul3A_31 : i32 to index
      %get3A_32 = tpu.vector_load %arg5[%get3A] {strides = array<i32>} : memref<512xi32, #tpu.memory_space<vmem>>, vector<16xi32>,
      %and3A = arith.constant -8 : i32
      %and3A_33 = vector.broadcast %and3A : i32 to vector<16xi32>
      %and3A_34 = arith.andi %get3A_32, %and3A_33 : vector<16xi32>
      %and3A_35 = arith.constant 7 : i32
      %and3A_36 = vector.broadcast %and3A_35 : i32 to vector<16xi32>
      %and3A_37 = arith.andi %get3A_32, %and3A_36 : vector<16xi32>
      %eq3A = arith.constant 0 : i32
      %eq3A_38 = vector.broadcast %eq3A : i32 to vector<16xi32>
      %eq3A_39 = arith.cmpi eq, %iota3A, %eq3A_38 : vector<16xi32>
      %jit3A = arith.constant 0 : i32
      %broadcast_in_dim3A = vector.broadcast %jit3A : i32 to vector<16xi32>
      %select_n3A = arith.select %eq3A_39, %and3A_34, %broadcast_in_dim3A : vector<16xi1>, vector<16xi32>
      %reduce_sum3A = arith.constant true
      %reduce_sum3A_40 = vector.broadcast %reduce_sum3A : i1 to vector<16xi1>
      %reduce_sum3A_41 = tpu.scan <sum>, %select_n3A masked %reduce_sum3A_40 : vector<16xi32>, vector<16xi1> -> vector<16xi32>
      %reduce_sum3A_42 = vector.extract %reduce_sum3A_41[15] : i32 from vector<16xi32>
      %multiple_of3A = tpu.assume_multiple %reduce_sum3A_42, 8 : i32
      %dma_start3A_43 = arith.constant 0 : i32
      %dma_start3A_44 = arith.constant 0 : i32
      %dma_start3A_45 = arith.constant 0 : i32
      %dma_start3A_46 = tpu.memref_slice %arg6[%dma_start3A_43, %dma_start3A_44, %dma_start3A_45] : memref<8x8x128xf32, #tpu.memory_space<vmem>> -> memref<8x8x8xf32, #tpu.memory_space<vmem>>
      %dma_start3A_47 = arith.constant 0 : i32
      %dma_start3A_48 = arith.constant 0 : i32
      %dma_start3A_49 = tpu.memref_slice %arg3[%dma_start3A_47, %dma_start3A_48, %multiple_of3A] : memref<8x8x1000000xf32, #tpu.memory_space<hbm>> -> memref<8x8x8xf32, #tpu.memory_space<hbm>>
      %dma_start3A_50 = arith.constant 0 : i32
      %dma_start3A_51 = arith.constant 0 : i32
      %dma_start3A_52 = arith.constant 0 : i32
      %dma_start3A_53 = tpu.memref_slice %arg6[%dma_start3A_50, %dma_start3A_51, %dma_start3A_52] : memref<8x8x128xf32, #tpu.memory_space<vmem>> -> memref<8x8x8xf32, #tpu.memory_space<vmem>>
      %dma_start3A_54 = arith.constant 0 : i32
      %dma_start3A_55 = arith.constant 0 : i32
      %dma_start3A_56 = tpu.memref_slice %arg3[%dma_start3A_54, %dma_start3A_55, %multiple_of3A] : memref<8x8x1000000xf32, #tpu.memory_space<hbm>> -> memref<8x8x8xf32, #tpu.memory_space<hbm>>
      tpu.enqueue_dma source(%dma_start3A_56 : memref<8x8x8xf32, #tpu.memory_space<hbm>>) target(%dma_start3A_53 : memref<8x8x8xf32, #tpu.memory_space<vmem>>) target_semaphore(%arg9 : memref<!tpu.dma_semaphore, #tpu.memory_space<semaphore_mem>>)
      %eq3A_57 = arith.constant 1 : i32
      %eq3A_58 = vector.broadcast %eq3A_57 : i32 to vector<16xi32>
      %eq3A_59 = arith.cmpi eq, %iota3A, %eq3A_58 : vector<16xi32>
      %jit3A_60 = arith.constant 0 : i32
      %broadcast_in_dim3A_61 = vector.broadcast %jit3A_60 : i32 to vector<16xi32>
      %select_n3A_62 = arith.select %eq3A_59, %and3A_34, %broadcast_in_dim3A_61 : vector<16xi1>, vector<16xi32>
      %reduce_sum3A_63 = arith.constant true
      %reduce_sum3A_64 = vector.broadcast %reduce_sum3A_63 : i1 to vector<16xi1>
      %reduce_sum3A_65 = tpu.scan <sum>, %select_n3A_62 masked %reduce_sum3A_64 : vector<16xi32>, vector<16xi1> -> vector<16xi32>
      %reduce_sum3A_66 = vector.extract %reduce_sum3A_65[15] : i32 from vector<16xi32>
      %multiple_of3A_67 = tpu.assume_multiple %reduce_sum3A_66, 8 : i32
      %dma_start3A_68 = arith.constant 0 : i32
      %dma_start3A_69 = arith.constant 0 : i32
      %dma_start3A_70 = arith.constant 8 : i32
      %dma_start3A_71 = tpu.memref_slice %arg6[%dma_start3A_68, %dma_start3A_69, %dma_start3A_70] : memref<8x8x128xf32, #tpu.memory_space<vmem>> -> memref<8x8x8xf32, #tpu.memory_space<vmem>>
      %dma_start3A_72 = arith.constant 0 : i32
      %dma_start3A_73 = arith.constant 0 : i32
      %dma_start3A_74 = tpu.memref_slice %arg3[%dma_start3A_72, %dma_start3A_73, %multiple_of3A_67] : memref<8x8x1000000xf32, #tpu.memory_space<hbm>> -> memref<8x8x8xf32, #tpu.memory_space<hbm>>
      %dma_start3A_75 = arith.constant 0 : i32
      %dma_start3A_76 = arith.constant 0 : i32
      %dma_start3A_77 = arith.constant 8 : i32
      %dma_start3A_78 = tpu.memref_slice %arg6[%dma_start3A_75, %dma_start3A_76, %dma_start3A_77] : memref<8x8x128xf32, #tpu.memory_space<vmem>> -> memref<8x8x8xf32, #tpu.memory_space<vmem>>
      %dma_start3A_79 = arith.constant 0 : i32
      %dma_start3A_80 = arith.constant 0 : i32
      %dma_start3A_81 = tpu.memref_slice %arg3[%dma_start3A_79, %dma_start3A_80, %multiple_of3A_67] : memref<8x8x1000000xf32, #tpu.memory_space<hbm>> -> memref<8x8x8xf32, #tpu.memory_space<hbm>>
      tpu.enqueue_dma source(%dma_start3A_81 : memref<8x8x8xf32, #tpu.memory_space<hbm>>) target(%dma_start3A_78 : memref<8x8x8xf32, #tpu.memory_space<vmem>>) target_semaphore(%arg9 : memref<!tpu.dma_semaphore, #tpu.memory_space<semaphore_mem>>)
      %eq3A_82 = arith.constant 2 : i32
      %eq3A_83 = vector.broadcast %eq3A_82 : i32 to vector<16xi32>
      %eq3A_84 = arith.cmpi eq, %iota3A, %eq3A_83 : vector<16xi32>
      %jit3A_85 = arith.constant 0 : i32
      %broadcast_in_dim3A_86 = vector.broadcast %jit3A_85 : i32 to vector<16xi32>
      %select_n3A_87 = arith.select %eq3A_84, %and3A_34, %broadcast_in_dim3A_86 : vector<16xi1>, vector<16xi32>
      %reduce_sum3A_88 = arith.constant true
      %reduce_sum3A_89 = vector.broadcast %reduce_sum3A_88 : i1 to vector<16xi1>
      %reduce_sum3A_90 = tpu.scan <sum>, %select_n3A_87 masked %reduce_sum3A_89 : vector<16xi32>, vector<16xi1> -> vector<16xi32>
      %reduce_sum3A_91 = vector.extract %reduce_sum3A_90[15] : i32 from vector<16xi32>
      %multiple_of3A_92 = tpu.assume_multiple %reduce_sum3A_91, 8 : i32
      %dma_start3A_93 = arith.constant 0 : i32
      %dma_start3A_94 = arith.constant 0 : i32
      %dma_start3A_95 = arith.constant 16 : i32
      %dma_start3A_96 = tpu.memref_slice %arg6[%dma_start3A_93, %dma_start3A_94, %dma_start3A_95] : memref<8x8x128xf32, #tpu.memory_space<vmem>> -> memref<8x8x8xf32, #tpu.memory_space<vmem>>
      %dma_start3A_97 = arith.constant 0 : i32
      %dma_start3A_98 = arith.constant 0 : i32
      %dma_start3A_99 = tpu.memref_slice %arg3[%dma_start3A_97, %dma_start3A_98, %multiple_of3A_92] : memref<8x8x1000000xf32, #tpu.memory_space<hbm>> -> memref<8x8x8xf32, #tpu.memory_space<hbm>>
      %dma_start3A_100 = arith.constant 0 : i32
      %dma_start3A_101 = arith.constant 0 : i32
      %dma_start3A_102 = arith.constant 16 : i32
      %dma_start3A_103 = tpu.memref_slice %arg6[%dma_start3A_100, %dma_start3A_101, %dma_start3A_102] : memref<8x8x128xf32, #tpu.memory_space<vmem>> -> memref<8x8x8xf32, #tpu.memory_space<vmem>>
      %dma_start3A_104 = arith.constant 0 : i32
      %dma_start3A_105 = arith.constant 0 : i32
      %dma_start3A_106 = tpu.memref_slice %arg3[%dma_start3A_104, %dma_start3A_105, %multiple_of3A_92] : memref<8x8x1000000xf32, #tpu.memory_space<hbm>> -> memref<8x8x8xf32, #tpu.memory_space<hbm>>
      tpu.enqueue_dma source(%dma_start3A_106 : memref<8x8x8xf32, #tpu.memory_space<hbm>>) target(%dma_start3A_103 : memref<8x8x8xf32, #tpu.memory_space<vmem>>) target_semaphore(%arg9 : memref<!tpu.dma_semaphore, #tpu.memory_space<semaphore_mem>>)
      %eq3A_107 = arith.constant 3 : i32
      %eq3A_108 = vector.broadcast %eq3A_107 : i32 to vector<16xi32>
      %eq3A_109 = arith.cmpi eq, %iota3A, %eq3A_108 : vector<16xi32>
      %jit3A_110 = arith.constant 0 : i32
      %broadcast_in_dim3A_111 = vector.broadcast %jit3A_110 : i32 to vector<16xi32>
      %select_n3A_112 = arith.select %eq3A_109, %and3A_34, %broadcast_in_dim3A_111 : vector<16xi1>, vector<16xi32>
      %reduce_sum3A_113 = arith.constant true
      %reduce_sum3A_114 = vector.broadcast %reduce_sum3A_113 : i1 to vector<16xi1>
      %reduce_sum3A_115 = tpu.scan <sum>, %select_n3A_112 masked %reduce_sum3A_114 : vector<16xi32>, vector<16xi1> -> vector<16xi32>
      %reduce_sum3A_116 = vector.extract %reduce_sum3A_115[15] : i32 from vector<16xi32>
      %multiple_of3A_117 = tpu.assume_multiple %reduce_sum3A_116, 8 : i32
      %dma_start3A_118 = arith.constant 0 : i32
      %dma_start3A_119 = arith.constant 0 : i32
      %dma_start3A_120 = arith.constant 24 : i32
      %dma_start3A_121 = tpu.memref_slice %arg6[%dma_start3A_118, %dma_start3A_119, %dma_start3A_120] : memref<8x8x128xf32, #tpu.memory_space<vmem>> -> memref<8x8x8xf32, #tpu.memory_space<vmem>>
      %dma_start3A_122 = arith.constant 0 : i32
      %dma_start3A_123 = arith.constant 0 : i32
      %dma_start3A_124 = tpu.memref_slice %arg3[%dma_start3A_122, %dma_start3A_123, %multiple_of3A_117] : memref<8x8x1000000xf32, #tpu.memory_space<hbm>> -> memref<8x8x8xf32, #tpu.memory_space<hbm>>
      %dma_start3A_125 = arith.constant 0 : i32
      %dma_start3A_126 = arith.constant 0 : i32
      %dma_start3A_127 = arith.constant 24 : i32
      %dma_start3A_128 = tpu.memref_slice %arg6[%dma_start3A_125, %dma_start3A_126, %dma_start3A_127] : memref<8x8x128xf32, #tpu.memory_space<vmem>> -> memref<8x8x8xf32, #tpu.memory_space<vmem>>
      %dma_start3A_129 = arith.constant 0 : i32
      %dma_start3A_130 = arith.constant 0 : i32
      %dma_start3A_131 = tpu.memref_slice %arg3[%dma_start3A_129, %dma_start3A_130, %multiple_of3A_117] : memref<8x8x1000000xf32, #tpu.memory_space<hbm>> -> memref<8x8x8xf32, #tpu.memory_space<hbm>>
      tpu.enqueue_dma source(%dma_start3A_131 : memref<8x8x8xf32, #tpu.memory_space<hbm>>) target(%dma_start3A_128 : memref<8x8x8xf32, #tpu.memory_space<vmem>>) target_semaphore(%arg9 : memref<!tpu.dma_semaphore, #tpu.memory_space<semaphore_mem>>)
      %eq3A_132 = arith.constant 4 : i32
      %eq3A_133 = vector.broadcast %eq3A_132 : i32 to vector<16xi32>
      %eq3A_134 = arith.cmpi eq, %iota3A, %eq3A_133 : vector<16xi32>
      %jit3A_135 = arith.constant 0 : i32
      %broadcast_in_dim3A_136 = vector.broadcast %jit3A_135 : i32 to vector<16xi32>
      %select_n3A_137 = arith.select %eq3A_134, %and3A_34, %broadcast_in_dim3A_136 : vector<16xi1>, vector<16xi32>
      %reduce_sum3A_138 = arith.constant true
      %reduce_sum3A_139 = vector.broadcast %reduce_sum3A_138 : i1 to vector<16xi1>
      %reduce_sum3A_140 = tpu.scan <sum>, %select_n3A_137 masked %reduce_sum3A_139 : vector<16xi32>, vector<16xi1> -> vector<16xi32>
      %reduce_sum3A_141 = vector.extract %reduce_sum3A_140[15] : i32 from vector<16xi32>
      %multiple_of3A_142 = tpu.assume_multiple %reduce_sum3A_141, 8 : i32
      %dma_start3A_143 = arith.constant 0 : i32
      %dma_start3A_144 = arith.constant 0 : i32
      %dma_start3A_145 = arith.constant 32 : i32
      %dma_start3A_146 = tpu.memref_slice %arg6[%dma_start3A_143, %dma_start3A_144, %dma_start3A_145] : memref<8x8x128xf32, #tpu.memory_space<vmem>> -> memref<8x8x8xf32, #tpu.memory_space<vmem>>
      %dma_start3A_147 = arith.constant 0 : i32
      %dma_start3A_148 = arith.constant 0 : i32
      %dma_start3A_149 = tpu.memref_slice %arg3[%dma_start3A_147, %dma_start3A_148, %multiple_of3A_142] : memref<8x8x1000000xf32, #tpu.memory_space<hbm>> -> memref<8x8x8xf32, #tpu.memory_space<hbm>>
      %dma_start3A_150 = arith.constant 0 : i32
      %dma_start3A_151 = arith.constant 0 : i32
      %dma_start3A_152 = arith.constant 32 : i32
      %dma_start3A_153 = tpu.memref_slice %arg6[%dma_start3A_150, %dma_start3A_151, %dma_start3A_152] : memref<8x8x128xf32, #tpu.memory_space<vmem>> -> memref<8x8x8xf32, #tpu.memory_space<vmem>>
      %dma_start3A_154 = arith.constant 0 : i32
      %dma_start3A_155 = arith.constant 0 : i32
      %dma_start3A_156 = tpu.memref_slice %arg3[%dma_start3A_154, %dma_start3A_155, %multiple_of3A_142] : memref<8x8x1000000xf32, #tpu.memory_space<hbm>> -> memref<8x8x8xf32, #tpu.memory_space<hbm>>
      tpu.enqueue_dma source(%dma_start3A_156 : memref<8x8x8xf32, #tpu.memory_space<hbm>>) target(%dma_start3A_153 : memref<8x8x8xf32, #tpu.memory_space<vmem>>) target_semaphore(%arg9 : memref<!tpu.dma_semaphore, #tpu.memory_space<semaphore_mem>>)
      %eq3A_157 = arith.constant 5 : i32
      %eq3A_158 = vector.broadcast %eq3A_157 : i32 to vector<16xi32>
      %eq3A_159 = arith.cmpi eq, %iota3A, %eq3A_158 : vector<16xi32>
      %jit3A_160 = arith.constant 0 : i32
      %broadcast_in_dim3A_161 = vector.broadcast %jit3A_160 : i32 to vector<16xi32>
      %select_n3A_162 = arith.select %eq3A_159, %and3A_34, %broadcast_in_dim3A_161 : vector<16xi1>, vector<16xi32>
      %reduce_sum3A_163 = arith.constant true
      %reduce_sum3A_164 = vector.broadcast %reduce_sum3A_163 : i1 to vector<16xi1>
      %reduce_sum3A_165 = tpu.scan <sum>, %select_n3A_162 masked %reduce_sum3A_164 : vector<16xi32>, vector<16xi1> -> vector<16xi32>
      %reduce_sum3A_166 = vector.extract %reduce_sum3A_165[15] : i32 from vector<16xi32>
      %multiple_of3A_167 = tpu.assume_multiple %reduce_sum3A_166, 8 : i32
      %dma_start3A_168 = arith.constant 0 : i32
      %dma_start3A_169 = arith.constant 0 : i32
      %dma_start3A_170 = arith.constant 40 : i32
      %dma_start3A_171 = tpu.memref_slice %arg6[%dma_start3A_168, %dma_start3A_169, %dma_start3A_170] : memref<8x8x128xf32, #tpu.memory_space<vmem>> -> memref<8x8x8xf32, #tpu.memory_space<vmem>>
      %dma_start3A_172 = arith.constant 0 : i32
      %dma_start3A_173 = arith.constant 0 : i32
      %dma_start3A_174 = tpu.memref_slice %arg3[%dma_start3A_172, %dma_start3A_173, %multiple_of3A_167] : memref<8x8x1000000xf32, #tpu.memory_space<hbm>> -> memref<8x8x8xf32, #tpu.memory_space<hbm>>
      %dma_start3A_175 = arith.constant 0 : i32
      %dma_start3A_176 = arith.constant 0 : i32
      %dma_start3A_177 = arith.constant 40 : i32
      %dma_start3A_178 = tpu.memref_slice %arg6[%dma_start3A_175, %dma_start3A_176, %dma_start3A_177] : memref<8x8x128xf32, #tpu.memory_space<vmem>> -> memref<8x8x8xf32, #tpu.memory_space<vmem>>
      %dma_start3A_179 = arith.constant 0 : i32
      %dma_start3A_180 = arith.constant 0 : i32
      %dma_start3A_181 = tpu.memref_slice %arg3[%dma_start3A_179, %dma_start3A_180, %multiple_of3A_167] : memref<8x8x1000000xf32, #tpu.memory_space<hbm>> -> memref<8x8x8xf32, #tpu.memory_space<hbm>>
      tpu.enqueue_dma source(%dma_start3A_181 : memref<8x8x8xf32, #tpu.memory_space<hbm>>) target(%dma_start3A_178 : memref<8x8x8xf32, #tpu.memory_space<vmem>>) target_semaphore(%arg9 : memref<!tpu.dma_semaphore, #tpu.memory_space<semaphore_mem>>)
      %eq3A_182 = arith.constant 6 : i32
      %eq3A_183 = vector.broadcast %eq3A_182 : i32 to vector<16xi32>
      %eq3A_184 = arith.cmpi eq, %iota3A, %eq3A_183 : vector<16xi32>
      %jit3A_185 = arith.constant 0 : i32
      %broadcast_in_dim3A_186 = vector.broadcast %jit3A_185 : i32 to vector<16xi32>
      %select_n3A_187 = arith.select %eq3A_184, %and3A_34, %broadcast_in_dim3A_186 : vector<16xi1>, vector<16xi32>
      %reduce_sum3A_188 = arith.constant true
      %reduce_sum3A_189 = vector.broadcast %reduce_sum3A_188 : i1 to vector<16xi1>
      %reduce_sum3A_190 = tpu.scan <sum>, %select_n3A_187 masked %reduce_sum3A_189 : vector<16xi32>, vector<16xi1> -> vector<16xi32>
      %reduce_sum3A_191 = vector.extract %reduce_sum3A_190[15] : i32 from vector<16xi32>
      %multiple_of3A_192 = tpu.assume_multiple %reduce_sum3A_191, 8 : i32
      %dma_start3A_193 = arith.constant 0 : i32
      %dma_start3A_194 = arith.constant 0 : i32
      %dma_start3A_195 = arith.constant 48 : i32
      %dma_start3A_196 = tpu.memref_slice %arg6[%dma_start3A_193, %dma_start3A_194, %dma_start3A_195] : memref<8x8x128xf32, #tpu.memory_space<vmem>> -> memref<8x8x8xf32, #tpu.memory_space<vmem>>
      %dma_start3A_197 = arith.constant 0 : i32
      %dma_start3A_198 = arith.constant 0 : i32
      %dma_start3A_199 = tpu.memref_slice %arg3[%dma_start3A_197, %dma_start3A_198, %multiple_of3A_192] : memref<8x8x1000000xf32, #tpu.memory_space<hbm>> -> memref<8x8x8xf32, #tpu.memory_space<hbm>>
      %dma_start3A_200 = arith.constant 0 : i32
      %dma_start3A_201 = arith.constant 0 : i32
      %dma_start3A_202 = arith.constant 48 : i32
      %dma_start3A_203 = tpu.memref_slice %arg6[%dma_start3A_200, %dma_start3A_201, %dma_start3A_202] : memref<8x8x128xf32, #tpu.memory_space<vmem>> -> memref<8x8x8xf32, #tpu.memory_space<vmem>>
      %dma_start3A_204 = arith.constant 0 : i32
      %dma_start3A_205 = arith.constant 0 : i32
      %dma_start3A_206 = tpu.memref_slice %arg3[%dma_start3A_204, %dma_start3A_205, %multiple_of3A_192] : memref<8x8x1000000xf32, #tpu.memory_space<hbm>> -> memref<8x8x8xf32, #tpu.memory_space<hbm>>
      tpu.enqueue_dma source(%dma_start3A_206 : memref<8x8x8xf32, #tpu.memory_space<hbm>>) target(%dma_start3A_203 : memref<8x8x8xf32, #tpu.memory_space<vmem>>) target_semaphore(%arg9 : memref<!tpu.dma_semaphore, #tpu.memory_space<semaphore_mem>>)
      %eq3A_207 = arith.constant 7 : i32
      %eq3A_208 = vector.broadcast %eq3A_207 : i32 to vector<16xi32>
      %eq3A_209 = arith.cmpi eq, %iota3A, %eq3A_208 : vector<16xi32>
      %jit3A_210 = arith.constant 0 : i32
      %broadcast_in_dim3A_211 = vector.broadcast %jit3A_210 : i32 to vector<16xi32>
      %select_n3A_212 = arith.select %eq3A_209, %and3A_34, %broadcast_in_dim3A_211 : vector<16xi1>, vector<16xi32>
      %reduce_sum3A_213 = arith.constant true
      %reduce_sum3A_214 = vector.broadcast %reduce_sum3A_213 : i1 to vector<16xi1>
      %reduce_sum3A_215 = tpu.scan <sum>, %select_n3A_212 masked %reduce_sum3A_214 : vector<16xi32>, vector<16xi1> -> vector<16xi32>
      %reduce_sum3A_216 = vector.extract %reduce_sum3A_215[15] : i32 from vector<16xi32>
      %multiple_of3A_217 = tpu.assume_multiple %reduce_sum3A_216, 8 : i32
      %dma_start3A_218 = arith.constant 0 : i32
      %dma_start3A_219 = arith.constant 0 : i32
      %dma_start3A_220 = arith.constant 56 : i32
      %dma_start3A_221 = tpu.memref_slice %arg6[%dma_start3A_218, %dma_start3A_219, %dma_start3A_220] : memref<8x8x128xf32, #tpu.memory_space<vmem>> -> memref<8x8x8xf32, #tpu.memory_space<vmem>>
      %dma_start3A_222 = arith.constant 0 : i32
      %dma_start3A_223 = arith.constant 0 : i32
      %dma_start3A_224 = tpu.memref_slice %arg3[%dma_start3A_222, %dma_start3A_223, %multiple_of3A_217] : memref<8x8x1000000xf32, #tpu.memory_space<hbm>> -> memref<8x8x8xf32, #tpu.memory_space<hbm>>
      %dma_start3A_225 = arith.constant 0 : i32
      %dma_start3A_226 = arith.constant 0 : i32
      %dma_start3A_227 = arith.constant 56 : i32
      %dma_start3A_228 = tpu.memref_slice %arg6[%dma_start3A_225, %dma_start3A_226, %dma_start3A_227] : memref<8x8x128xf32, #tpu.memory_space<vmem>> -> memref<8x8x8xf32, #tpu.memory_space<vmem>>
      %dma_start3A_229 = arith.constant 0 : i32
      %dma_start3A_230 = arith.constant 0 : i32
      %dma_start3A_231 = tpu.memref_slice %arg3[%dma_start3A_229, %dma_start3A_230, %multiple_of3A_217] : memref<8x8x1000000xf32, #tpu.memory_space<hbm>> -> memref<8x8x8xf32, #tpu.memory_space<hbm>>
      tpu.enqueue_dma source(%dma_start3A_231 : memref<8x8x8xf32, #tpu.memory_space<hbm>>) target(%dma_start3A_228 : memref<8x8x8xf32, #tpu.memory_space<vmem>>) target_semaphore(%arg9 : memref<!tpu.dma_semaphore, #tpu.memory_space<semaphore_mem>>)
      %eq3A_232 = arith.constant 8 : i32
      %eq3A_233 = vector.broadcast %eq3A_232 : i32 to vector<16xi32>
      %eq3A_234 = arith.cmpi eq, %iota3A, %eq3A_233 : vector<16xi32>
      %jit3A_235 = arith.constant 0 : i32
      %broadcast_in_dim3A_236 = vector.broadcast %jit3A_235 : i32 to vector<16xi32>
      %select_n3A_237 = arith.select %eq3A_234, %and3A_34, %broadcast_in_dim3A_236 : vector<16xi1>, vector<16xi32>
      %reduce_sum3A_238 = arith.constant true
      %reduce_sum3A_239 = vector.broadcast %reduce_sum3A_238 : i1 to vector<16xi1>
      %reduce_sum3A_240 = tpu.scan <sum>, %select_n3A_237 masked %reduce_sum3A_239 : vector<16xi32>, vector<16xi1> -> vector<16xi32>
      %reduce_sum3A_241 = vector.extract %reduce_sum3A_240[15] : i32 from vector<16xi32>
      %multiple_of3A_242 = tpu.assume_multiple %reduce_sum3A_241, 8 : i32
      %dma_start3A_243 = arith.constant 0 : i32
      %dma_start3A_244 = arith.constant 0 : i32
      %dma_start3A_245 = arith.constant 64 : i32
      %dma_start3A_246 = tpu.memref_slice %arg6[%dma_start3A_243, %dma_start3A_244, %dma_start3A_245] : memref<8x8x128xf32, #tpu.memory_space<vmem>> -> memref<8x8x8xf32, #tpu.memory_space<vmem>>
      %dma_start3A_247 = arith.constant 0 : i32
      %dma_start3A_248 = arith.constant 0 : i32
      %dma_start3A_249 = tpu.memref_slice %arg3[%dma_start3A_247, %dma_start3A_248, %multiple_of3A_242] : memref<8x8x1000000xf32, #tpu.memory_space<hbm>> -> memref<8x8x8xf32, #tpu.memory_space<hbm>>
      %dma_start3A_250 = arith.constant 0 : i32
      %dma_start3A_251 = arith.constant 0 : i32
      %dma_start3A_252 = arith.constant 64 : i32
      %dma_start3A_253 = tpu.memref_slice %arg6[%dma_start3A_250, %dma_start3A_251, %dma_start3A_252] : memref<8x8x128xf32, #tpu.memory_space<vmem>> -> memref<8x8x8xf32, #tpu.memory_space<vmem>>
      %dma_start3A_254 = arith.constant 0 : i32
      %dma_start3A_255 = arith.constant 0 : i32
      %dma_start3A_256 = tpu.memref_slice %arg3[%dma_start3A_254, %dma_start3A_255, %multiple_of3A_242] : memref<8x8x1000000xf32, #tpu.memory_space<hbm>> -> memref<8x8x8xf32, #tpu.memory_space<hbm>>
      tpu.enqueue_dma source(%dma_start3A_256 : memref<8x8x8xf32, #tpu.memory_space<hbm>>) target(%dma_start3A_253 : memref<8x8x8xf32, #tpu.memory_space<vmem>>) target_semaphore(%arg9 : memref<!tpu.dma_semaphore, #tpu.memory_space<semaphore_mem>>)
      %eq3A_257 = arith.constant 9 : i32
      %eq3A_258 = vector.broadcast %eq3A_257 : i32 to vector<16xi32>
      %eq3A_259 = arith.cmpi eq, %iota3A, %eq3A_258 : vector<16xi32>
      %jit3A_260 = arith.constant 0 : i32
      %broadcast_in_dim3A_261 = vector.broadcast %jit3A_260 : i32 to vector<16xi32>
      %select_n3A_262 = arith.select %eq3A_259, %and3A_34, %broadcast_in_dim3A_261 : vector<16xi1>, vector<16xi32>
      %reduce_sum3A_263 = arith.constant true
      %reduce_sum3A_264 = vector.broadcast %reduce_sum3A_263 : i1 to vector<16xi1>
      %reduce_sum3A_265 = tpu.scan <sum>, %select_n3A_262 masked %reduce_sum3A_264 : vector<16xi32>, vector<16xi1> -> vector<16xi32>
      %reduce_sum3A_266 = vector.extract %reduce_sum3A_265[15] : i32 from vector<16xi32>
      %multiple_of3A_267 = tpu.assume_multiple %reduce_sum3A_266, 8 : i32
      %dma_start3A_268 = arith.constant 0 : i32
      %dma_start3A_269 = arith.constant 0 : i32
      %dma_start3A_270 = arith.constant 72 : i32
      %dma_start3A_271 = tpu.memref_slice %arg6[%dma_start3A_268, %dma_start3A_269, %dma_start3A_270] : memref<8x8x128xf32, #tpu.memory_space<vmem>> -> memref<8x8x8xf32, #tpu.memory_space<vmem>>
      %dma_start3A_272 = arith.constant 0 : i32
      %dma_start3A_273 = arith.constant 0 : i32
      %dma_start3A_274 = tpu.memref_slice %arg3[%dma_start3A_272, %dma_start3A_273, %multiple_of3A_267] : memref<8x8x1000000xf32, #tpu.memory_space<hbm>> -> memref<8x8x8xf32, #tpu.memory_space<hbm>>
      %dma_start3A_275 = arith.constant 0 : i32
      %dma_start3A_276 = arith.constant 0 : i32
      %dma_start3A_277 = arith.constant 72 : i32
      %dma_start3A_278 = tpu.memref_slice %arg6[%dma_start3A_275, %dma_start3A_276, %dma_start3A_277] : memref<8x8x128xf32, #tpu.memory_space<vmem>> -> memref<8x8x8xf32, #tpu.memory_space<vmem>>
      %dma_start3A_279 = arith.constant 0 : i32
      %dma_start3A_280 = arith.constant 0 : i32
      %dma_start3A_281 = tpu.memref_slice %arg3[%dma_start3A_279, %dma_start3A_280, %multiple_of3A_267] : memref<8x8x1000000xf32, #tpu.memory_space<hbm>> -> memref<8x8x8xf32, #tpu.memory_space<hbm>>
      tpu.enqueue_dma source(%dma_start3A_281 : memref<8x8x8xf32, #tpu.memory_space<hbm>>) target(%dma_start3A_278 : memref<8x8x8xf32, #tpu.memory_space<vmem>>) target_semaphore(%arg9 : memref<!tpu.dma_semaphore, #tpu.memory_space<semaphore_mem>>)
      %eq3A_282 = arith.constant 10 : i32
      %eq3A_283 = vector.broadcast %eq3A_282 : i32 to vector<16xi32>
      %eq3A_284 = arith.cmpi eq, %iota3A, %eq3A_283 : vector<16xi32>
      %jit3A_285 = arith.constant 0 : i32
      %broadcast_in_dim3A_286 = vector.broadcast %jit3A_285 : i32 to vector<16xi32>
      %select_n3A_287 = arith.select %eq3A_284, %and3A_34, %broadcast_in_dim3A_286 : vector<16xi1>, vector<16xi32>
      %reduce_sum3A_288 = arith.constant true
      %reduce_sum3A_289 = vector.broadcast %reduce_sum3A_288 : i1 to vector<16xi1>
      %reduce_sum3A_290 = tpu.scan <sum>, %select_n3A_287 masked %reduce_sum3A_289 : vector<16xi32>, vector<16xi1> -> vector<16xi32>
      %reduce_sum3A_291 = vector.extract %reduce_sum3A_290[15] : i32 from vector<16xi32>
      %multiple_of3A_292 = tpu.assume_multiple %reduce_sum3A_291, 8 : i32
      %dma_start3A_293 = arith.constant 0 : i32
      %dma_start3A_294 = arith.constant 0 : i32
      %dma_start3A_295 = arith.constant 80 : i32
      %dma_start3A_296 = tpu.memref_slice %arg6[%dma_start3A_293, %dma_start3A_294, %dma_start3A_295] : memref<8x8x128xf32, #tpu.memory_space<vmem>> -> memref<8x8x8xf32, #tpu.memory_space<vmem>>
      %dma_start3A_297 = arith.constant 0 : i32
      %dma_start3A_298 = arith.constant 0 : i32
      %dma_start3A_299 = tpu.memref_slice %arg3[%dma_start3A_297, %dma_start3A_298, %multiple_of3A_292] : memref<8x8x1000000xf32, #tpu.memory_space<hbm>> -> memref<8x8x8xf32, #tpu.memory_space<hbm>>
      %dma_start3A_300 = arith.constant 0 : i32
      %dma_start3A_301 = arith.constant 0 : i32
      %dma_start3A_302 = arith.constant 80 : i32
      %dma_start3A_303 = tpu.memref_slice %arg6[%dma_start3A_300, %dma_start3A_301, %dma_start3A_302] : memref<8x8x128xf32, #tpu.memory_space<vmem>> -> memref<8x8x8xf32, #tpu.memory_space<vmem>>
      %dma_start3A_304 = arith.constant 0 : i32
      %dma_start3A_305 = arith.constant 0 : i32
      %dma_start3A_306 = tpu.memref_slice %arg3[%dma_start3A_304, %dma_start3A_305, %multiple_of3A_292] : memref<8x8x1000000xf32, #tpu.memory_space<hbm>> -> memref<8x8x8xf32, #tpu.memory_space<hbm>>
      tpu.enqueue_dma source(%dma_start3A_306 : memref<8x8x8xf32, #tpu.memory_space<hbm>>) target(%dma_start3A_303 : memref<8x8x8xf32, #tpu.memory_space<vmem>>) target_semaphore(%arg9 : memref<!tpu.dma_semaphore, #tpu.memory_space<semaphore_mem>>)
      %eq3A_307 = arith.constant 11 : i32
      %eq3A_308 = vector.broadcast %eq3A_307 : i32 to vector<16xi32>
      %eq3A_309 = arith.cmpi eq, %iota3A, %eq3A_308 : vector<16xi32>
      %jit3A_310 = arith.constant 0 : i32
      %broadcast_in_dim3A_311 = vector.broadcast %jit3A_310 : i32 to vector<16xi32>
      %select_n3A_312 = arith.select %eq3A_309, %and3A_34, %broadcast_in_dim3A_311 : vector<16xi1>, vector<16xi32>
      %reduce_sum3A_313 = arith.constant true
      %reduce_sum3A_314 = vector.broadcast %reduce_sum3A_313 : i1 to vector<16xi1>
      %reduce_sum3A_315 = tpu.scan <sum>, %select_n3A_312 masked %reduce_sum3A_314 : vector<16xi32>, vector<16xi1> -> vector<16xi32>
      %reduce_sum3A_316 = vector.extract %reduce_sum3A_315[15] : i32 from vector<16xi32>
      %multiple_of3A_317 = tpu.assume_multiple %reduce_sum3A_316, 8 : i32
      %dma_start3A_318 = arith.constant 0 : i32
      %dma_start3A_319 = arith.constant 0 : i32
      %dma_start3A_320 = arith.constant 88 : i32
      %dma_start3A_321 = tpu.memref_slice %arg6[%dma_start3A_318, %dma_start3A_319, %dma_start3A_320] : memref<8x8x128xf32, #tpu.memory_space<vmem>> -> memref<8x8x8xf32, #tpu.memory_space<vmem>>
      %dma_start3A_322 = arith.constant 0 : i32
      %dma_start3A_323 = arith.constant 0 : i32
      %dma_start3A_324 = tpu.memref_slice %arg3[%dma_start3A_322, %dma_start3A_323, %multiple_of3A_317] : memref<8x8x1000000xf32, #tpu.memory_space<hbm>> -> memref<8x8x8xf32, #tpu.memory_space<hbm>>
      %dma_start3A_325 = arith.constant 0 : i32
      %dma_start3A_326 = arith.constant 0 : i32
      %dma_start3A_327 = arith.constant 88 : i32
      %dma_start3A_328 = tpu.memref_slice %arg6[%dma_start3A_325, %dma_start3A_326, %dma_start3A_327] : memref<8x8x128xf32, #tpu.memory_space<vmem>> -> memref<8x8x8xf32, #tpu.memory_space<vmem>>
      %dma_start3A_329 = arith.constant 0 : i32
      %dma_start3A_330 = arith.constant 0 : i32
      %dma_start3A_331 = tpu.memref_slice %arg3[%dma_start3A_329, %dma_start3A_330, %multiple_of3A_317] : memref<8x8x1000000xf32, #tpu.memory_space<hbm>> -> memref<8x8x8xf32, #tpu.memory_space<hbm>>
      tpu.enqueue_dma source(%dma_start3A_331 : memref<8x8x8xf32, #tpu.memory_space<hbm>>) target(%dma_start3A_328 : memref<8x8x8xf32, #tpu.memory_space<vmem>>) target_semaphore(%arg9 : memref<!tpu.dma_semaphore, #tpu.memory_space<semaphore_mem>>)
      %eq3A_332 = arith.constant 12 : i32
      %eq3A_333 = vector.broadcast %eq3A_332 : i32 to vector<16xi32>
      %eq3A_334 = arith.cmpi eq, %iota3A, %eq3A_333 : vector<16xi32>
      %jit3A_335 = arith.constant 0 : i32
      %broadcast_in_dim3A_336 = vector.broadcast %jit3A_335 : i32 to vector<16xi32>
      %select_n3A_337 = arith.select %eq3A_334, %and3A_34, %broadcast_in_dim3A_336 : vector<16xi1>, vector<16xi32>
      %reduce_sum3A_338 = arith.constant true
      %reduce_sum3A_339 = vector.broadcast %reduce_sum3A_338 : i1 to vector<16xi1>
      %reduce_sum3A_340 = tpu.scan <sum>, %select_n3A_337 masked %reduce_sum3A_339 : vector<16xi32>, vector<16xi1> -> vector<16xi32>
      %reduce_sum3A_341 = vector.extract %reduce_sum3A_340[15] : i32 from vector<16xi32>
      %multiple_of3A_342 = tpu.assume_multiple %reduce_sum3A_341, 8 : i32
      %dma_start3A_343 = arith.constant 0 : i32
      %dma_start3A_344 = arith.constant 0 : i32
      %dma_start3A_345 = arith.constant 96 : i32
      %dma_start3A_346 = tpu.memref_slice %arg6[%dma_start3A_343, %dma_start3A_344, %dma_start3A_345] : memref<8x8x128xf32, #tpu.memory_space<vmem>> -> memref<8x8x8xf32, #tpu.memory_space<vmem>>
      %dma_start3A_347 = arith.constant 0 : i32
      %dma_start3A_348 = arith.constant 0 : i32
      %dma_start3A_349 = tpu.memref_slice %arg3[%dma_start3A_347, %dma_start3A_348, %multiple_of3A_342] : memref<8x8x1000000xf32, #tpu.memory_space<hbm>> -> memref<8x8x8xf32, #tpu.memory_space<hbm>>
      %dma_start3A_350 = arith.constant 0 : i32
      %dma_start3A_351 = arith.constant 0 : i32
      %dma_start3A_352 = arith.constant 96 : i32
      %dma_start3A_353 = tpu.memref_slice %arg6[%dma_start3A_350, %dma_start3A_351, %dma_start3A_352] : memref<8x8x128xf32, #tpu.memory_space<vmem>> -> memref<8x8x8xf32, #tpu.memory_space<vmem>>
      %dma_start3A_354 = arith.constant 0 : i32
      %dma_start3A_355 = arith.constant 0 : i32
      %dma_start3A_356 = tpu.memref_slice %arg3[%dma_start3A_354, %dma_start3A_355, %multiple_of3A_342] : memref<8x8x1000000xf32, #tpu.memory_space<hbm>> -> memref<8x8x8xf32, #tpu.memory_space<hbm>>
      tpu.enqueue_dma source(%dma_start3A_356 : memref<8x8x8xf32, #tpu.memory_space<hbm>>) target(%dma_start3A_353 : memref<8x8x8xf32, #tpu.memory_space<vmem>>) target_semaphore(%arg9 : memref<!tpu.dma_semaphore, #tpu.memory_space<semaphore_mem>>)
      %eq3A_357 = arith.constant 13 : i32
      %eq3A_358 = vector.broadcast %eq3A_357 : i32 to vector<16xi32>
      %eq3A_359 = arith.cmpi eq, %iota3A, %eq3A_358 : vector<16xi32>
      %jit3A_360 = arith.constant 0 : i32
      %broadcast_in_dim3A_361 = vector.broadcast %jit3A_360 : i32 to vector<16xi32>
      %select_n3A_362 = arith.select %eq3A_359, %and3A_34, %broadcast_in_dim3A_361 : vector<16xi1>, vector<16xi32>
      %reduce_sum3A_363 = arith.constant true
      %reduce_sum3A_364 = vector.broadcast %reduce_sum3A_363 : i1 to vector<16xi1>
      %reduce_sum3A_365 = tpu.scan <sum>, %select_n3A_362 masked %reduce_sum3A_364 : vector<16xi32>, vector<16xi1> -> vector<16xi32>
      %reduce_sum3A_366 = vector.extract %reduce_sum3A_365[15] : i32 from vector<16xi32>
      %multiple_of3A_367 = tpu.assume_multiple %reduce_sum3A_366, 8 : i32
      %dma_start3A_368 = arith.constant 0 : i32
      %dma_start3A_369 = arith.constant 0 : i32
      %dma_start3A_370 = arith.constant 104 : i32
      %dma_start3A_371 = tpu.memref_slice %arg6[%dma_start3A_368, %dma_start3A_369, %dma_start3A_370] : memref<8x8x128xf32, #tpu.memory_space<vmem>> -> memref<8x8x8xf32, #tpu.memory_space<vmem>>
      %dma_start3A_372 = arith.constant 0 : i32
      %dma_start3A_373 = arith.constant 0 : i32
      %dma_start3A_374 = tpu.memref_slice %arg3[%dma_start3A_372, %dma_start3A_373, %multiple_of3A_367] : memref<8x8x1000000xf32, #tpu.memory_space<hbm>> -> memref<8x8x8xf32, #tpu.memory_space<hbm>>
      %dma_start3A_375 = arith.constant 0 : i32
      %dma_start3A_376 = arith.constant 0 : i32
      %dma_start3A_377 = arith.constant 104 : i32
      %dma_start3A_378 = tpu.memref_slice %arg6[%dma_start3A_375, %dma_start3A_376, %dma_start3A_377] : memref<8x8x128xf32, #tpu.memory_space<vmem>> -> memref<8x8x8xf32, #tpu.memory_space<vmem>>
      %dma_start3A_379 = arith.constant 0 : i32
      %dma_start3A_380 = arith.constant 0 : i32
      %dma_start3A_381 = tpu.memref_slice %arg3[%dma_start3A_379, %dma_start3A_380, %multiple_of3A_367] : memref<8x8x1000000xf32, #tpu.memory_space<hbm>> -> memref<8x8x8xf32, #tpu.memory_space<hbm>>
      tpu.enqueue_dma source(%dma_start3A_381 : memref<8x8x8xf32, #tpu.memory_space<hbm>>) target(%dma_start3A_378 : memref<8x8x8xf32, #tpu.memory_space<vmem>>) target_semaphore(%arg9 : memref<!tpu.dma_semaphore, #tpu.memory_space<semaphore_mem>>)
      %eq3A_382 = arith.constant 14 : i32
      %eq3A_383 = vector.broadcast %eq3A_382 : i32 to vector<16xi32>
      %eq3A_384 = arith.cmpi eq, %iota3A, %eq3A_383 : vector<16xi32>
      %jit3A_385 = arith.constant 0 : i32
      %broadcast_in_dim3A_386 = vector.broadcast %jit3A_385 : i32 to vector<16xi32>
      %select_n3A_387 = arith.select %eq3A_384, %and3A_34, %broadcast_in_dim3A_386 : vector<16xi1>, vector<16xi32>
      %reduce_sum3A_388 = arith.constant true
      %reduce_sum3A_389 = vector.broadcast %reduce_sum3A_388 : i1 to vector<16xi1>
      %reduce_sum3A_390 = tpu.scan <sum>, %select_n3A_387 masked %reduce_sum3A_389 : vector<16xi32>, vector<16xi1> -> vector<16xi32>
      %reduce_sum3A_391 = vector.extract %reduce_sum3A_390[15] : i32 from vector<16xi32>
      %multiple_of3A_392 = tpu.assume_multiple %reduce_sum3A_391, 8 : i32
      %dma_start3A_393 = arith.constant 0 : i32
      %dma_start3A_394 = arith.constant 0 : i32
      %dma_start3A_395 = arith.constant 112 : i32
      %dma_start3A_396 = tpu.memref_slice %arg6[%dma_start3A_393, %dma_start3A_394, %dma_start3A_395] : memref<8x8x128xf32, #tpu.memory_space<vmem>> -> memref<8x8x8xf32, #tpu.memory_space<vmem>>
      %dma_start3A_397 = arith.constant 0 : i32
      %dma_start3A_398 = arith.constant 0 : i32
      %dma_start3A_399 = tpu.memref_slice %arg3[%dma_start3A_397, %dma_start3A_398, %multiple_of3A_392] : memref<8x8x1000000xf32, #tpu.memory_space<hbm>> -> memref<8x8x8xf32, #tpu.memory_space<hbm>>
      %dma_start3A_400 = arith.constant 0 : i32
      %dma_start3A_401 = arith.constant 0 : i32
      %dma_start3A_402 = arith.constant 112 : i32
      %dma_start3A_403 = tpu.memref_slice %arg6[%dma_start3A_400, %dma_start3A_401, %dma_start3A_402] : memref<8x8x128xf32, #tpu.memory_space<vmem>> -> memref<8x8x8xf32, #tpu.memory_space<vmem>>
      %dma_start3A_404 = arith.constant 0 : i32
      %dma_start3A_405 = arith.constant 0 : i32
      %dma_start3A_406 = tpu.memref_slice %arg3[%dma_start3A_404, %dma_start3A_405, %multiple_of3A_392] : memref<8x8x1000000xf32, #tpu.memory_space<hbm>> -> memref<8x8x8xf32, #tpu.memory_space<hbm>>
      tpu.enqueue_dma source(%dma_start3A_406 : memref<8x8x8xf32, #tpu.memory_space<hbm>>) target(%dma_start3A_403 : memref<8x8x8xf32, #tpu.memory_space<vmem>>) target_semaphore(%arg9 : memref<!tpu.dma_semaphore, #tpu.memory_space<semaphore_mem>>)
      %eq3A_407 = arith.constant 15 : i32
      %eq3A_408 = vector.broadcast %eq3A_407 : i32 to vector<16xi32>
      %eq3A_409 = arith.cmpi eq, %iota3A, %eq3A_408 : vector<16xi32>
      %jit3A_410 = arith.constant 0 : i32
      %broadcast_in_dim3A_411 = vector.broadcast %jit3A_410 : i32 to vector<16xi32>
      %select_n3A_412 = arith.select %eq3A_409, %and3A_34, %broadcast_in_dim3A_411 : vector<16xi1>, vector<16xi32>
      %reduce_sum3A_413 = arith.constant true
      %reduce_sum3A_414 = vector.broadcast %reduce_sum3A_413 : i1 to vector<16xi1>
      %reduce_sum3A_415 = tpu.scan <sum>, %select_n3A_412 masked %reduce_sum3A_414 : vector<16xi32>, vector<16xi1> -> vector<16xi32>
      %reduce_sum3A_416 = vector.extract %reduce_sum3A_415[15] : i32 from vector<16xi32>
      %multiple_of3A_417 = tpu.assume_multiple %reduce_sum3A_416, 8 : i32
      %dma_start3A_418 = arith.constant 0 : i32
      %dma_start3A_419 = arith.constant 0 : i32
      %dma_start3A_420 = arith.constant 120 : i32
      %dma_start3A_421 = tpu.memref_slice %arg6[%dma_start3A_418, %dma_start3A_419, %dma_start3A_420] : memref<8x8x128xf32, #tpu.memory_space<vmem>> -> memref<8x8x8xf32, #tpu.memory_space<vmem>>
      %dma_start3A_422 = arith.constant 0 : i32
      %dma_start3A_423 = arith.constant 0 : i32
      %dma_start3A_424 = tpu.memref_slice %arg3[%dma_start3A_422, %dma_start3A_423, %multiple_of3A_417] : memref<8x8x1000000xf32, #tpu.memory_space<hbm>> -> memref<8x8x8xf32, #tpu.memory_space<hbm>>
      %dma_start3A_425 = arith.constant 0 : i32
      %dma_start3A_426 = arith.constant 0 : i32
      %dma_start3A_427 = arith.constant 120 : i32
      %dma_start3A_428 = tpu.memref_slice %arg6[%dma_start3A_425, %dma_start3A_426, %dma_start3A_427] : memref<8x8x128xf32, #tpu.memory_space<vmem>> -> memref<8x8x8xf32, #tpu.memory_space<vmem>>
      %dma_start3A_429 = arith.constant 0 : i32
      %dma_start3A_430 = arith.constant 0 : i32
      %dma_start3A_431 = tpu.memref_slice %arg3[%dma_start3A_429, %dma_start3A_430, %multiple_of3A_417] : memref<8x8x1000000xf32, #tpu.memory_space<hbm>> -> memref<8x8x8xf32, #tpu.memory_space<hbm>>
      tpu.enqueue_dma source(%dma_start3A_431 : memref<8x8x8xf32, #tpu.memory_space<hbm>>) target(%dma_start3A_428 : memref<8x8x8xf32, #tpu.memory_space<vmem>>) target_semaphore(%arg9 : memref<!tpu.dma_semaphore, #tpu.memory_space<semaphore_mem>>)
      %dma_wait3A_432 = arith.constant 0 : i32
      %dma_wait3A_433 = arith.constant 0 : i32
      %dma_wait3A_434 = arith.constant 0 : i32
      %dma_wait3A_435 = tpu.memref_slice %arg7[%dma_wait3A_432, %dma_wait3A_433, %dma_wait3A_434] : memref<8x8x512xf32, #tpu.memory_space<vmem>> -> memref<8x8x128xf32, #tpu.memory_space<vmem>>
      %dma_wait3A_436 = arith.constant 0 : i32
      %dma_wait3A_437 = arith.constant 0 : i32
      %dma_wait3A_438 = arith.constant 0 : i32
      %dma_wait3A_439 = tpu.memref_slice %arg3[%dma_wait3A_436, %dma_wait3A_437, %dma_wait3A_438] : memref<8x8x1000000xf32, #tpu.memory_space<hbm>> -> memref<8x8x128xf32, #tpu.memory_space<hbm>>
      %dma_wait3A_440 = arith.constant 0 : i32
      %dma_wait3A_441 = arith.constant 0 : i32
      %dma_wait3A_442 = arith.constant 0 : i32
      %dma_wait3A_443 = tpu.memref_slice %arg7[%dma_wait3A_440, %dma_wait3A_441, %dma_wait3A_442] : memref<8x8x512xf32, #tpu.memory_space<vmem>> -> memref<8x8x128xf32, #tpu.memory_space<vmem>>
      %dma_wait3A_444 = arith.constant 0 : i32
      %dma_wait3A_445 = arith.constant 0 : i32
      %dma_wait3A_446 = arith.constant 0 : i32
      %dma_wait3A_447 = tpu.memref_slice %arg3[%dma_wait3A_444, %dma_wait3A_445, %dma_wait3A_446] : memref<8x8x1000000xf32, #tpu.memory_space<hbm>> -> memref<8x8x128xf32, #tpu.memory_space<hbm>>
      tpu.wait_dma2 semaphore(%arg9 : memref<!tpu.dma_semaphore, #tpu.memory_space<semaphore_mem>>) src(%dma_wait3A_447 : memref<8x8x128xf32, #tpu.memory_space<hbm>>) dst(%dma_wait3A_443 : memref<8x8x128xf32, #tpu.memory_space<vmem>>)
      %mul3A_448 = arith.constant 16 : i32
      %mul3A_449 = arith.muli %scan3A_29, %mul3A_448 : i32
      %mul3A_450 = arith.constant 8 : i32
      %mul3A_451 = vector.broadcast %mul3A_450 : i32 to vector<16xi32>
      %mul3A_452 = arith.muli %iota3A, %mul3A_451 : vector<16xi32>
      %add3A_453 = arith.addi %mul3A_452, %and3A_37 : vector<16xi32>
      %broadcast_in_dim3A_454 = arith.constant 0 : i32
      %broadcast_in_dim3A_455 = vector.broadcast %broadcast_in_dim3A_454 : i32 to vector<16xi32>
      %broadcast_in_dim3A_456 = arith.constant 0 : i32
      %broadcast_in_dim3A_457 = vector.broadcast %broadcast_in_dim3A_456 : i32 to vector<16xi32>
      %gather3A = tpu.vector_load_idx %arg6[%broadcast_in_dim3A_455, %broadcast_in_dim3A_457, %add3A_453] : memref<8x8x128xf32, #tpu.memory_space<vmem>>[vector<16xi32>, vector<16xi32>, vector<16xi32>], vector<16xf32>,
      %swap3A = arith.constant 0 : i32
      %swap3A_458 = arith.constant 0 : i32
      %swap3A_459 = arith.index_cast %swap3A : i32 to index
      %swap3A_460 = arith.index_cast %swap3A_458 : i32 to index
      %swap3A_461 = arith.index_cast %mul3A_449 : i32 to index
      %swap3A_462 = tpu.vector_load %arg7[%swap3A_459, %swap3A_460, %swap3A_461] {strides = array<i32>} : memref<8x8x512xf32, #tpu.memory_space<vmem>>, vector<16xf32>,
      tpu.vector_store %arg7[%swap3A_459, %swap3A_460, %swap3A_461], %gather3A {strides = array<i32>} : memref<8x8x512xf32, #tpu.memory_space<vmem>>, vector<16xf32>,
      %broadcast_in_dim3A_463 = arith.constant 0 : i32
      %broadcast_in_dim3A_464 = vector.broadcast %broadcast_in_dim3A_463 : i32 to vector<16xi32>
      %broadcast_in_dim3A_465 = arith.constant 1 : i32
      %broadcast_in_dim3A_466 = vector.broadcast %broadcast_in_dim3A_465 : i32 to vector<16xi32>
      %gather3A_467 = tpu.vector_load_idx %arg6[%broadcast_in_dim3A_464, %broadcast_in_dim3A_466, %add3A_453] : memref<8x8x128xf32, #tpu.memory_space<vmem>>[vector<16xi32>, vector<16xi32>, vector<16xi32>], vector<16xf32>,
      %swap3A_468 = arith.constant 0 : i32
      %swap3A_469 = arith.constant 1 : i32
      %swap3A_470 = arith.index_cast %swap3A_468 : i32 to index
      %swap3A_471 = arith.index_cast %swap3A_469 : i32 to index
      %swap3A_472 = arith.index_cast %mul3A_449 : i32 to index
      %swap3A_473 = tpu.vector_load %arg7[%swap3A_470, %swap3A_471, %swap3A_472] {strides = array<i32>} : memref<8x8x512xf32, #tpu.memory_space<vmem>>, vector<16xf32>,
      tpu.vector_store %arg7[%swap3A_470, %swap3A_471, %swap3A_472], %gather3A_467 {strides = array<i32>} : memref<8x8x512xf32, #tpu.memory_space<vmem>>, vector<16xf32>,
      %broadcast_in_dim3A_474 = arith.constant 0 : i32
      %broadcast_in_dim3A_475 = vector.broadcast %broadcast_in_dim3A_474 : i32 to vector<16xi32>
      %broadcast_in_dim3A_476 = arith.constant 2 : i32
      %broadcast_in_dim3A_477 = vector.broadcast %broadcast_in_dim3A_476 : i32 to vector<16xi32>
      %gather3A_478 = tpu.vector_load_idx %arg6[%broadcast_in_dim3A_475, %broadcast_in_dim3A_477, %add3A_453] : memref<8x8x128xf32, #tpu.memory_space<vmem>>[vector<16xi32>, vector<16xi32>, vector<16xi32>], vector<16xf32>,
      %swap3A_479 = arith.constant 0 : i32
      %swap3A_480 = arith.constant 2 : i32
      %swap3A_481 = arith.index_cast %swap3A_479 : i32 to index
      %swap3A_482 = arith.index_cast %swap3A_480 : i32 to index
      %swap3A_483 = arith.index_cast %mul3A_449 : i32 to index
      %swap3A_484 = tpu.vector_load %arg7[%swap3A_481, %swap3A_482, %swap3A_483] {strides = array<i32>} : memref<8x8x512xf32, #tpu.memory_space<vmem>>, vector<16xf32>,
      tpu.vector_store %arg7[%swap3A_481, %swap3A_482, %swap3A_483], %gather3A_478 {strides = array<i32>} : memref<8x8x512xf32, #tpu.memory_space<vmem>>, vector<16xf32>,
      %broadcast_in_dim3A_485 = arith.constant 0 : i32
      %broadcast_in_dim3A_486 = vector.broadcast %broadcast_in_dim3A_485 : i32 to vector<16xi32>
      %broadcast_in_dim3A_487 = arith.constant 3 : i32
      %broadcast_in_dim3A_488 = vector.broadcast %broadcast_in_dim3A_487 : i32 to vector<16xi32>
      %gather3A_489 = tpu.vector_load_idx %arg6[%broadcast_in_dim3A_486, %broadcast_in_dim3A_488, %add3A_453] : memref<8x8x128xf32, #tpu.memory_space<vmem>>[vector<16xi32>, vector<16xi32>, vector<16xi32>], vector<16xf32>,
      %swap3A_490 = arith.constant 0 : i32
      %swap3A_491 = arith.constant 3 : i32
      %swap3A_492 = arith.index_cast %swap3A_490 : i32 to index
      %swap3A_493 = arith.index_cast %swap3A_491 : i32 to index
      %swap3A_494 = arith.index_cast %mul3A_449 : i32 to index
      %swap3A_495 = tpu.vector_load %arg7[%swap3A_492, %swap3A_493, %swap3A_494] {strides = array<i32>} : memref<8x8x512xf32, #tpu.memory_space<vmem>>, vector<16xf32>,
      tpu.vector_store %arg7[%swap3A_492, %swap3A_493, %swap3A_494], %gather3A_489 {strides = array<i32>} : memref<8x8x512xf32, #tpu.memory_space<vmem>>, vector<16xf32>,
      %broadcast_in_dim3A_496 = arith.constant 0 : i32
      %broadcast_in_dim3A_497 = vector.broadcast %broadcast_in_dim3A_496 : i32 to vector<16xi32>
      %broadcast_in_dim3A_498 = arith.constant 4 : i32
      %broadcast_in_dim3A_499 = vector.broadcast %broadcast_in_dim3A_498 : i32 to vector<16xi32>
      %gather3A_500 = tpu.vector_load_idx %arg6[%broadcast_in_dim3A_497, %broadcast_in_dim3A_499, %add3A_453] : memref<8x8x128xf32, #tpu.memory_space<vmem>>[vector<16xi32>, vector<16xi32>, vector<16xi32>], vector<16xf32>,
      %swap3A_501 = arith.constant 0 : i32
      %swap3A_502 = arith.constant 4 : i32
      %swap3A_503 = arith.index_cast %swap3A_501 : i32 to index
      %swap3A_504 = arith.index_cast %swap3A_502 : i32 to index
      %swap3A_505 = arith.index_cast %mul3A_449 : i32 to index
      %swap3A_506 = tpu.vector_load %arg7[%swap3A_503, %swap3A_504, %swap3A_505] {strides = array<i32>} : memref<8x8x512xf32, #tpu.memory_space<vmem>>, vector<16xf32>,
      tpu.vector_store %arg7[%swap3A_503, %swap3A_504, %swap3A_505], %gather3A_500 {strides = array<i32>} : memref<8x8x512xf32, #tpu.memory_space<vmem>>, vector<16xf32>,
      %broadcast_in_dim3A_507 = arith.constant 0 : i32
      %broadcast_in_dim3A_508 = vector.broadcast %broadcast_in_dim3A_507 : i32 to vector<16xi32>
      %broadcast_in_dim3A_509 = arith.constant 5 : i32
      %broadcast_in_dim3A_510 = vector.broadcast %broadcast_in_dim3A_509 : i32 to vector<16xi32>
      %gather3A_511 = tpu.vector_load_idx %arg6[%broadcast_in_dim3A_508, %broadcast_in_dim3A_510, %add3A_453] : memref<8x8x128xf32, #tpu.memory_space<vmem>>[vector<16xi32>, vector<16xi32>, vector<16xi32>], vector<16xf32>,
      %swap3A_512 = arith.constant 0 : i32
      %swap3A_513 = arith.constant 5 : i32
      %swap3A_514 = arith.index_cast %swap3A_512 : i32 to index
      %swap3A_515 = arith.index_cast %swap3A_513 : i32 to index
      %swap3A_516 = arith.index_cast %mul3A_449 : i32 to index
      %swap3A_517 = tpu.vector_load %arg7[%swap3A_514, %swap3A_515, %swap3A_516] {strides = array<i32>} : memref<8x8x512xf32, #tpu.memory_space<vmem>>, vector<16xf32>,
      tpu.vector_store %arg7[%swap3A_514, %swap3A_515, %swap3A_516], %gather3A_511 {strides = array<i32>} : memref<8x8x512xf32, #tpu.memory_space<vmem>>, vector<16xf32>,
      %broadcast_in_dim3A_518 = arith.constant 0 : i32
      %broadcast_in_dim3A_519 = vector.broadcast %broadcast_in_dim3A_518 : i32 to vector<16xi32>
      %broadcast_in_dim3A_520 = arith.constant 6 : i32
      %broadcast_in_dim3A_521 = vector.broadcast %broadcast_in_dim3A_520 : i32 to vector<16xi32>
      %gather3A_522 = tpu.vector_load_idx %arg6[%broadcast_in_dim3A_519, %broadcast_in_dim3A_521, %add3A_453] : memref<8x8x128xf32, #tpu.memory_space<vmem>>[vector<16xi32>, vector<16xi32>, vector<16xi32>], vector<16xf32>,
      %swap3A_523 = arith.constant 0 : i32
      %swap3A_524 = arith.constant 6 : i32
      %swap3A_525 = arith.index_cast %swap3A_523 : i32 to index
      %swap3A_526 = arith.index_cast %swap3A_524 : i32 to index
      %swap3A_527 = arith.index_cast %mul3A_449 : i32 to index
      %swap3A_528 = tpu.vector_load %arg7[%swap3A_525, %swap3A_526, %swap3A_527] {strides = array<i32>} : memref<8x8x512xf32, #tpu.memory_space<vmem>>, vector<16xf32>,
      tpu.vector_store %arg7[%swap3A_525, %swap3A_526, %swap3A_527], %gather3A_522 {strides = array<i32>} : memref<8x8x512xf32, #tpu.memory_space<vmem>>, vector<16xf32>,
      %broadcast_in_dim3A_529 = arith.constant 0 : i32
      %broadcast_in_dim3A_530 = vector.broadcast %broadcast_in_dim3A_529 : i32 to vector<16xi32>
      %broadcast_in_dim3A_531 = arith.constant 7 : i32
      %broadcast_in_dim3A_532 = vector.broadcast %broadcast_in_dim3A_531 : i32 to vector<16xi32>
      %gather3A_533 = tpu.vector_load_idx %arg6[%broadcast_in_dim3A_530, %broadcast_in_dim3A_532, %add3A_453] : memref<8x8x128xf32, #tpu.memory_space<vmem>>[vector<16xi32>, vector<16xi32>, vector<16xi32>], vector<16xf32>,
      %swap3A_534 = arith.constant 0 : i32
      %swap3A_535 = arith.constant 7 : i32
      %swap3A_536 = arith.index_cast %swap3A_534 : i32 to index
      %swap3A_537 = arith.index_cast %swap3A_535 : i32 to index
      %swap3A_538 = arith.index_cast %mul3A_449 : i32 to index
      %swap3A_539 = tpu.vector_load %arg7[%swap3A_536, %swap3A_537, %swap3A_538] {strides = array<i32>} : memref<8x8x512xf32, #tpu.memory_space<vmem>>, vector<16xf32>,
      tpu.vector_store %arg7[%swap3A_536, %swap3A_537, %swap3A_538], %gather3A_533 {strides = array<i32>} : memref<8x8x512xf32, #tpu.memory_space<vmem>>, vector<16xf32>,
      %broadcast_in_dim3A_540 = arith.constant 1 : i32
      %broadcast_in_dim3A_541 = vector.broadcast %broadcast_in_dim3A_540 : i32 to vector<16xi32>
      %broadcast_in_dim3A_542 = arith.constant 0 : i32
      %broadcast_in_dim3A_543 = vector.broadcast %broadcast_in_dim3A_542 : i32 to vector<16xi32>
      %gather3A_544 = tpu.vector_load_idx %arg6[%broadcast_in_dim3A_541, %broadcast_in_dim3A_543, %add3A_453] : memref<8x8x128xf32, #tpu.memory_space<vmem>>[vector<16xi32>, vector<16xi32>, vector<16xi32>], vector<16xf32>,
      %swap3A_545 = arith.constant 1 : i32
      %swap3A_546 = arith.constant 0 : i32
      %swap3A_547 = arith.index_cast %swap3A_545 : i32 to index
      %swap3A_548 = arith.index_cast %swap3A_546 : i32 to index
      %swap3A_549 = arith.index_cast %mul3A_449 : i32 to index
      %swap3A_550 = tpu.vector_load %arg7[%swap3A_547, %swap3A_548, %swap3A_549] {strides = array<i32>} : memref<8x8x512xf32, #tpu.memory_space<vmem>>, vector<16xf32>,
      tpu.vector_store %arg7[%swap3A_547, %swap3A_548, %swap3A_549], %gather3A_544 {strides = array<i32>} : memref<8x8x512xf32, #tpu.memory_space<vmem>>, vector<16xf32>,
      %broadcast_in_dim3A_551 = arith.constant 1 : i32
      %broadcast_in_dim3A_552 = vector.broadcast %broadcast_in_dim3A_551 : i32 to vector<16xi32>
      %broadcast_in_dim3A_553 = arith.constant 1 : i32
      %broadcast_in_dim3A_554 = vector.broadcast %broadcast_in_dim3A_553 : i32 to vector<16xi32>
      %gather3A_555 = tpu.vector_load_idx %arg6[%broadcast_in_dim3A_552, %broadcast_in_dim3A_554, %add3A_453] : memref<8x8x128xf32, #tpu.memory_space<vmem>>[vector<16xi32>, vector<16xi32>, vector<16xi32>], vector<16xf32>,
      %swap3A_556 = arith.constant 1 : i32
      %swap3A_557 = arith.constant 1 : i32
      %swap3A_558 = arith.index_cast %swap3A_556 : i32 to index
      %swap3A_559 = arith.index_cast %swap3A_557 : i32 to index
      %swap3A_560 = arith.index_cast %mul3A_449 : i32 to index
      %swap3A_561 = tpu.vector_load %arg7[%swap3A_558, %swap3A_559, %swap3A_560] {strides = array<i32>} : memref<8x8x512xf32, #tpu.memory_space<vmem>>, vector<16xf32>,
      tpu.vector_store %arg7[%swap3A_558, %swap3A_559, %swap3A_560], %gather3A_555 {strides = array<i32>} : memref<8x8x512xf32, #tpu.memory_space<vmem>>, vector<16xf32>,
      %broadcast_in_dim3A_562 = arith.constant 1 : i32
      %broadcast_in_dim3A_563 = vector.broadcast %broadcast_in_dim3A_562 : i32 to vector<16xi32>
      %broadcast_in_dim3A_564 = arith.constant 2 : i32
      %broadcast_in_dim3A_565 = vector.broadcast %broadcast_in_dim3A_564 : i32 to vector<16xi32>
      %gather3A_566 = tpu.vector_load_idx %arg6[%broadcast_in_dim3A_563, %broadcast_in_dim3A_565, %add3A_453] : memref<8x8x128xf32, #tpu.memory_space<vmem>>[vector<16xi32>, vector<16xi32>, vector<16xi32>], vector<16xf32>,
      %swap3A_567 = arith.constant 1 : i32
      %swap3A_568 = arith.constant 2 : i32
      %swap3A_569 = arith.index_cast %swap3A_567 : i32 to index
      %swap3A_570 = arith.index_cast %swap3A_568 : i32 to index
      %swap3A_571 = arith.index_cast %mul3A_449 : i32 to index
      %swap3A_572 = tpu.vector_load %arg7[%swap3A_569, %swap3A_570, %swap3A_571] {strides = array<i32>} : memref<8x8x512xf32, #tpu.memory_space<vmem>>, vector<16xf32>,
      tpu.vector_store %arg7[%swap3A_569, %swap3A_570, %swap3A_571], %gather3A_566 {strides = array<i32>} : memref<8x8x512xf32, #tpu.memory_space<vmem>>, vector<16xf32>,
      %broadcast_in_dim3A_573 = arith.constant 1 : i32
      %broadcast_in_dim3A_574 = vector.broadcast %broadcast_in_dim3A_573 : i32 to vector<16xi32>
      %broadcast_in_dim3A_575 = arith.constant 3 : i32
      %broadcast_in_dim3A_576 = vector.broadcast %broadcast_in_dim3A_575 : i32 to vector<16xi32>
      %gather3A_577 = tpu.vector_load_idx %arg6[%broadcast_in_dim3A_574, %broadcast_in_dim3A_576, %add3A_453] : memref<8x8x128xf32, #tpu.memory_space<vmem>>[vector<16xi32>, vector<16xi32>, vector<16xi32>], vector<16xf32>,
      %swap3A_578 = arith.constant 1 : i32
      %swap3A_579 = arith.constant 3 : i32
      %swap3A_580 = arith.index_cast %swap3A_578 : i32 to index
      %swap3A_581 = arith.index_cast %swap3A_579 : i32 to index
      %swap3A_582 = arith.index_cast %mul3A_449 : i32 to index
      %swap3A_583 = tpu.vector_load %arg7[%swap3A_580, %swap3A_581, %swap3A_582] {strides = array<i32>} : memref<8x8x512xf32, #tpu.memory_space<vmem>>, vector<16xf32>,
      tpu.vector_store %arg7[%swap3A_580, %swap3A_581, %swap3A_582], %gather3A_577 {strides = array<i32>} : memref<8x8x512xf32, #tpu.memory_space<vmem>>, vector<16xf32>,
      %broadcast_in_dim3A_584 = arith.constant 1 : i32
      %broadcast_in_dim3A_585 = vector.broadcast %broadcast_in_dim3A_584 : i32 to vector<16xi32>
      %broadcast_in_dim3A_586 = arith.constant 4 : i32
      %broadcast_in_dim3A_587 = vector.broadcast %broadcast_in_dim3A_586 : i32 to vector<16xi32>
      %gather3A_588 = tpu.vector_load_idx %arg6[%broadcast_in_dim3A_585, %broadcast_in_dim3A_587, %add3A_453] : memref<8x8x128xf32, #tpu.memory_space<vmem>>[vector<16xi32>, vector<16xi32>, vector<16xi32>], vector<16xf32>,
      %swap3A_589 = arith.constant 1 : i32
      %swap3A_590 = arith.constant 4 : i32
      %swap3A_591 = arith.index_cast %swap3A_589 : i32 to index
      %swap3A_592 = arith.index_cast %swap3A_590 : i32 to index
      %swap3A_593 = arith.index_cast %mul3A_449 : i32 to index
      %swap3A_594 = tpu.vector_load %arg7[%swap3A_591, %swap3A_592, %swap3A_593] {strides = array<i32>} : memref<8x8x512xf32, #tpu.memory_space<vmem>>, vector<16xf32>,
      tpu.vector_store %arg7[%swap3A_591, %swap3A_592, %swap3A_593], %gather3A_588 {strides = array<i32>} : memref<8x8x512xf32, #tpu.memory_space<vmem>>, vector<16xf32>,
      %broadcast_in_dim3A_595 = arith.constant 1 : i32
      %broadcast_in_dim3A_596 = vector.broadcast %broadcast_in_dim3A_595 : i32 to vector<16xi32>
      %broadcast_in_dim3A_597 = arith.constant 5 : i32
      %broadcast_in_dim3A_598 = vector.broadcast %broadcast_in_dim3A_597 : i32 to vector<16xi32>
      %gather3A_599 = tpu.vector_load_idx %arg6[%broadcast_in_dim3A_596, %broadcast_in_dim3A_598, %add3A_453] : memref<8x8x128xf32, #tpu.memory_space<vmem>>[vector<16xi32>, vector<16xi32>, vector<16xi32>], vector<16xf32>,
      %swap3A_600 = arith.constant 1 : i32
      %swap3A_601 = arith.constant 5 : i32
      %swap3A_602 = arith.index_cast %swap3A_600 : i32 to index
      %swap3A_603 = arith.index_cast %swap3A_601 : i32 to index
      %swap3A_604 = arith.index_cast %mul3A_449 : i32 to index
      %swap3A_605 = tpu.vector_load %arg7[%swap3A_602, %swap3A_603, %swap3A_604] {strides = array<i32>} : memref<8x8x512xf32, #tpu.memory_space<vmem>>, vector<16xf32>,
      tpu.vector_store %arg7[%swap3A_602, %swap3A_603, %swap3A_604], %gather3A_599 {strides = array<i32>} : memref<8x8x512xf32, #tpu.memory_space<vmem>>, vector<16xf32>,
      %broadcast_in_dim3A_606 = arith.constant 1 : i32
      %broadcast_in_dim3A_607 = vector.broadcast %broadcast_in_dim3A_606 : i32 to vector<16xi32>
      %broadcast_in_dim3A_608 = arith.constant 6 : i32
      %broadcast_in_dim3A_609 = vector.broadcast %broadcast_in_dim3A_608 : i32 to vector<16xi32>
      %gather3A_610 = tpu.vector_load_idx %arg6[%broadcast_in_dim3A_607, %broadcast_in_dim3A_609, %add3A_453] : memref<8x8x128xf32, #tpu.memory_space<vmem>>[vector<16xi32>, vector<16xi32>, vector<16xi32>], vector<16xf32>,
      %swap3A_611 = arith.constant 1 : i32
      %swap3A_612 = arith.constant 6 : i32
      %swap3A_613 = arith.index_cast %swap3A_611 : i32 to index
      %swap3A_614 = arith.index_cast %swap3A_612 : i32 to index
      %swap3A_615 = arith.index_cast %mul3A_449 : i32 to index
      %swap3A_616 = tpu.vector_load %arg7[%swap3A_613, %swap3A_614, %swap3A_615] {strides = array<i32>} : memref<8x8x512xf32, #tpu.memory_space<vmem>>, vector<16xf32>,
      tpu.vector_store %arg7[%swap3A_613, %swap3A_614, %swap3A_615], %gather3A_610 {strides = array<i32>} : memref<8x8x512xf32, #tpu.memory_space<vmem>>, vector<16xf32>,
      %broadcast_in_dim3A_617 = arith.constant 1 : i32
      %broadcast_in_dim3A_618 = vector.broadcast %broadcast_in_dim3A_617 : i32 to vector<16xi32>
      %broadcast_in_dim3A_619 = arith.constant 7 : i32
      %broadcast_in_dim3A_620 = vector.broadcast %broadcast_in_dim3A_619 : i32 to vector<16xi32>
      %gather3A_621 = tpu.vector_load_idx %arg6[%broadcast_in_dim3A_618, %broadcast_in_dim3A_620, %add3A_453] : memref<8x8x128xf32, #tpu.memory_space<vmem>>[vector<16xi32>, vector<16xi32>, vector<16xi32>], vector<16xf32>,
      %swap3A_622 = arith.constant 1 : i32
      %swap3A_623 = arith.constant 7 : i32
      %swap3A_624 = arith.index_cast %swap3A_622 : i32 to index
      %swap3A_625 = arith.index_cast %swap3A_623 : i32 to index
      %swap3A_626 = arith.index_cast %mul3A_449 : i32 to index
      %swap3A_627 = tpu.vector_load %arg7[%swap3A_624, %swap3A_625, %swap3A_626] {strides = array<i32>} : memref<8x8x512xf32, #tpu.memory_space<vmem>>, vector<16xf32>,
      tpu.vector_store %arg7[%swap3A_624, %swap3A_625, %swap3A_626], %gather3A_621 {strides = array<i32>} : memref<8x8x512xf32, #tpu.memory_space<vmem>>, vector<16xf32>,
      %broadcast_in_dim3A_628 = arith.constant 2 : i32
      %broadcast_in_dim3A_629 = vector.broadcast %broadcast_in_dim3A_628 : i32 to vector<16xi32>
      %broadcast_in_dim3A_630 = arith.constant 0 : i32
      %broadcast_in_dim3A_631 = vector.broadcast %broadcast_in_dim3A_630 : i32 to vector<16xi32>
      %gather3A_632 = tpu.vector_load_idx %arg6[%broadcast_in_dim3A_629, %broadcast_in_dim3A_631, %add3A_453] : memref<8x8x128xf32, #tpu.memory_space<vmem>>[vector<16xi32>, vector<16xi32>, vector<16xi32>], vector<16xf32>,
      %swap3A_633 = arith.constant 2 : i32
      %swap3A_634 = arith.constant 0 : i32
      %swap3A_635 = arith.index_cast %swap3A_633 : i32 to index
      %swap3A_636 = arith.index_cast %swap3A_634 : i32 to index
      %swap3A_637 = arith.index_cast %mul3A_449 : i32 to index
      %swap3A_638 = tpu.vector_load %arg7[%swap3A_635, %swap3A_636, %swap3A_637] {strides = array<i32>} : memref<8x8x512xf32, #tpu.memory_space<vmem>>, vector<16xf32>,
      tpu.vector_store %arg7[%swap3A_635, %swap3A_636, %swap3A_637], %gather3A_632 {strides = array<i32>} : memref<8x8x512xf32, #tpu.memory_space<vmem>>, vector<16xf32>,
      %broadcast_in_dim3A_639 = arith.constant 2 : i32
      %broadcast_in_dim3A_640 = vector.broadcast %broadcast_in_dim3A_639 : i32 to vector<16xi32>
      %broadcast_in_dim3A_641 = arith.constant 1 : i32
      %broadcast_in_dim3A_642 = vector.broadcast %broadcast_in_dim3A_641 : i32 to vector<16xi32>
      %gather3A_643 = tpu.vector_load_idx %arg6[%broadcast_in_dim3A_640, %broadcast_in_dim3A_642, %add3A_453] : memref<8x8x128xf32, #tpu.memory_space<vmem>>[vector<16xi32>, vector<16xi32>, vector<16xi32>], vector<16xf32>,
      %swap3A_644 = arith.constant 2 : i32
      %swap3A_645 = arith.constant 1 : i32
      %swap3A_646 = arith.index_cast %swap3A_644 : i32 to index
      %swap3A_647 = arith.index_cast %swap3A_645 : i32 to index
      %swap3A_648 = arith.index_cast %mul3A_449 : i32 to index
      %swap3A_649 = tpu.vector_load %arg7[%swap3A_646, %swap3A_647, %swap3A_648] {strides = array<i32>} : memref<8x8x512xf32, #tpu.memory_space<vmem>>, vector<16xf32>,
      tpu.vector_store %arg7[%swap3A_646, %swap3A_647, %swap3A_648], %gather3A_643 {strides = array<i32>} : memref<8x8x512xf32, #tpu.memory_space<vmem>>, vector<16xf32>,
      %broadcast_in_dim3A_650 = arith.constant 2 : i32
      %broadcast_in_dim3A_651 = vector.broadcast %broadcast_in_dim3A_650 : i32 to vector<16xi32>
      %broadcast_in_dim3A_652 = arith.constant 2 : i32
      %broadcast_in_dim3A_653 = vector.broadcast %broadcast_in_dim3A_652 : i32 to vector<16xi32>
      %gather3A_654 = tpu.vector_load_idx %arg6[%broadcast_in_dim3A_651, %broadcast_in_dim3A_653, %add3A_453] : memref<8x8x128xf32, #tpu.memory_space<vmem>>[vector<16xi32>, vector<16xi32>, vector<16xi32>], vector<16xf32>,
      %swap3A_655 = arith.constant 2 : i32
      %swap3A_656 = arith.constant 2 : i32
      %swap3A_657 = arith.index_cast %swap3A_655 : i32 to index
      %swap3A_658 = arith.index_cast %swap3A_656 : i32 to index
      %swap3A_659 = arith.index_cast %mul3A_449 : i32 to index
      %swap3A_660 = tpu.vector_load %arg7[%swap3A_657, %swap3A_658, %swap3A_659] {strides = array<i32>} : memref<8x8x512xf32, #tpu.memory_space<vmem>>, vector<16xf32>,
      tpu.vector_store %arg7[%swap3A_657, %swap3A_658, %swap3A_659], %gather3A_654 {strides = array<i32>} : memref<8x8x512xf32, #tpu.memory_space<vmem>>, vector<16xf32>,
      %broadcast_in_dim3A_661 = arith.constant 2 : i32
      %broadcast_in_dim3A_662 = vector.broadcast %broadcast_in_dim3A_661 : i32 to vector<16xi32>
      %broadcast_in_dim3A_663 = arith.constant 3 : i32
      %broadcast_in_dim3A_664 = vector.broadcast %broadcast_in_dim3A_663 : i32 to vector<16xi32>
      %gather3A_665 = tpu.vector_load_idx %arg6[%broadcast_in_dim3A_662, %broadcast_in_dim3A_664, %add3A_453] : memref<8x8x128xf32, #tpu.memory_space<vmem>>[vector<16xi32>, vector<16xi32>, vector<16xi32>], vector<16xf32>,
      %swap3A_666 = arith.constant 2 : i32
      %swap3A_667 = arith.constant 3 : i32
      %swap3A_668 = arith.index_cast %swap3A_666 : i32 to index
      %swap3A_669 = arith.index_cast %swap3A_667 : i32 to index
      %swap3A_670 = arith.index_cast %mul3A_449 : i32 to index
      %swap3A_671 = tpu.vector_load %arg7[%swap3A_668, %swap3A_669, %swap3A_670] {strides = array<i32>} : memref<8x8x512xf32, #tpu.memory_space<vmem>>, vector<16xf32>,
      tpu.vector_store %arg7[%swap3A_668, %swap3A_669, %swap3A_670], %gather3A_665 {strides = array<i32>} : memref<8x8x512xf32, #tpu.memory_space<vmem>>, vector<16xf32>,
      %broadcast_in_dim3A_672 = arith.constant 2 : i32
      %broadcast_in_dim3A_673 = vector.broadcast %broadcast_in_dim3A_672 : i32 to vector<16xi32>
      %broadcast_in_dim3A_674 = arith.constant 4 : i32
      %broadcast_in_dim3A_675 = vector.broadcast %broadcast_in_dim3A_674 : i32 to vector<16xi32>
      %gather3A_676 = tpu.vector_load_idx %arg6[%broadcast_in_dim3A_673, %broadcast_in_dim3A_675, %add3A_453] : memref<8x8x128xf32, #tpu.memory_space<vmem>>[vector<16xi32>, vector<16xi32>, vector<16xi32>], vector<16xf32>,
      %swap3A_677 = arith.constant 2 : i32
      %swap3A_678 = arith.constant 4 : i32
      %swap3A_679 = arith.index_cast %swap3A_677 : i32 to index
      %swap3A_680 = arith.index_cast %swap3A_678 : i32 to index
      %swap3A_681 = arith.index_cast %mul3A_449 : i32 to index
      %swap3A_682 = tpu.vector_load %arg7[%swap3A_679, %swap3A_680, %swap3A_681] {strides = array<i32>} : memref<8x8x512xf32, #tpu.memory_space<vmem>>, vector<16xf32>,
      tpu.vector_store %arg7[%swap3A_679, %swap3A_680, %swap3A_681], %gather3A_676 {strides = array<i32>} : memref<8x8x512xf32, #tpu.memory_space<vmem>>, vector<16xf32>,
      %broadcast_in_dim3A_683 = arith.constant 2 : i32
      %broadcast_in_dim3A_684 = vector.broadcast %broadcast_in_dim3A_683 : i32 to vector<16xi32>
      %broadcast_in_dim3A_685 = arith.constant 5 : i32
      %broadcast_in_dim3A_686 = vector.broadcast %broadcast_in_dim3A_685 : i32 to vector<16xi32>
      %gather3A_687 = tpu.vector_load_idx %arg6[%broadcast_in_dim3A_684, %broadcast_in_dim3A_686, %add3A_453] : memref<8x8x128xf32, #tpu.memory_space<vmem>>[vector<16xi32>, vector<16xi32>, vector<16xi32>], vector<16xf32>,
      %swap3A_688 = arith.constant 2 : i32
      %swap3A_689 = arith.constant 5 : i32
      %swap3A_690 = arith.index_cast %swap3A_688 : i32 to index
      %swap3A_691 = arith.index_cast %swap3A_689 : i32 to index
      %swap3A_692 = arith.index_cast %mul3A_449 : i32 to index
      %swap3A_693 = tpu.vector_load %arg7[%swap3A_690, %swap3A_691, %swap3A_692] {strides = array<i32>} : memref<8x8x512xf32, #tpu.memory_space<vmem>>, vector<16xf32>,
      tpu.vector_store %arg7[%swap3A_690, %swap3A_691, %swap3A_692], %gather3A_687 {strides = array<i32>} : memref<8x8x512xf32, #tpu.memory_space<vmem>>, vector<16xf32>,
      %broadcast_in_dim3A_694 = arith.constant 2 : i32
      %broadcast_in_dim3A_695 = vector.broadcast %broadcast_in_dim3A_694 : i32 to vector<16xi32>
      %broadcast_in_dim3A_696 = arith.constant 6 : i32
      %broadcast_in_dim3A_697 = vector.broadcast %broadcast_in_dim3A_696 : i32 to vector<16xi32>
      %gather3A_698 = tpu.vector_load_idx %arg6[%broadcast_in_dim3A_695, %broadcast_in_dim3A_697, %add3A_453] : memref<8x8x128xf32, #tpu.memory_space<vmem>>[vector<16xi32>, vector<16xi32>, vector<16xi32>], vector<16xf32>,
      %swap3A_699 = arith.constant 2 : i32
      %swap3A_700 = arith.constant 6 : i32
      %swap3A_701 = arith.index_cast %swap3A_699 : i32 to index
      %swap3A_702 = arith.index_cast %swap3A_700 : i32 to index
      %swap3A_703 = arith.index_cast %mul3A_449 : i32 to index
      %swap3A_704 = tpu.vector_load %arg7[%swap3A_701, %swap3A_702, %swap3A_703] {strides = array<i32>} : memref<8x8x512xf32, #tpu.memory_space<vmem>>, vector<16xf32>,
      tpu.vector_store %arg7[%swap3A_701, %swap3A_702, %swap3A_703], %gather3A_698 {strides = array<i32>} : memref<8x8x512xf32, #tpu.memory_space<vmem>>, vector<16xf32>,
      %broadcast_in_dim3A_705 = arith.constant 2 : i32
      %broadcast_in_dim3A_706 = vector.broadcast %broadcast_in_dim3A_705 : i32 to vector<16xi32>
      %broadcast_in_dim3A_707 = arith.constant 7 : i32
      %broadcast_in_dim3A_708 = vector.broadcast %broadcast_in_dim3A_707 : i32 to vector<16xi32>
      %gather3A_709 = tpu.vector_load_idx %arg6[%broadcast_in_dim3A_706, %broadcast_in_dim3A_708, %add3A_453] : memref<8x8x128xf32, #tpu.memory_space<vmem>>[vector<16xi32>, vector<16xi32>, vector<16xi32>], vector<16xf32>,
      %swap3A_710 = arith.constant 2 : i32
      %swap3A_711 = arith.constant 7 : i32
      %swap3A_712 = arith.index_cast %swap3A_710 : i32 to index
      %swap3A_713 = arith.index_cast %swap3A_711 : i32 to index
      %swap3A_714 = arith.index_cast %mul3A_449 : i32 to index
      %swap3A_715 = tpu.vector_load %arg7[%swap3A_712, %swap3A_713, %swap3A_714] {strides = array<i32>} : memref<8x8x512xf32, #tpu.memory_space<vmem>>, vector<16xf32>,
      tpu.vector_store %arg7[%swap3A_712, %swap3A_713, %swap3A_714], %gather3A_709 {strides = array<i32>} : memref<8x8x512xf32, #tpu.memory_space<vmem>>, vector<16xf32>,
      %broadcast_in_dim3A_716 = arith.constant 3 : i32
      %broadcast_in_dim3A_717 = vector.broadcast %broadcast_in_dim3A_716 : i32 to vector<16xi32>
      %broadcast_in_dim3A_718 = arith.constant 0 : i32
      %broadcast_in_dim3A_719 = vector.broadcast %broadcast_in_dim3A_718 : i32 to vector<16xi32>
      %gather3A_720 = tpu.vector_load_idx %arg6[%broadcast_in_dim3A_717, %broadcast_in_dim3A_719, %add3A_453] : memref<8x8x128xf32, #tpu.memory_space<vmem>>[vector<16xi32>, vector<16xi32>, vector<16xi32>], vector<16xf32>,
      %swap3A_721 = arith.constant 3 : i32
      %swap3A_722 = arith.constant 0 : i32
      %swap3A_723 = arith.index_cast %swap3A_721 : i32 to index
      %swap3A_724 = arith.index_cast %swap3A_722 : i32 to index
      %swap3A_725 = arith.index_cast %mul3A_449 : i32 to index
      %swap3A_726 = tpu.vector_load %arg7[%swap3A_723, %swap3A_724, %swap3A_725] {strides = array<i32>} : memref<8x8x512xf32, #tpu.memory_space<vmem>>, vector<16xf32>,
      tpu.vector_store %arg7[%swap3A_723, %swap3A_724, %swap3A_725], %gather3A_720 {strides = array<i32>} : memref<8x8x512xf32, #tpu.memory_space<vmem>>, vector<16xf32>,
      %broadcast_in_dim3A_727 = arith.constant 3 : i32
      %broadcast_in_dim3A_728 = vector.broadcast %broadcast_in_dim3A_727 : i32 to vector<16xi32>
      %broadcast_in_dim3A_729 = arith.constant 1 : i32
      %broadcast_in_dim3A_730 = vector.broadcast %broadcast_in_dim3A_729 : i32 to vector<16xi32>
      %gather3A_731 = tpu.vector_load_idx %arg6[%broadcast_in_dim3A_728, %broadcast_in_dim3A_730, %add3A_453] : memref<8x8x128xf32, #tpu.memory_space<vmem>>[vector<16xi32>, vector<16xi32>, vector<16xi32>], vector<16xf32>,
      %swap3A_732 = arith.constant 3 : i32
      %swap3A_733 = arith.constant 1 : i32
      %swap3A_734 = arith.index_cast %swap3A_732 : i32 to index
      %swap3A_735 = arith.index_cast %swap3A_733 : i32 to index
      %swap3A_736 = arith.index_cast %mul3A_449 : i32 to index
      %swap3A_737 = tpu.vector_load %arg7[%swap3A_734, %swap3A_735, %swap3A_736] {strides = array<i32>} : memref<8x8x512xf32, #tpu.memory_space<vmem>>, vector<16xf32>,
      tpu.vector_store %arg7[%swap3A_734, %swap3A_735, %swap3A_736], %gather3A_731 {strides = array<i32>} : memref<8x8x512xf32, #tpu.memory_space<vmem>>, vector<16xf32>,
      %broadcast_in_dim3A_738 = arith.constant 3 : i32
      %broadcast_in_dim3A_739 = vector.broadcast %broadcast_in_dim3A_738 : i32 to vector<16xi32>
      %broadcast_in_dim3A_740 = arith.constant 2 : i32
      %broadcast_in_dim3A_741 = vector.broadcast %broadcast_in_dim3A_740 : i32 to vector<16xi32>
      %gather3A_742 = tpu.vector_load_idx %arg6[%broadcast_in_dim3A_739, %broadcast_in_dim3A_741, %add3A_453] : memref<8x8x128xf32, #tpu.memory_space<vmem>>[vector<16xi32>, vector<16xi32>, vector<16xi32>], vector<16xf32>,
      %swap3A_743 = arith.constant 3 : i32
      %swap3A_744 = arith.constant 2 : i32
      %swap3A_745 = arith.index_cast %swap3A_743 : i32 to index
      %swap3A_746 = arith.index_cast %swap3A_744 : i32 to index
      %swap3A_747 = arith.index_cast %mul3A_449 : i32 to index
      %swap3A_748 = tpu.vector_load %arg7[%swap3A_745, %swap3A_746, %swap3A_747] {strides = array<i32>} : memref<8x8x512xf32, #tpu.memory_space<vmem>>, vector<16xf32>,
      tpu.vector_store %arg7[%swap3A_745, %swap3A_746, %swap3A_747], %gather3A_742 {strides = array<i32>} : memref<8x8x512xf32, #tpu.memory_space<vmem>>, vector<16xf32>,
      %broadcast_in_dim3A_749 = arith.constant 3 : i32
      %broadcast_in_dim3A_750 = vector.broadcast %broadcast_in_dim3A_749 : i32 to vector<16xi32>
      %broadcast_in_dim3A_751 = arith.constant 3 : i32
      %broadcast_in_dim3A_752 = vector.broadcast %broadcast_in_dim3A_751 : i32 to vector<16xi32>
      %gather3A_753 = tpu.vector_load_idx %arg6[%broadcast_in_dim3A_750, %broadcast_in_dim3A_752, %add3A_453] : memref<8x8x128xf32, #tpu.memory_space<vmem>>[vector<16xi32>, vector<16xi32>, vector<16xi32>], vector<16xf32>,
      %swap3A_754 = arith.constant 3 : i32
      %swap3A_755 = arith.constant 3 : i32
      %swap3A_756 = arith.index_cast %swap3A_754 : i32 to index
      %swap3A_757 = arith.index_cast %swap3A_755 : i32 to index
      %swap3A_758 = arith.index_cast %mul3A_449 : i32 to index
      %swap3A_759 = tpu.vector_load %arg7[%swap3A_756, %swap3A_757, %swap3A_758] {strides = array<i32>} : memref<8x8x512xf32, #tpu.memory_space<vmem>>, vector<16xf32>,
      tpu.vector_store %arg7[%swap3A_756, %swap3A_757, %swap3A_758], %gather3A_753 {strides = array<i32>} : memref<8x8x512xf32, #tpu.memory_space<vmem>>, vector<16xf32>,
      %broadcast_in_dim3A_760 = arith.constant 3 : i32
      %broadcast_in_dim3A_761 = vector.broadcast %broadcast_in_dim3A_760 : i32 to vector<16xi32>
      %broadcast_in_dim3A_762 = arith.constant 4 : i32
      %broadcast_in_dim3A_763 = vector.broadcast %broadcast_in_dim3A_762 : i32 to vector<16xi32>
      %gather3A_764 = tpu.vector_load_idx %arg6[%broadcast_in_dim3A_761, %broadcast_in_dim3A_763, %add3A_453] : memref<8x8x128xf32, #tpu.memory_space<vmem>>[vector<16xi32>, vector<16xi32>, vector<16xi32>], vector<16xf32>,
      %swap3A_765 = arith.constant 3 : i32
      %swap3A_766 = arith.constant 4 : i32
      %swap3A_767 = arith.index_cast %swap3A_765 : i32 to index
      %swap3A_768 = arith.index_cast %swap3A_766 : i32 to index
      %swap3A_769 = arith.index_cast %mul3A_449 : i32 to index
      %swap3A_770 = tpu.vector_load %arg7[%swap3A_767, %swap3A_768, %swap3A_769] {strides = array<i32>} : memref<8x8x512xf32, #tpu.memory_space<vmem>>, vector<16xf32>,
      tpu.vector_store %arg7[%swap3A_767, %swap3A_768, %swap3A_769], %gather3A_764 {strides = array<i32>} : memref<8x8x512xf32, #tpu.memory_space<vmem>>, vector<16xf32>,
      %broadcast_in_dim3A_771 = arith.constant 3 : i32
      %broadcast_in_dim3A_772 = vector.broadcast %broadcast_in_dim3A_771 : i32 to vector<16xi32>
      %broadcast_in_dim3A_773 = arith.constant 5 : i32
      %broadcast_in_dim3A_774 = vector.broadcast %broadcast_in_dim3A_773 : i32 to vector<16xi32>
      %gather3A_775 = tpu.vector_load_idx %arg6[%broadcast_in_dim3A_772, %broadcast_in_dim3A_774, %add3A_453] : memref<8x8x128xf32, #tpu.memory_space<vmem>>[vector<16xi32>, vector<16xi32>, vector<16xi32>], vector<16xf32>,
      %swap3A_776 = arith.constant 3 : i32
      %swap3A_777 = arith.constant 5 : i32
      %swap3A_778 = arith.index_cast %swap3A_776 : i32 to index
      %swap3A_779 = arith.index_cast %swap3A_777 : i32 to index
      %swap3A_780 = arith.index_cast %mul3A_449 : i32 to index
      %swap3A_781 = tpu.vector_load %arg7[%swap3A_778, %swap3A_779, %swap3A_780] {strides = array<i32>} : memref<8x8x512xf32, #tpu.memory_space<vmem>>, vector<16xf32>,
      tpu.vector_store %arg7[%swap3A_778, %swap3A_779, %swap3A_780], %gather3A_775 {strides = array<i32>} : memref<8x8x512xf32, #tpu.memory_space<vmem>>, vector<16xf32>,
      %broadcast_in_dim3A_782 = arith.constant 3 : i32
      %broadcast_in_dim3A_783 = vector.broadcast %broadcast_in_dim3A_782 : i32 to vector<16xi32>
      %broadcast_in_dim3A_784 = arith.constant 6 : i32
      %broadcast_in_dim3A_785 = vector.broadcast %broadcast_in_dim3A_784 : i32 to vector<16xi32>
      %gather3A_786 = tpu.vector_load_idx %arg6[%broadcast_in_dim3A_783, %broadcast_in_dim3A_785, %add3A_453] : memref<8x8x128xf32, #tpu.memory_space<vmem>>[vector<16xi32>, vector<16xi32>, vector<16xi32>], vector<16xf32>,
      %swap3A_787 = arith.constant 3 : i32
      %swap3A_788 = arith.constant 6 : i32
      %swap3A_789 = arith.index_cast %swap3A_787 : i32 to index
      %swap3A_790 = arith.index_cast %swap3A_788 : i32 to index
      %swap3A_791 = arith.index_cast %mul3A_449 : i32 to index
      %swap3A_792 = tpu.vector_load %arg7[%swap3A_789, %swap3A_790, %swap3A_791] {strides = array<i32>} : memref<8x8x512xf32, #tpu.memory_space<vmem>>, vector<16xf32>,
      tpu.vector_store %arg7[%swap3A_789, %swap3A_790, %swap3A_791], %gather3A_786 {strides = array<i32>} : memref<8x8x512xf32, #tpu.memory_space<vmem>>, vector<16xf32>,
      %broadcast_in_dim3A_793 = arith.constant 3 : i32
      %broadcast_in_dim3A_794 = vector.broadcast %broadcast_in_dim3A_793 : i32 to vector<16xi32>
      %broadcast_in_dim3A_795 = arith.constant 7 : i32
      %broadcast_in_dim3A_796 = vector.broadcast %broadcast_in_dim3A_795 : i32 to vector<16xi32>
      %gather3A_797 = tpu.vector_load_idx %arg6[%broadcast_in_dim3A_794, %broadcast_in_dim3A_796, %add3A_453] : memref<8x8x128xf32, #tpu.memory_space<vmem>>[vector<16xi32>, vector<16xi32>, vector<16xi32>], vector<16xf32>,
      %swap3A_798 = arith.constant 3 : i32
      %swap3A_799 = arith.constant 7 : i32
      %swap3A_800 = arith.index_cast %swap3A_798 : i32 to index
      %swap3A_801 = arith.index_cast %swap3A_799 : i32 to index
      %swap3A_802 = arith.index_cast %mul3A_449 : i32 to index
      %swap3A_803 = tpu.vector_load %arg7[%swap3A_800, %swap3A_801, %swap3A_802] {strides = array<i32>} : memref<8x8x512xf32, #tpu.memory_space<vmem>>, vector<16xf32>,
      tpu.vector_store %arg7[%swap3A_800, %swap3A_801, %swap3A_802], %gather3A_797 {strides = array<i32>} : memref<8x8x512xf32, #tpu.memory_space<vmem>>, vector<16xf32>,
      %broadcast_in_dim3A_804 = arith.constant 4 : i32
      %broadcast_in_dim3A_805 = vector.broadcast %broadcast_in_dim3A_804 : i32 to vector<16xi32>
      %broadcast_in_dim3A_806 = arith.constant 0 : i32
      %broadcast_in_dim3A_807 = vector.broadcast %broadcast_in_dim3A_806 : i32 to vector<16xi32>
      %gather3A_808 = tpu.vector_load_idx %arg6[%broadcast_in_dim3A_805, %broadcast_in_dim3A_807, %add3A_453] : memref<8x8x128xf32, #tpu.memory_space<vmem>>[vector<16xi32>, vector<16xi32>, vector<16xi32>], vector<16xf32>,
      %swap3A_809 = arith.constant 4 : i32
      %swap3A_810 = arith.constant 0 : i32
      %swap3A_811 = arith.index_cast %swap3A_809 : i32 to index
      %swap3A_812 = arith.index_cast %swap3A_810 : i32 to index
      %swap3A_813 = arith.index_cast %mul3A_449 : i32 to index
      %swap3A_814 = tpu.vector_load %arg7[%swap3A_811, %swap3A_812, %swap3A_813] {strides = array<i32>} : memref<8x8x512xf32, #tpu.memory_space<vmem>>, vector<16xf32>,
      tpu.vector_store %arg7[%swap3A_811, %swap3A_812, %swap3A_813], %gather3A_808 {strides = array<i32>} : memref<8x8x512xf32, #tpu.memory_space<vmem>>, vector<16xf32>,
      %broadcast_in_dim3A_815 = arith.constant 4 : i32
      %broadcast_in_dim3A_816 = vector.broadcast %broadcast_in_dim3A_815 : i32 to vector<16xi32>
      %broadcast_in_dim3A_817 = arith.constant 1 : i32
      %broadcast_in_dim3A_818 = vector.broadcast %broadcast_in_dim3A_817 : i32 to vector<16xi32>
      %gather3A_819 = tpu.vector_load_idx %arg6[%broadcast_in_dim3A_816, %broadcast_in_dim3A_818, %add3A_453] : memref<8x8x128xf32, #tpu.memory_space<vmem>>[vector<16xi32>, vector<16xi32>, vector<16xi32>], vector<16xf32>,
      %swap3A_820 = arith.constant 4 : i32
      %swap3A_821 = arith.constant 1 : i32
      %swap3A_822 = arith.index_cast %swap3A_820 : i32 to index
      %swap3A_823 = arith.index_cast %swap3A_821 : i32 to index
      %swap3A_824 = arith.index_cast %mul3A_449 : i32 to index
      %swap3A_825 = tpu.vector_load %arg7[%swap3A_822, %swap3A_823, %swap3A_824] {strides = array<i32>} : memref<8x8x512xf32, #tpu.memory_space<vmem>>, vector<16xf32>,
      tpu.vector_store %arg7[%swap3A_822, %swap3A_823, %swap3A_824], %gather3A_819 {strides = array<i32>} : memref<8x8x512xf32, #tpu.memory_space<vmem>>, vector<16xf32>,
      %broadcast_in_dim3A_826 = arith.constant 4 : i32
      %broadcast_in_dim3A_827 = vector.broadcast %broadcast_in_dim3A_826 : i32 to vector<16xi32>
      %broadcast_in_dim3A_828 = arith.constant 2 : i32
      %broadcast_in_dim3A_829 = vector.broadcast %broadcast_in_dim3A_828 : i32 to vector<16xi32>
      %gather3A_830 = tpu.vector_load_idx %arg6[%broadcast_in_dim3A_827, %broadcast_in_dim3A_829, %add3A_453] : memref<8x8x128xf32, #tpu.memory_space<vmem>>[vector<16xi32>, vector<16xi32>, vector<16xi32>], vector<16xf32>,
      %swap3A_831 = arith.constant 4 : i32
      %swap3A_832 = arith.constant 2 : i32
      %swap3A_833 = arith.index_cast %swap3A_831 : i32 to index
      %swap3A_834 = arith.index_cast %swap3A_832 : i32 to index
      %swap3A_835 = arith.index_cast %mul3A_449 : i32 to index
      %swap3A_836 = tpu.vector_load %arg7[%swap3A_833, %swap3A_834, %swap3A_835] {strides = array<i32>} : memref<8x8x512xf32, #tpu.memory_space<vmem>>, vector<16xf32>,
      tpu.vector_store %arg7[%swap3A_833, %swap3A_834, %swap3A_835], %gather3A_830 {strides = array<i32>} : memref<8x8x512xf32, #tpu.memory_space<vmem>>, vector<16xf32>,
      %broadcast_in_dim3A_837 = arith.constant 4 : i32
      %broadcast_in_dim3A_838 = vector.broadcast %broadcast_in_dim3A_837 : i32 to vector<16xi32>
      %broadcast_in_dim3A_839 = arith.constant 3 : i32
      %broadcast_in_dim3A_840 = vector.broadcast %broadcast_in_dim3A_839 : i32 to vector<16xi32>
      %gather3A_841 = tpu.vector_load_idx %arg6[%broadcast_in_dim3A_838, %broadcast_in_dim3A_840, %add3A_453] : memref<8x8x128xf32, #tpu.memory_space<vmem>>[vector<16xi32>, vector<16xi32>, vector<16xi32>], vector<16xf32>,
      %swap3A_842 = arith.constant 4 : i32
      %swap3A_843 = arith.constant 3 : i32
      %swap3A_844 = arith.index_cast %swap3A_842 : i32 to index
      %swap3A_845 = arith.index_cast %swap3A_843 : i32 to index
      %swap3A_846 = arith.index_cast %mul3A_449 : i32 to index
      %swap3A_847 = tpu.vector_load %arg7[%swap3A_844, %swap3A_845, %swap3A_846] {strides = array<i32>} : memref<8x8x512xf32, #tpu.memory_space<vmem>>, vector<16xf32>,
      tpu.vector_store %arg7[%swap3A_844, %swap3A_845, %swap3A_846], %gather3A_841 {strides = array<i32>} : memref<8x8x512xf32, #tpu.memory_space<vmem>>, vector<16xf32>,
      %broadcast_in_dim3A_848 = arith.constant 4 : i32
      %broadcast_in_dim3A_849 = vector.broadcast %broadcast_in_dim3A_848 : i32 to vector<16xi32>
      %broadcast_in_dim3A_850 = arith.constant 4 : i32
      %broadcast_in_dim3A_851 = vector.broadcast %broadcast_in_dim3A_850 : i32 to vector<16xi32>
      %gather3A_852 = tpu.vector_load_idx %arg6[%broadcast_in_dim3A_849, %broadcast_in_dim3A_851, %add3A_453] : memref<8x8x128xf32, #tpu.memory_space<vmem>>[vector<16xi32>, vector<16xi32>, vector<16xi32>], vector<16xf32>,
      %swap3A_853 = arith.constant 4 : i32
      %swap3A_854 = arith.constant 4 : i32
      %swap3A_855 = arith.index_cast %swap3A_853 : i32 to index
      %swap3A_856 = arith.index_cast %swap3A_854 : i32 to index
      %swap3A_857 = arith.index_cast %mul3A_449 : i32 to index
      %swap3A_858 = tpu.vector_load %arg7[%swap3A_855, %swap3A_856, %swap3A_857] {strides = array<i32>} : memref<8x8x512xf32, #tpu.memory_space<vmem>>, vector<16xf32>,
      tpu.vector_store %arg7[%swap3A_855, %swap3A_856, %swap3A_857], %gather3A_852 {strides = array<i32>} : memref<8x8x512xf32, #tpu.memory_space<vmem>>, vector<16xf32>,
      %broadcast_in_dim3A_859 = arith.constant 4 : i32
      %broadcast_in_dim3A_860 = vector.broadcast %broadcast_in_dim3A_859 : i32 to vector<16xi32>
      %broadcast_in_dim3A_861 = arith.constant 5 : i32
      %broadcast_in_dim3A_862 = vector.broadcast %broadcast_in_dim3A_861 : i32 to vector<16xi32>
      %gather3A_863 = tpu.vector_load_idx %arg6[%broadcast_in_dim3A_860, %broadcast_in_dim3A_862, %add3A_453] : memref<8x8x128xf32, #tpu.memory_space<vmem>>[vector<16xi32>, vector<16xi32>, vector<16xi32>], vector<16xf32>,
      %swap3A_864 = arith.constant 4 : i32
      %swap3A_865 = arith.constant 5 : i32
      %swap3A_866 = arith.index_cast %swap3A_864 : i32 to index
      %swap3A_867 = arith.index_cast %swap3A_865 : i32 to index
      %swap3A_868 = arith.index_cast %mul3A_449 : i32 to index
      %swap3A_869 = tpu.vector_load %arg7[%swap3A_866, %swap3A_867, %swap3A_868] {strides = array<i32>} : memref<8x8x512xf32, #tpu.memory_space<vmem>>, vector<16xf32>,
      tpu.vector_store %arg7[%swap3A_866, %swap3A_867, %swap3A_868], %gather3A_863 {strides = array<i32>} : memref<8x8x512xf32, #tpu.memory_space<vmem>>, vector<16xf32>,
      %broadcast_in_dim3A_870 = arith.constant 4 : i32
      %broadcast_in_dim3A_871 = vector.broadcast %broadcast_in_dim3A_870 : i32 to vector<16xi32>
      %broadcast_in_dim3A_872 = arith.constant 6 : i32
      %broadcast_in_dim3A_873 = vector.broadcast %broadcast_in_dim3A_872 : i32 to vector<16xi32>
      %gather3A_874 = tpu.vector_load_idx %arg6[%broadcast_in_dim3A_871, %broadcast_in_dim3A_873, %add3A_453] : memref<8x8x128xf32, #tpu.memory_space<vmem>>[vector<16xi32>, vector<16xi32>, vector<16xi32>], vector<16xf32>,
      %swap3A_875 = arith.constant 4 : i32
      %swap3A_876 = arith.constant 6 : i32
      %swap3A_877 = arith.index_cast %swap3A_875 : i32 to index
      %swap3A_878 = arith.index_cast %swap3A_876 : i32 to index
      %swap3A_879 = arith.index_cast %mul3A_449 : i32 to index
      %swap3A_880 = tpu.vector_load %arg7[%swap3A_877, %swap3A_878, %swap3A_879] {strides = array<i32>} : memref<8x8x512xf32, #tpu.memory_space<vmem>>, vector<16xf32>,
      tpu.vector_store %arg7[%swap3A_877, %swap3A_878, %swap3A_879], %gather3A_874 {strides = array<i32>} : memref<8x8x512xf32, #tpu.memory_space<vmem>>, vector<16xf32>,
      %broadcast_in_dim3A_881 = arith.constant 4 : i32
      %broadcast_in_dim3A_882 = vector.broadcast %broadcast_in_dim3A_881 : i32 to vector<16xi32>
      %broadcast_in_dim3A_883 = arith.constant 7 : i32
      %broadcast_in_dim3A_884 = vector.broadcast %broadcast_in_dim3A_883 : i32 to vector<16xi32>
      %gather3A_885 = tpu.vector_load_idx %arg6[%broadcast_in_dim3A_882, %broadcast_in_dim3A_884, %add3A_453] : memref<8x8x128xf32, #tpu.memory_space<vmem>>[vector<16xi32>, vector<16xi32>, vector<16xi32>], vector<16xf32>,
      %swap3A_886 = arith.constant 4 : i32
      %swap3A_887 = arith.constant 7 : i32
      %swap3A_888 = arith.index_cast %swap3A_886 : i32 to index
      %swap3A_889 = arith.index_cast %swap3A_887 : i32 to index
      %swap3A_890 = arith.index_cast %mul3A_449 : i32 to index
      %swap3A_891 = tpu.vector_load %arg7[%swap3A_888, %swap3A_889, %swap3A_890] {strides = array<i32>} : memref<8x8x512xf32, #tpu.memory_space<vmem>>, vector<16xf32>,
      tpu.vector_store %arg7[%swap3A_888, %swap3A_889, %swap3A_890], %gather3A_885 {strides = array<i32>} : memref<8x8x512xf32, #tpu.memory_space<vmem>>, vector<16xf32>,
      %broadcast_in_dim3A_892 = arith.constant 5 : i32
      %broadcast_in_dim3A_893 = vector.broadcast %broadcast_in_dim3A_892 : i32 to vector<16xi32>
      %broadcast_in_dim3A_894 = arith.constant 0 : i32
      %broadcast_in_dim3A_895 = vector.broadcast %broadcast_in_dim3A_894 : i32 to vector<16xi32>
      %gather3A_896 = tpu.vector_load_idx %arg6[%broadcast_in_dim3A_893, %broadcast_in_dim3A_895, %add3A_453] : memref<8x8x128xf32, #tpu.memory_space<vmem>>[vector<16xi32>, vector<16xi32>, vector<16xi32>], vector<16xf32>,
      %swap3A_897 = arith.constant 5 : i32
      %swap3A_898 = arith.constant 0 : i32
      %swap3A_899 = arith.index_cast %swap3A_897 : i32 to index
      %swap3A_900 = arith.index_cast %swap3A_898 : i32 to index
      %swap3A_901 = arith.index_cast %mul3A_449 : i32 to index
      %swap3A_902 = tpu.vector_load %arg7[%swap3A_899, %swap3A_900, %swap3A_901] {strides = array<i32>} : memref<8x8x512xf32, #tpu.memory_space<vmem>>, vector<16xf32>,
      tpu.vector_store %arg7[%swap3A_899, %swap3A_900, %swap3A_901], %gather3A_896 {strides = array<i32>} : memref<8x8x512xf32, #tpu.memory_space<vmem>>, vector<16xf32>,
      %broadcast_in_dim3A_903 = arith.constant 5 : i32
      %broadcast_in_dim3A_904 = vector.broadcast %broadcast_in_dim3A_903 : i32 to vector<16xi32>
      %broadcast_in_dim3A_905 = arith.constant 1 : i32
      %broadcast_in_dim3A_906 = vector.broadcast %broadcast_in_dim3A_905 : i32 to vector<16xi32>
      %gather3A_907 = tpu.vector_load_idx %arg6[%broadcast_in_dim3A_904, %broadcast_in_dim3A_906, %add3A_453] : memref<8x8x128xf32, #tpu.memory_space<vmem>>[vector<16xi32>, vector<16xi32>, vector<16xi32>], vector<16xf32>,
      %swap3A_908 = arith.constant 5 : i32
      %swap3A_909 = arith.constant 1 : i32
      %swap3A_910 = arith.index_cast %swap3A_908 : i32 to index
      %swap3A_911 = arith.index_cast %swap3A_909 : i32 to index
      %swap3A_912 = arith.index_cast %mul3A_449 : i32 to index
      %swap3A_913 = tpu.vector_load %arg7[%swap3A_910, %swap3A_911, %swap3A_912] {strides = array<i32>} : memref<8x8x512xf32, #tpu.memory_space<vmem>>, vector<16xf32>,
      tpu.vector_store %arg7[%swap3A_910, %swap3A_911, %swap3A_912], %gather3A_907 {strides = array<i32>} : memref<8x8x512xf32, #tpu.memory_space<vmem>>, vector<16xf32>,
      %broadcast_in_dim3A_914 = arith.constant 5 : i32
      %broadcast_in_dim3A_915 = vector.broadcast %broadcast_in_dim3A_914 : i32 to vector<16xi32>
      %broadcast_in_dim3A_916 = arith.constant 2 : i32
      %broadcast_in_dim3A_917 = vector.broadcast %broadcast_in_dim3A_916 : i32 to vector<16xi32>
      %gather3A_918 = tpu.vector_load_idx %arg6[%broadcast_in_dim3A_915, %broadcast_in_dim3A_917, %add3A_453] : memref<8x8x128xf32, #tpu.memory_space<vmem>>[vector<16xi32>, vector<16xi32>, vector<16xi32>], vector<16xf32>,
      %swap3A_919 = arith.constant 5 : i32
      %swap3A_920 = arith.constant 2 : i32
      %swap3A_921 = arith.index_cast %swap3A_919 : i32 to index
      %swap3A_922 = arith.index_cast %swap3A_920 : i32 to index
      %swap3A_923 = arith.index_cast %mul3A_449 : i32 to index
      %swap3A_924 = tpu.vector_load %arg7[%swap3A_921, %swap3A_922, %swap3A_923] {strides = array<i32>} : memref<8x8x512xf32, #tpu.memory_space<vmem>>, vector<16xf32>,
      tpu.vector_store %arg7[%swap3A_921, %swap3A_922, %swap3A_923], %gather3A_918 {strides = array<i32>} : memref<8x8x512xf32, #tpu.memory_space<vmem>>, vector<16xf32>,
      %broadcast_in_dim3A_925 = arith.constant 5 : i32
      %broadcast_in_dim3A_926 = vector.broadcast %broadcast_in_dim3A_925 : i32 to vector<16xi32>
      %broadcast_in_dim3A_927 = arith.constant 3 : i32
      %broadcast_in_dim3A_928 = vector.broadcast %broadcast_in_dim3A_927 : i32 to vector<16xi32>
      %gather3A_929 = tpu.vector_load_idx %arg6[%broadcast_in_dim3A_926, %broadcast_in_dim3A_928, %add3A_453] : memref<8x8x128xf32, #tpu.memory_space<vmem>>[vector<16xi32>, vector<16xi32>, vector<16xi32>], vector<16xf32>,
      %swap3A_930 = arith.constant 5 : i32
      %swap3A_931 = arith.constant 3 : i32
      %swap3A_932 = arith.index_cast %swap3A_930 : i32 to index
      %swap3A_933 = arith.index_cast %swap3A_931 : i32 to index
      %swap3A_934 = arith.index_cast %mul3A_449 : i32 to index
      %swap3A_935 = tpu.vector_load %arg7[%swap3A_932, %swap3A_933, %swap3A_934] {strides = array<i32>} : memref<8x8x512xf32, #tpu.memory_space<vmem>>, vector<16xf32>,
      tpu.vector_store %arg7[%swap3A_932, %swap3A_933, %swap3A_934], %gather3A_929 {strides = array<i32>} : memref<8x8x512xf32, #tpu.memory_space<vmem>>, vector<16xf32>,
      %broadcast_in_dim3A_936 = arith.constant 5 : i32
      %broadcast_in_dim3A_937 = vector.broadcast %broadcast_in_dim3A_936 : i32 to vector<16xi32>
      %broadcast_in_dim3A_938 = arith.constant 4 : i32
      %broadcast_in_dim3A_939 = vector.broadcast %broadcast_in_dim3A_938 : i32 to vector<16xi32>
      %gather3A_940 = tpu.vector_load_idx %arg6[%broadcast_in_dim3A_937, %broadcast_in_dim3A_939, %add3A_453] : memref<8x8x128xf32, #tpu.memory_space<vmem>>[vector<16xi32>, vector<16xi32>, vector<16xi32>], vector<16xf32>,
      %swap3A_941 = arith.constant 5 : i32
      %swap3A_942 = arith.constant 4 : i32
      %swap3A_943 = arith.index_cast %swap3A_941 : i32 to index
      %swap3A_944 = arith.index_cast %swap3A_942 : i32 to index
      %swap3A_945 = arith.index_cast %mul3A_449 : i32 to index
      %swap3A_946 = tpu.vector_load %arg7[%swap3A_943, %swap3A_944, %swap3A_945] {strides = array<i32>} : memref<8x8x512xf32, #tpu.memory_space<vmem>>, vector<16xf32>,
      tpu.vector_store %arg7[%swap3A_943, %swap3A_944, %swap3A_945], %gather3A_940 {strides = array<i32>} : memref<8x8x512xf32, #tpu.memory_space<vmem>>, vector<16xf32>,
      %broadcast_in_dim3A_947 = arith.constant 5 : i32
      %broadcast_in_dim3A_948 = vector.broadcast %broadcast_in_dim3A_947 : i32 to vector<16xi32>
      %broadcast_in_dim3A_949 = arith.constant 5 : i32
      %broadcast_in_dim3A_950 = vector.broadcast %broadcast_in_dim3A_949 : i32 to vector<16xi32>
      %gather3A_951 = tpu.vector_load_idx %arg6[%broadcast_in_dim3A_948, %broadcast_in_dim3A_950, %add3A_453] : memref<8x8x128xf32, #tpu.memory_space<vmem>>[vector<16xi32>, vector<16xi32>, vector<16xi32>], vector<16xf32>,
      %swap3A_952 = arith.constant 5 : i32
      %swap3A_953 = arith.constant 5 : i32
      %swap3A_954 = arith.index_cast %swap3A_952 : i32 to index
      %swap3A_955 = arith.index_cast %swap3A_953 : i32 to index
      %swap3A_956 = arith.index_cast %mul3A_449 : i32 to index
      %swap3A_957 = tpu.vector_load %arg7[%swap3A_954, %swap3A_955, %swap3A_956] {strides = array<i32>} : memref<8x8x512xf32, #tpu.memory_space<vmem>>, vector<16xf32>,
      tpu.vector_store %arg7[%swap3A_954, %swap3A_955, %swap3A_956], %gather3A_951 {strides = array<i32>} : memref<8x8x512xf32, #tpu.memory_space<vmem>>, vector<16xf32>,
      %broadcast_in_dim3A_958 = arith.constant 5 : i32
      %broadcast_in_dim3A_959 = vector.broadcast %broadcast_in_dim3A_958 : i32 to vector<16xi32>
      %broadcast_in_dim3A_960 = arith.constant 6 : i32
      %broadcast_in_dim3A_961 = vector.broadcast %broadcast_in_dim3A_960 : i32 to vector<16xi32>
      %gather3A_962 = tpu.vector_load_idx %arg6[%broadcast_in_dim3A_959, %broadcast_in_dim3A_961, %add3A_453] : memref<8x8x128xf32, #tpu.memory_space<vmem>>[vector<16xi32>, vector<16xi32>, vector<16xi32>], vector<16xf32>,
      %swap3A_963 = arith.constant 5 : i32
      %swap3A_964 = arith.constant 6 : i32
      %swap3A_965 = arith.index_cast %swap3A_963 : i32 to index
      %swap3A_966 = arith.index_cast %swap3A_964 : i32 to index
      %swap3A_967 = arith.index_cast %mul3A_449 : i32 to index
      %swap3A_968 = tpu.vector_load %arg7[%swap3A_965, %swap3A_966, %swap3A_967] {strides = array<i32>} : memref<8x8x512xf32, #tpu.memory_space<vmem>>, vector<16xf32>,
      tpu.vector_store %arg7[%swap3A_965, %swap3A_966, %swap3A_967], %gather3A_962 {strides = array<i32>} : memref<8x8x512xf32, #tpu.memory_space<vmem>>, vector<16xf32>,
      %broadcast_in_dim3A_969 = arith.constant 5 : i32
      %broadcast_in_dim3A_970 = vector.broadcast %broadcast_in_dim3A_969 : i32 to vector<16xi32>
      %broadcast_in_dim3A_971 = arith.constant 7 : i32
      %broadcast_in_dim3A_972 = vector.broadcast %broadcast_in_dim3A_971 : i32 to vector<16xi32>
      %gather3A_973 = tpu.vector_load_idx %arg6[%broadcast_in_dim3A_970, %broadcast_in_dim3A_972, %add3A_453] : memref<8x8x128xf32, #tpu.memory_space<vmem>>[vector<16xi32>, vector<16xi32>, vector<16xi32>], vector<16xf32>,
      %swap3A_974 = arith.constant 5 : i32
      %swap3A_975 = arith.constant 7 : i32
      %swap3A_976 = arith.index_cast %swap3A_974 : i32 to index
      %swap3A_977 = arith.index_cast %swap3A_975 : i32 to index
      %swap3A_978 = arith.index_cast %mul3A_449 : i32 to index
      %swap3A_979 = tpu.vector_load %arg7[%swap3A_976, %swap3A_977, %swap3A_978] {strides = array<i32>} : memref<8x8x512xf32, #tpu.memory_space<vmem>>, vector<16xf32>,
      tpu.vector_store %arg7[%swap3A_976, %swap3A_977, %swap3A_978], %gather3A_973 {strides = array<i32>} : memref<8x8x512xf32, #tpu.memory_space<vmem>>, vector<16xf32>,
      %broadcast_in_dim3A_980 = arith.constant 6 : i32
      %broadcast_in_dim3A_981 = vector.broadcast %broadcast_in_dim3A_980 : i32 to vector<16xi32>
      %broadcast_in_dim3A_982 = arith.constant 0 : i32
      %broadcast_in_dim3A_983 = vector.broadcast %broadcast_in_dim3A_982 : i32 to vector<16xi32>
      %gather3A_984 = tpu.vector_load_idx %arg6[%broadcast_in_dim3A_981, %broadcast_in_dim3A_983, %add3A_453] : memref<8x8x128xf32, #tpu.memory_space<vmem>>[vector<16xi32>, vector<16xi32>, vector<16xi32>], vector<16xf32>,
      %swap3A_985 = arith.constant 6 : i32
      %swap3A_986 = arith.constant 0 : i32
      %swap3A_987 = arith.index_cast %swap3A_985 : i32 to index
      %swap3A_988 = arith.index_cast %swap3A_986 : i32 to index
      %swap3A_989 = arith.index_cast %mul3A_449 : i32 to index
      %swap3A_990 = tpu.vector_load %arg7[%swap3A_987, %swap3A_988, %swap3A_989] {strides = array<i32>} : memref<8x8x512xf32, #tpu.memory_space<vmem>>, vector<16xf32>,
      tpu.vector_store %arg7[%swap3A_987, %swap3A_988, %swap3A_989], %gather3A_984 {strides = array<i32>} : memref<8x8x512xf32, #tpu.memory_space<vmem>>, vector<16xf32>,
      %broadcast_in_dim3A_991 = arith.constant 6 : i32
      %broadcast_in_dim3A_992 = vector.broadcast %broadcast_in_dim3A_991 : i32 to vector<16xi32>
      %broadcast_in_dim3A_993 = arith.constant 1 : i32
      %broadcast_in_dim3A_994 = vector.broadcast %broadcast_in_dim3A_993 : i32 to vector<16xi32>
      %gather3A_995 = tpu.vector_load_idx %arg6[%broadcast_in_dim3A_992, %broadcast_in_dim3A_994, %add3A_453] : memref<8x8x128xf32, #tpu.memory_space<vmem>>[vector<16xi32>, vector<16xi32>, vector<16xi32>], vector<16xf32>,
      %swap3A_996 = arith.constant 6 : i32
      %swap3A_997 = arith.constant 1 : i32
      %swap3A_998 = arith.index_cast %swap3A_996 : i32 to index
      %swap3A_999 = arith.index_cast %swap3A_997 : i32 to index
      %swap3A_1000 = arith.index_cast %mul3A_449 : i32 to index
      %swap3A_1001 = tpu.vector_load %arg7[%swap3A_998, %swap3A_999, %swap3A_1000] {strides = array<i32>} : memref<8x8x512xf32, #tpu.memory_space<vmem>>, vector<16xf32>,
      tpu.vector_store %arg7[%swap3A_998, %swap3A_999, %swap3A_1000], %gather3A_995 {strides = array<i32>} : memref<8x8x512xf32, #tpu.memory_space<vmem>>, vector<16xf32>,
      %broadcast_in_dim3A_1002 = arith.constant 6 : i32
      %broadcast_in_dim3A_1003 = vector.broadcast %broadcast_in_dim3A_1002 : i32 to vector<16xi32>
      %broadcast_in_dim3A_1004 = arith.constant 2 : i32
      %broadcast_in_dim3A_1005 = vector.broadcast %broadcast_in_dim3A_1004 : i32 to vector<16xi32>
      %gather3A_1006 = tpu.vector_load_idx %arg6[%broadcast_in_dim3A_1003, %broadcast_in_dim3A_1005, %add3A_453] : memref<8x8x128xf32, #tpu.memory_space<vmem>>[vector<16xi32>, vector<16xi32>, vector<16xi32>], vector<16xf32>,
      %swap3A_1007 = arith.constant 6 : i32
      %swap3A_1008 = arith.constant 2 : i32
      %swap3A_1009 = arith.index_cast %swap3A_1007 : i32 to index
      %swap3A_1010 = arith.index_cast %swap3A_1008 : i32 to index
      %swap3A_1011 = arith.index_cast %mul3A_449 : i32 to index
      %swap3A_1012 = tpu.vector_load %arg7[%swap3A_1009, %swap3A_1010, %swap3A_1011] {strides = array<i32>} : memref<8x8x512xf32, #tpu.memory_space<vmem>>, vector<16xf32>,
      tpu.vector_store %arg7[%swap3A_1009, %swap3A_1010, %swap3A_1011], %gather3A_1006 {strides = array<i32>} : memref<8x8x512xf32, #tpu.memory_space<vmem>>, vector<16xf32>,
      %broadcast_in_dim3A_1013 = arith.constant 6 : i32
      %broadcast_in_dim3A_1014 = vector.broadcast %broadcast_in_dim3A_1013 : i32 to vector<16xi32>
      %broadcast_in_dim3A_1015 = arith.constant 3 : i32
      %broadcast_in_dim3A_1016 = vector.broadcast %broadcast_in_dim3A_1015 : i32 to vector<16xi32>
      %gather3A_1017 = tpu.vector_load_idx %arg6[%broadcast_in_dim3A_1014, %broadcast_in_dim3A_1016, %add3A_453] : memref<8x8x128xf32, #tpu.memory_space<vmem>>[vector<16xi32>, vector<16xi32>, vector<16xi32>], vector<16xf32>,
      %swap3A_1018 = arith.constant 6 : i32
      %swap3A_1019 = arith.constant 3 : i32
      %swap3A_1020 = arith.index_cast %swap3A_1018 : i32 to index
      %swap3A_1021 = arith.index_cast %swap3A_1019 : i32 to index
      %swap3A_1022 = arith.index_cast %mul3A_449 : i32 to index
      %swap3A_1023 = tpu.vector_load %arg7[%swap3A_1020, %swap3A_1021, %swap3A_1022] {strides = array<i32>} : memref<8x8x512xf32, #tpu.memory_space<vmem>>, vector<16xf32>,
      tpu.vector_store %arg7[%swap3A_1020, %swap3A_1021, %swap3A_1022], %gather3A_1017 {strides = array<i32>} : memref<8x8x512xf32, #tpu.memory_space<vmem>>, vector<16xf32>,
      %broadcast_in_dim3A_1024 = arith.constant 6 : i32
      %broadcast_in_dim3A_1025 = vector.broadcast %broadcast_in_dim3A_1024 : i32 to vector<16xi32>
      %broadcast_in_dim3A_1026 = arith.constant 4 : i32
      %broadcast_in_dim3A_1027 = vector.broadcast %broadcast_in_dim3A_1026 : i32 to vector<16xi32>
      %gather3A_1028 = tpu.vector_load_idx %arg6[%broadcast_in_dim3A_1025, %broadcast_in_dim3A_1027, %add3A_453] : memref<8x8x128xf32, #tpu.memory_space<vmem>>[vector<16xi32>, vector<16xi32>, vector<16xi32>], vector<16xf32>,
      %swap3A_1029 = arith.constant 6 : i32
      %swap3A_1030 = arith.constant 4 : i32
      %swap3A_1031 = arith.index_cast %swap3A_1029 : i32 to index
      %swap3A_1032 = arith.index_cast %swap3A_1030 : i32 to index
      %swap3A_1033 = arith.index_cast %mul3A_449 : i32 to index
      %swap3A_1034 = tpu.vector_load %arg7[%swap3A_1031, %swap3A_1032, %swap3A_1033] {strides = array<i32>} : memref<8x8x512xf32, #tpu.memory_space<vmem>>, vector<16xf32>,
      tpu.vector_store %arg7[%swap3A_1031, %swap3A_1032, %swap3A_1033], %gather3A_1028 {strides = array<i32>} : memref<8x8x512xf32, #tpu.memory_space<vmem>>, vector<16xf32>,
      %broadcast_in_dim3A_1035 = arith.constant 6 : i32
      %broadcast_in_dim3A_1036 = vector.broadcast %broadcast_in_dim3A_1035 : i32 to vector<16xi32>
      %broadcast_in_dim3A_1037 = arith.constant 5 : i32
      %broadcast_in_dim3A_1038 = vector.broadcast %broadcast_in_dim3A_1037 : i32 to vector<16xi32>
      %gather3A_1039 = tpu.vector_load_idx %arg6[%broadcast_in_dim3A_1036, %broadcast_in_dim3A_1038, %add3A_453] : memref<8x8x128xf32, #tpu.memory_space<vmem>>[vector<16xi32>, vector<16xi32>, vector<16xi32>], vector<16xf32>,
      %swap3A_1040 = arith.constant 6 : i32
      %swap3A_1041 = arith.constant 5 : i32
      %swap3A_1042 = arith.index_cast %swap3A_1040 : i32 to index
      %swap3A_1043 = arith.index_cast %swap3A_1041 : i32 to index
      %swap3A_1044 = arith.index_cast %mul3A_449 : i32 to index
      %swap3A_1045 = tpu.vector_load %arg7[%swap3A_1042, %swap3A_1043, %swap3A_1044] {strides = array<i32>} : memref<8x8x512xf32, #tpu.memory_space<vmem>>, vector<16xf32>,
      tpu.vector_store %arg7[%swap3A_1042, %swap3A_1043, %swap3A_1044], %gather3A_1039 {strides = array<i32>} : memref<8x8x512xf32, #tpu.memory_space<vmem>>, vector<16xf32>,
      %broadcast_in_dim3A_1046 = arith.constant 6 : i32
      %broadcast_in_dim3A_1047 = vector.broadcast %broadcast_in_dim3A_1046 : i32 to vector<16xi32>
      %broadcast_in_dim3A_1048 = arith.constant 6 : i32
      %broadcast_in_dim3A_1049 = vector.broadcast %broadcast_in_dim3A_1048 : i32 to vector<16xi32>
      %gather3A_1050 = tpu.vector_load_idx %arg6[%broadcast_in_dim3A_1047, %broadcast_in_dim3A_1049, %add3A_453] : memref<8x8x128xf32, #tpu.memory_space<vmem>>[vector<16xi32>, vector<16xi32>, vector<16xi32>], vector<16xf32>,
      %swap3A_1051 = arith.constant 6 : i32
      %swap3A_1052 = arith.constant 6 : i32
      %swap3A_1053 = arith.index_cast %swap3A_1051 : i32 to index
      %swap3A_1054 = arith.index_cast %swap3A_1052 : i32 to index
      %swap3A_1055 = arith.index_cast %mul3A_449 : i32 to index
      %swap3A_1056 = tpu.vector_load %arg7[%swap3A_1053, %swap3A_1054, %swap3A_1055] {strides = array<i32>} : memref<8x8x512xf32, #tpu.memory_space<vmem>>, vector<16xf32>,
      tpu.vector_store %arg7[%swap3A_1053, %swap3A_1054, %swap3A_1055], %gather3A_1050 {strides = array<i32>} : memref<8x8x512xf32, #tpu.memory_space<vmem>>, vector<16xf32>,
      %broadcast_in_dim3A_1057 = arith.constant 6 : i32
      %broadcast_in_dim3A_1058 = vector.broadcast %broadcast_in_dim3A_1057 : i32 to vector<16xi32>
      %broadcast_in_dim3A_1059 = arith.constant 7 : i32
      %broadcast_in_dim3A_1060 = vector.broadcast %broadcast_in_dim3A_1059 : i32 to vector<16xi32>
      %gather3A_1061 = tpu.vector_load_idx %arg6[%broadcast_in_dim3A_1058, %broadcast_in_dim3A_1060, %add3A_453] : memref<8x8x128xf32, #tpu.memory_space<vmem>>[vector<16xi32>, vector<16xi32>, vector<16xi32>], vector<16xf32>,
      %swap3A_1062 = arith.constant 6 : i32
      %swap3A_1063 = arith.constant 7 : i32
      %swap3A_1064 = arith.index_cast %swap3A_1062 : i32 to index
      %swap3A_1065 = arith.index_cast %swap3A_1063 : i32 to index
      %swap3A_1066 = arith.index_cast %mul3A_449 : i32 to index
      %swap3A_1067 = tpu.vector_load %arg7[%swap3A_1064, %swap3A_1065, %swap3A_1066] {strides = array<i32>} : memref<8x8x512xf32, #tpu.memory_space<vmem>>, vector<16xf32>,
      tpu.vector_store %arg7[%swap3A_1064, %swap3A_1065, %swap3A_1066], %gather3A_1061 {strides = array<i32>} : memref<8x8x512xf32, #tpu.memory_space<vmem>>, vector<16xf32>,
      %broadcast_in_dim3A_1068 = arith.constant 7 : i32
      %broadcast_in_dim3A_1069 = vector.broadcast %broadcast_in_dim3A_1068 : i32 to vector<16xi32>
      %broadcast_in_dim3A_1070 = arith.constant 0 : i32
      %broadcast_in_dim3A_1071 = vector.broadcast %broadcast_in_dim3A_1070 : i32 to vector<16xi32>
      %gather3A_1072 = tpu.vector_load_idx %arg6[%broadcast_in_dim3A_1069, %broadcast_in_dim3A_1071, %add3A_453] : memref<8x8x128xf32, #tpu.memory_space<vmem>>[vector<16xi32>, vector<16xi32>, vector<16xi32>], vector<16xf32>,
      %swap3A_1073 = arith.constant 7 : i32
      %swap3A_1074 = arith.constant 0 : i32
      %swap3A_1075 = arith.index_cast %swap3A_1073 : i32 to index
      %swap3A_1076 = arith.index_cast %swap3A_1074 : i32 to index
      %swap3A_1077 = arith.index_cast %mul3A_449 : i32 to index
      %swap3A_1078 = tpu.vector_load %arg7[%swap3A_1075, %swap3A_1076, %swap3A_1077] {strides = array<i32>} : memref<8x8x512xf32, #tpu.memory_space<vmem>>, vector<16xf32>,
      tpu.vector_store %arg7[%swap3A_1075, %swap3A_1076, %swap3A_1077], %gather3A_1072 {strides = array<i32>} : memref<8x8x512xf32, #tpu.memory_space<vmem>>, vector<16xf32>,
      %broadcast_in_dim3A_1079 = arith.constant 7 : i32
      %broadcast_in_dim3A_1080 = vector.broadcast %broadcast_in_dim3A_1079 : i32 to vector<16xi32>
      %broadcast_in_dim3A_1081 = arith.constant 1 : i32
      %broadcast_in_dim3A_1082 = vector.broadcast %broadcast_in_dim3A_1081 : i32 to vector<16xi32>
      %gather3A_1083 = tpu.vector_load_idx %arg6[%broadcast_in_dim3A_1080, %broadcast_in_dim3A_1082, %add3A_453] : memref<8x8x128xf32, #tpu.memory_space<vmem>>[vector<16xi32>, vector<16xi32>, vector<16xi32>], vector<16xf32>,
      %swap3A_1084 = arith.constant 7 : i32
      %swap3A_1085 = arith.constant 1 : i32
      %swap3A_1086 = arith.index_cast %swap3A_1084 : i32 to index
      %swap3A_1087 = arith.index_cast %swap3A_1085 : i32 to index
      %swap3A_1088 = arith.index_cast %mul3A_449 : i32 to index
      %swap3A_1089 = tpu.vector_load %arg7[%swap3A_1086, %swap3A_1087, %swap3A_1088] {strides = array<i32>} : memref<8x8x512xf32, #tpu.memory_space<vmem>>, vector<16xf32>,
      tpu.vector_store %arg7[%swap3A_1086, %swap3A_1087, %swap3A_1088], %gather3A_1083 {strides = array<i32>} : memref<8x8x512xf32, #tpu.memory_space<vmem>>, vector<16xf32>,
      %broadcast_in_dim3A_1090 = arith.constant 7 : i32
      %broadcast_in_dim3A_1091 = vector.broadcast %broadcast_in_dim3A_1090 : i32 to vector<16xi32>
      %broadcast_in_dim3A_1092 = arith.constant 2 : i32
      %broadcast_in_dim3A_1093 = vector.broadcast %broadcast_in_dim3A_1092 : i32 to vector<16xi32>
      %gather3A_1094 = tpu.vector_load_idx %arg6[%broadcast_in_dim3A_1091, %broadcast_in_dim3A_1093, %add3A_453] : memref<8x8x128xf32, #tpu.memory_space<vmem>>[vector<16xi32>, vector<16xi32>, vector<16xi32>], vector<16xf32>,
      %swap3A_1095 = arith.constant 7 : i32
      %swap3A_1096 = arith.constant 2 : i32
      %swap3A_1097 = arith.index_cast %swap3A_1095 : i32 to index
      %swap3A_1098 = arith.index_cast %swap3A_1096 : i32 to index
      %swap3A_1099 = arith.index_cast %mul3A_449 : i32 to index
      %swap3A_1100 = tpu.vector_load %arg7[%swap3A_1097, %swap3A_1098, %swap3A_1099] {strides = array<i32>} : memref<8x8x512xf32, #tpu.memory_space<vmem>>, vector<16xf32>,
      tpu.vector_store %arg7[%swap3A_1097, %swap3A_1098, %swap3A_1099], %gather3A_1094 {strides = array<i32>} : memref<8x8x512xf32, #tpu.memory_space<vmem>>, vector<16xf32>,
      %broadcast_in_dim3A_1101 = arith.constant 7 : i32
      %broadcast_in_dim3A_1102 = vector.broadcast %broadcast_in_dim3A_1101 : i32 to vector<16xi32>
      %broadcast_in_dim3A_1103 = arith.constant 3 : i32
      %broadcast_in_dim3A_1104 = vector.broadcast %broadcast_in_dim3A_1103 : i32 to vector<16xi32>
      %gather3A_1105 = tpu.vector_load_idx %arg6[%broadcast_in_dim3A_1102, %broadcast_in_dim3A_1104, %add3A_453] : memref<8x8x128xf32, #tpu.memory_space<vmem>>[vector<16xi32>, vector<16xi32>, vector<16xi32>], vector<16xf32>,
      %swap3A_1106 = arith.constant 7 : i32
      %swap3A_1107 = arith.constant 3 : i32
      %swap3A_1108 = arith.index_cast %swap3A_1106 : i32 to index
      %swap3A_1109 = arith.index_cast %swap3A_1107 : i32 to index
      %swap3A_1110 = arith.index_cast %mul3A_449 : i32 to index
      %swap3A_1111 = tpu.vector_load %arg7[%swap3A_1108, %swap3A_1109, %swap3A_1110] {strides = array<i32>} : memref<8x8x512xf32, #tpu.memory_space<vmem>>, vector<16xf32>,
      tpu.vector_store %arg7[%swap3A_1108, %swap3A_1109, %swap3A_1110], %gather3A_1105 {strides = array<i32>} : memref<8x8x512xf32, #tpu.memory_space<vmem>>, vector<16xf32>,
      %broadcast_in_dim3A_1112 = arith.constant 7 : i32
      %broadcast_in_dim3A_1113 = vector.broadcast %broadcast_in_dim3A_1112 : i32 to vector<16xi32>
      %broadcast_in_dim3A_1114 = arith.constant 4 : i32
      %broadcast_in_dim3A_1115 = vector.broadcast %broadcast_in_dim3A_1114 : i32 to vector<16xi32>
      %gather3A_1116 = tpu.vector_load_idx %arg6[%broadcast_in_dim3A_1113, %broadcast_in_dim3A_1115, %add3A_453] : memref<8x8x128xf32, #tpu.memory_space<vmem>>[vector<16xi32>, vector<16xi32>, vector<16xi32>], vector<16xf32>,
      %swap3A_1117 = arith.constant 7 : i32
      %swap3A_1118 = arith.constant 4 : i32
      %swap3A_1119 = arith.index_cast %swap3A_1117 : i32 to index
      %swap3A_1120 = arith.index_cast %swap3A_1118 : i32 to index
      %swap3A_1121 = arith.index_cast %mul3A_449 : i32 to index
      %swap3A_1122 = tpu.vector_load %arg7[%swap3A_1119, %swap3A_1120, %swap3A_1121] {strides = array<i32>} : memref<8x8x512xf32, #tpu.memory_space<vmem>>, vector<16xf32>,
      tpu.vector_store %arg7[%swap3A_1119, %swap3A_1120, %swap3A_1121], %gather3A_1116 {strides = array<i32>} : memref<8x8x512xf32, #tpu.memory_space<vmem>>, vector<16xf32>,
      %broadcast_in_dim3A_1123 = arith.constant 7 : i32
      %broadcast_in_dim3A_1124 = vector.broadcast %broadcast_in_dim3A_1123 : i32 to vector<16xi32>
      %broadcast_in_dim3A_1125 = arith.constant 5 : i32
      %broadcast_in_dim3A_1126 = vector.broadcast %broadcast_in_dim3A_1125 : i32 to vector<16xi32>
      %gather3A_1127 = tpu.vector_load_idx %arg6[%broadcast_in_dim3A_1124, %broadcast_in_dim3A_1126, %add3A_453] : memref<8x8x128xf32, #tpu.memory_space<vmem>>[vector<16xi32>, vector<16xi32>, vector<16xi32>], vector<16xf32>,
      %swap3A_1128 = arith.constant 7 : i32
      %swap3A_1129 = arith.constant 5 : i32
      %swap3A_1130 = arith.index_cast %swap3A_1128 : i32 to index
      %swap3A_1131 = arith.index_cast %swap3A_1129 : i32 to index
      %swap3A_1132 = arith.index_cast %mul3A_449 : i32 to index
      %swap3A_1133 = tpu.vector_load %arg7[%swap3A_1130, %swap3A_1131, %swap3A_1132] {strides = array<i32>} : memref<8x8x512xf32, #tpu.memory_space<vmem>>, vector<16xf32>,
      tpu.vector_store %arg7[%swap3A_1130, %swap3A_1131, %swap3A_1132], %gather3A_1127 {strides = array<i32>} : memref<8x8x512xf32, #tpu.memory_space<vmem>>, vector<16xf32>,
      %broadcast_in_dim3A_1134 = arith.constant 7 : i32
      %broadcast_in_dim3A_1135 = vector.broadcast %broadcast_in_dim3A_1134 : i32 to vector<16xi32>
      %broadcast_in_dim3A_1136 = arith.constant 6 : i32
      %broadcast_in_dim3A_1137 = vector.broadcast %broadcast_in_dim3A_1136 : i32 to vector<16xi32>
      %gather3A_1138 = tpu.vector_load_idx %arg6[%broadcast_in_dim3A_1135, %broadcast_in_dim3A_1137, %add3A_453] : memref<8x8x128xf32, #tpu.memory_space<vmem>>[vector<16xi32>, vector<16xi32>, vector<16xi32>], vector<16xf32>,
      %swap3A_1139 = arith.constant 7 : i32
      %swap3A_1140 = arith.constant 6 : i32
      %swap3A_1141 = arith.index_cast %swap3A_1139 : i32 to index
      %swap3A_1142 = arith.index_cast %swap3A_1140 : i32 to index
      %swap3A_1143 = arith.index_cast %mul3A_449 : i32 to index
      %swap3A_1144 = tpu.vector_load %arg7[%swap3A_1141, %swap3A_1142, %swap3A_1143] {strides = array<i32>} : memref<8x8x512xf32, #tpu.memory_space<vmem>>, vector<16xf32>,
      tpu.vector_store %arg7[%swap3A_1141, %swap3A_1142, %swap3A_1143], %gather3A_1138 {strides = array<i32>} : memref<8x8x512xf32, #tpu.memory_space<vmem>>, vector<16xf32>,
      %broadcast_in_dim3A_1145 = arith.constant 7 : i32
      %broadcast_in_dim3A_1146 = vector.broadcast %broadcast_in_dim3A_1145 : i32 to vector<16xi32>
      %broadcast_in_dim3A_1147 = arith.constant 7 : i32
      %broadcast_in_dim3A_1148 = vector.broadcast %broadcast_in_dim3A_1147 : i32 to vector<16xi32>
      %gather3A_1149 = tpu.vector_load_idx %arg6[%broadcast_in_dim3A_1146, %broadcast_in_dim3A_1148, %add3A_453] : memref<8x8x128xf32, #tpu.memory_space<vmem>>[vector<16xi32>, vector<16xi32>, vector<16xi32>], vector<16xf32>,
      %swap3A_1150 = arith.constant 7 : i32
      %swap3A_1151 = arith.constant 7 : i32
      %swap3A_1152 = arith.index_cast %swap3A_1150 : i32 to index
      %swap3A_1153 = arith.index_cast %swap3A_1151 : i32 to index
      %swap3A_1154 = arith.index_cast %mul3A_449 : i32 to index
      %swap3A_1155 = tpu.vector_load %arg7[%swap3A_1152, %swap3A_1153, %swap3A_1154] {strides = array<i32>} : memref<8x8x512xf32, #tpu.memory_space<vmem>>, vector<16xf32>,
      tpu.vector_store %arg7[%swap3A_1152, %swap3A_1153, %swap3A_1154], %gather3A_1149 {strides = array<i32>} : memref<8x8x512xf32, #tpu.memory_space<vmem>>, vector<16xf32>,
    }
    %scan3A_14 = arith.constant 32 : i32
    %mul3A_15 = arith.constant 512 : i32
    %mul3A_16 = arith.muli %add3A, %mul3A_15 : i32
    %dma_start3A_17 = arith.constant 0 : i32
    %dma_start3A_18 = arith.constant 0 : i32
    %dma_start3A_19 = tpu.memref_slice %arg4[%dma_start3A_17, %dma_start3A_18, %mul3A_16] : memref<8x8x16384xf32, #tpu.memory_space<hbm>> -> memref<8x8x512xf32, #tpu.memory_space<hbm>>
    %dma_start3A_20 = arith.constant 0 : i32
    %dma_start3A_21 = arith.constant 0 : i32
    %dma_start3A_22 = tpu.memref_slice %arg4[%dma_start3A_20, %dma_start3A_21, %mul3A_16] : memref<8x8x16384xf32, #tpu.memory_space<hbm>> -> memref<8x8x512xf32, #tpu.memory_space<hbm>>
    tpu.enqueue_dma source(%arg7 : memref<8x8x512xf32, #tpu.memory_space<vmem>>) target(%dma_start3A_22 : memref<8x8x512xf32, #tpu.memory_space<hbm>>) target_semaphore(%arg8 : memref<!tpu.dma_semaphore, #tpu.memory_space<semaphore_mem>>)
    %dma_wait3A_23 = arith.constant 0 : i32
    %dma_wait3A_24 = arith.constant 0 : i32
    %dma_wait3A_25 = tpu.memref_slice %arg4[%dma_wait3A_23, %dma_wait3A_24, %mul3A_16] : memref<8x8x16384xf32, #tpu.memory_space<hbm>> -> memref<8x8x512xf32, #tpu.memory_space<hbm>>
    %dma_wait3A_26 = arith.constant 0 : i32
    %dma_wait3A_27 = arith.constant 0 : i32
    %dma_wait3A_28 = tpu.memref_slice %arg4[%dma_wait3A_26, %dma_wait3A_27, %mul3A_16] : memref<8x8x16384xf32, #tpu.memory_space<hbm>> -> memref<8x8x512xf32, #tpu.memory_space<hbm>>
    tpu.wait_dma2 semaphore(%arg8 : memref<!tpu.dma_semaphore, #tpu.memory_space<semaphore_mem>>) src(%arg7 : memref<8x8x512xf32, #tpu.memory_space<vmem>>) dst(%dma_wait3A_28 : memref<8x8x512xf32, #tpu.memory_space<hbm>>)
    return
  }
}

</mosaic_0001>

<sc_bundles>
// kernel: kernel.3.cloned.1.call-start
scs
__scs_entry_jumppad:
0x0: {  	(pc) =	sbr.rel $0x88, $3  }
0x1: {  	(tag) =	ssettag $0x0;
	lr =	simm.s32 $0x1  }
0x2: {  	[smem:$0x3F9F] =	sst lr;
	_ =	strace $0xD0000000  }
0x3: {  	_ = 	snop  }
0x4: {  	_ = 	snop  }
0x5: {  	_ = 	snop  }
0x6: {  	_ = 	snop  }
0x7: {  	_ = 	snop  }
__scs_overlays_trampoline_lowered:
0x8: {  	[smem:$0x3FAE] =	sst s0  }
0x9: {  	[smem:$0x3FAF] =	sst s1  }
0xa: {  	[smem:$0x3FB0] =	sst s2  }
0xb: {  	[smem:$0x3FB1] =	sst s3  }
0xc: {  	[smem:$0x3FB2] =	sst s4  }
0xd: {  	[smem:$0x3FB3] =	sst s5  }
0xe: {  	[smem:$0x3FB4] =	sst s6  }
0xf: {  	[smem:$0x3FB5] =	sst s7  }
0x10: {  	[smem:$0x3FB6] =	sst s8  }
0x11: {  	[smem:$0x3FB7] =	sst s9;
	s0 =	simm.s32 @!p0 $0x0  }
0x12: {  	s1 =	sld [smem:$0x3F9D];
	s0 =	simm.s32 @p0 $0x1  }
0x13: {  	[smem:$0x3FB8] =	sst s0;
	s0 =	simm.s32 @!p1 $0x0  }
0x14: {  	s2 =	sld [smem:$0x3F9C];
	s0 =	simm.s32 @p1 $0x1  }
0x15: {  	[smem:$0x3FB9] =	sst s0;
	s0 =	simm.s32 @!p2 $0x0  }
0x16: {  	s3 =	sld [smem:$0x3FDB];
	s0 =	simm.s32 @p2 $0x1  }
0x17: {  	s4 =	simm.s32 $0x1BF5;
	[smem:$0x3FBB] =	sst s0  }
0x18: {  	s0 =	sld [smem:$0x3F9E];
	_ =	swait.ge [sflag:s4], $0x0  }
0x19: {  	s7 =	sld [smem:$0x3F9F]  }
0x1a: {  	s8 =	sadd.s32 $0xFFFFE003, lr  }
0x1b: {  	s9 =	sadd.s32 $0xFFFFFEF7, lr;
	s5 =	simm.s32 $0xFFFFFFFF;
	p2 =	slt.u32 s8, $0xFFFFF086  }
0x1c: {  	p1 =	slt.u32 s9, $0xF7A;
	s5 =	simm.s32 @!p2 $0x0  }
0x1d: {  	s5 =	simm.s32 @p1 $0x1;
	p0 =	seq.s32 s7, s2  }
0x1e: {  	s7 =	smul.u32 @!p0 $0xF7A, s2;
	p2 =	seq.s32 @!p0 s5, $0x0  }
0x1f: {  	s9 =	smul.u32 $0xF7A, s1;
	s8 =	simm.s32 @!p0 $0x1BF5;
	p2 =	por !p2, p0  }
0x20: {  	[sflag:s8] =	ssyncset.s32 @!p0 $0xFFFFF086;
	s6 =	sadd.s32 @!p0 s3, s7;
	s7 =	simm.s32 @!p0 $0x108  }
0x21: {  	s3 =	sadd.s32 s3, s9;
	s6 =	sadd.s32 @!p0 $0x88, s6;
	s7 =	simm.s32 @p2 $0x1082  }
0x22: {  	[simem:s7], [sflag:s8] =	dma.local @!p0 [hbm:s6], $0xF7A  }
0x23: {  	s9 =	sor.u32 $0xD0000000, s2;
	s6 =	simm.s32 $0x108;
	_ =	swait.ge @!p0 [sflag:s8], $0x0  }
0x24: {  	s3 =	sadd.s32 $0x88, s3;
	s6 =	simm.s32 @!p1 $0x1082;
	[sflag:s4] =	ssyncset.s32 $0xFFFFF086  }
0x25: {  	[simem:s6], [sflag:s4] =	dma.local [hbm:s3], $0xF7A  }
0x26: {  	[smem:$0x3F9F] =	sst s1;
	(tag) =	ssettag s2;
	_ =	strace s9  }
0x27: {  	s1 =	sld [smem:$0x3FAF]  }
0x28: {  	s2 =	sld [smem:$0x3FB0]  }
0x29: {  	s4 =	sld [smem:$0x3FB2]  }
0x2a: {  	p0 =	seq.s32 s5, $0x0;
	s5 =	sld [smem:$0x3FB3]  }
0x2b: {  	s6 =	sld [smem:$0x3FB4]  }
0x2c: {  	s7 =	sld [smem:$0x3FB5]  }
0x2d: {  	s3 =	simm.s32 $0x108;
	s8 =	sld [smem:$0x3FB6]  }
0x2e: {  	s3 =	simm.s32 @!p0 $0x1082;
	s9 =	sld [smem:$0x3FB7]  }
0x2f: {  	lr =	sadd.s32 s0, s3;
	s0 =	sld [smem:$0x3FAE]  }
0x30: {  	s3 =	sld [smem:$0x3FB1]  }
0x31: {  	[smem:$0x3FBA] =	sst s10  }
0x32: {  	s10 =	sld [smem:$0x3FB8];
	_ =	sdelay $0x3  }
0x33: {  	p0 =	seq.s32 s10, $0x1;
	s10 =	sld [smem:$0x3FBA];
	_ =	sdelay $0x3  }
0x34: {  	[smem:$0x3FBA] =	sst s10  }
0x35: {  	s10 =	sld [smem:$0x3FB9];
	_ =	sdelay $0x3  }
0x36: {  	p1 =	seq.s32 s10, $0x1;
	s10 =	sld [smem:$0x3FBA];
	_ =	sdelay $0x3  }
0x37: {  	[smem:$0x3FBA] =	sst s10  }
0x38: {  	s10 =	sld [smem:$0x3FBB]  }
0x39: {  	_ = 	snop;
	(pc) =	sbr.ind lr, $3  }
0x3a: {  	_ = 	snop  }
0x3b: {  	_ = 	snop  }
0x3c: {  	p2 =	seq.s32 s10, $0x1;
	s10 =	sld [smem:$0x3FBA]  }
0x3d: {  	_ =	shalt  }
0x3e: {  	_ =	shalt  }
0x3f: {  	_ =	shalt  }
0x40: {  	_ =	shalt  }
0x41: {  	_ =	shalt  }
0x42: {  	_ =	shalt  }
0x43: {  	_ =	shalt  }
0x44: {  	_ =	shalt  }
0x45: {  	_ =	shalt  }
0x46: {  	_ =	shalt  }
0x47: {  	_ =	shalt  }
0x48: {  	_ =	shalt  }
0x49: {  	_ =	shalt  }
0x4a: {  	_ =	shalt  }
0x4b: {  	_ =	shalt  }
0x4c: {  	_ =	shalt  }
0x4d: {  	_ =	shalt  }
0x4e: {  	_ =	shalt  }
0x4f: {  	_ =	shalt  }
0x50: {  	_ =	shalt  }
0x51: {  	_ =	shalt  }
0x52: {  	_ =	shalt  }
0x53: {  	_ =	shalt  }
0x54: {  	_ =	shalt  }
0x55: {  	_ =	shalt  }
0x56: {  	_ =	shalt  }
0x57: {  	_ =	shalt  }
0x58: {  	_ =	shalt  }
0x59: {  	_ =	shalt  }
0x5a: {  	_ =	shalt  }
0x5b: {  	_ =	shalt  }
0x5c: {  	_ =	shalt  }
0x5d: {  	_ =	shalt  }
0x5e: {  	_ =	shalt  }
0x5f: {  	_ =	shalt  }
0x60: {  	_ =	shalt  }
0x61: {  	_ =	shalt  }
0x62: {  	_ =	shalt  }
0x63: {  	_ =	shalt  }
0x64: {  	_ =	shalt  }
0x65: {  	_ =	shalt  }
0x66: {  	_ =	shalt  }
0x67: {  	_ =	shalt  }
0x68: {  	_ =	shalt  }
0x69: {  	_ =	shalt  }
0x6a: {  	_ =	shalt  }
0x6b: {  	_ =	shalt  }
0x6c: {  	_ =	shalt  }
0x6d: {  	_ =	shalt  }
0x6e: {  	_ =	shalt  }
0x6f: {  	_ =	shalt  }
0x70: {  	_ =	shalt  }
0x71: {  	_ =	shalt  }
0x72: {  	_ =	shalt  }
0x73: {  	_ =	shalt  }
0x74: {  	_ =	shalt  }
0x75: {  	_ =	shalt  }
0x76: {  	_ =	shalt  }
0x77: {  	_ =	shalt  }
0x78: {  	_ =	shalt  }
0x79: {  	_ =	shalt  }
0x7a: {  	_ =	shalt  }
0x7b: {  	_ =	shalt  }
0x7c: {  	_ =	shalt  }
0x7d: {  	_ =	shalt  }
0x7e: {  	_ =	shalt  }
0x7f: {  	_ =	shalt  }
0x80: {  	_ =	shalt  }
0x81: {  	_ =	shalt  }
0x82: {  	_ =	shalt  }
0x83: {  	_ =	shalt  }
0x84: {  	_ =	shalt  }
0x85: {  	_ =	shalt  }
0x86: {  	_ =	shalt  }
0x87: {  	_ =	shalt  }
.Lfunc_end0:
.L_simem_size_0:
called_computation_lowered:
.L_overlay_start_0:
0x88: {  	s2 =	sld [smem:$0x3FD9]  }
0x89: {  	s3 =	sld [smem:$0x3FFE];
	_ =	sdelay $0x1  }
0x8a: {  	s1 =	srdreg.scid  }
0x8b: {  	s0 =	sand.u32 $0x1, s1  }
0x8c: {  	s17 =	sshll.u32 s0, $0xA;
	s2 =	sadd.s32 s3, s2  }
0x8d: {  	s2 =	sadd.s32 s2, s17  }
0x8e: {  	[smem:$0x3FC6] =	sst s2  }
0x8f: {  	_ = 	snop  }
0x90: {  	s2 =	sld [smem:$0x3FC8]  }
0x91: {  	s18 =	sld [smem:$0x3FD0];
	(tm) =	ssettm $0x1  }
0x92: {  	s4 =	sld [smem:$0x3FFB];
	_ =	sdelay $0x3  }
0x93: {  	_ =	strace s4  }
0x94: {  	s4 =	sld [smem:$0x3FFC];
	_ =	sdelay $0x3  }
0x95: {  	_ =	strace s4  }
0x96: {  	s4 =	sld [smem:$0x3FFD];
	_ =	sdelay $0x3  }
0x97: {  	_ =	strace s4  }
0x98: {  	_ =	strace $0x8FFFFFFF  }
0x99: {  	s19 =	sld [smem:$0x3FDB];
	_ =	sdelay $0x1  }
0x9a: {  	s5 =	simm.s32 $_scs_section_size  }
0x9b: {  	s6 =	simm.s32 $_size__tile_overlayer_lowered;
	s7 =	simm.s32 $_tile_overlayer_lowered  }
0x9c: {  	s22 =	simm.s32 $0x1BFF;
	s21 =	sshll.u32 s7, $0x1;
	s4 =	sadd.s32 s5, s19  }
0x9d: {  	s8 =	simm.s32 $0x0;
	s20 =	sshll.u32 s6, $0x1;
	s6 =	sadd.s32 s21, s4  }
0x9e: {  	[timem:s8], [sflag:s22] =	dma.local [hbm:s6], s20  }
0x9f: {  	_ =	swait.ge [sflag:s22], s20  }
0xa0: {  	s5 =	ssub.s32 $0x0, s20;
	[sflag:s22] =	ssyncset.done $0x0  }
0xa1: {  	[sflag:s22] =	ssyncadd.s32 s5;
	_ =	sdelay $0x1  }
0xa2: {  	s23 =	simm.s32 $0x1B8B  }
0xa3: {  	_ =	swait.ge [sflag:s23], $0x1  }
0xa4: {  	[sflag:s23] =	ssyncset.done $0x0  }
0xa5: {  	s25 =	simm.s32 $0x1B8E;
	s24 =	sld [smem:$0x3FFE];
	[sflag:s23] =	ssyncadd.s32 $0xFFFFFFFF  }
0xa6: {  	s26 =	simm.s32 $execute0_lowered;
	[smem:$0x3FD2] =	sst s25  }
0xa7: {  	s6 =	sshll.u32 s26, $0x1;
	_ =	strace $0x80000046;
	[dreg:$0x1] =	wrdreg $0xFFFFFFFF  }
0xa8: {  	s28 =	simm.s32 $_size_execute0_lowered;
	s4 =	sadd.s32 s4, s6;
	[dreg:$0x0] =	wrdreg $0x0  }
0xa9: {  	s6 =	sshll.u32 s28, $0x1;
	[dreg:$0x2] =	wrdreg s4  }
0xaa: {  	[dreg:$0x3] =	wrdreg s6  }
0xab: {  	[dreg:$0x4] =	wrdreg $0xC0  }
0xac: {  	_ =	task [dreg:s8], $0x5FFFF  }
0xad: {  	[dreg:$0x1] =	wrdreg $0xFFFFFFFF  }
0xae: {  	[dreg:$0x0] =	wrdreg $0x60  }
0xaf: {  	[dreg:$0x2] =	wrdreg s24  }
0xb0: {  	[dreg:$0x3] =	wrdreg s2  }
0xb1: {  	[dreg:$0x4] =	wrdreg s18  }
0xb2: {  	[dreg:$0x5] =	wrdreg $0x9  }
0xb3: {  	_ =	task.clear_ibuf [dreg:s8], $0x6FFFF;
	_ =	strace $0x90000046  }
0xb4: {  	s29 =	simm.s32 $0x9;
	_ =	strace $0x80000048  }
0xb5: {  	_ =	swait.ge [sflag:s29], $0x1  }
0xb6: {  	[sflag:s29] =	ssyncadd.s32 $0xFFFFFFFF  }
0xb7: {  	_ =	strace $0x90000048  }
0xb8: {  	_ =	sfence  }
0xb9: {  	s30 =	sld [smem:$0x0];
	_ =	sdelay $0x2  }
0xba: {  	s31 =	sshll.u32 s1, $0xD;
	s1 =	sshrl.u32 s1, $0x2  }
0xbb: {  	s3 =	sand.u32 $0x4000, s31;
	s1 =	sadd.s32 s1, s30  }
0xbc: {  	s0 =	sor.u32 s3, s0;
	s1 =	sshll.u32 s1, $0x11  }
0xbd: {  	s0 =	sor.u32 s1, s0  }
0xbe: {  	s0 =	sadd.s32 $0x8F2B, s0  }
0xbf: {  	[sflag:s0] =	ssyncadd.remote.s32 $0x1  }
0xc0: {  	_ =	sfence.sel $0xFFFF  }
0xc1: {  	[dreg:$0x0] =	wrdreg $0xFFFFFFFF;
	(pc) =	sbr.abs _section_cstart, $3  }
0xc2: {  	[dreg:$0x1] =	wrdreg $0xFFFFFFFF  }
0xc3: {  	_ =	task.clear_ibuf [dreg:s8], $0x2FFFF;
	_ =	strace $0x9FFFFFFF  }
0xc4: {  	(tm) =	ssettm $0x7FFFFFFF  }
0xc5: {  	_ =	shalt  }
tec
execute0_lowered:
.L_overlay_start_1:
0x0: {  	(tag) =	ssettag $0x1  }
0x1: {  	vm0 =	vmmov $0x1;
	vm1 =	vcmask $0x308;
	vm2 =	vcmask $0x70C  }
0x2: {  	vm3 =	vcmask $0xB10;
	vm4 =	vcmask $0xF14;
	vm5 =	vcmask $0x1318  }
0x3: {  	vm6 =	vcmask $0x171C;
	vm7 =	vcmask $0x1B20;
	vm8 =	vcmask $0x1F24  }
0x4: {  	vm9 =	vcmask $0x2328;
	vm10 =	vcmask $0x272C;
	v0 =	vlaneseq.u32  }
0x5: {  	vm11 =	vcmask $0x2B30;
	vm12 =	vcmask $0x2F34;
	v0 =	vmul.u32 $0x8, v0  }
0x6: {  	vm13 =	vcmask $0x3338;
	vm14 =	vcmask $0x373C;
	vm15 =	vmmov $0x7fff  }
0x7: {  	v1 =	vor.u32 $0x80, v0;
	v2 =	vor.u32 $0x100, v0;
	v3 =	vor.u32 $0x180, v0  }
0x8: {  	v4 =	vor.u32 $0x200, v0;
	v5 =	vor.u32 $0x280, v0;
	v6 =	vor.u32 $0x300, v0  }
0x9: {  	v7 =	vor.u32 $0x380, v0;
	v8 =	vor.u32 $0x400, v0;
	v9 =	vor.u32 $0x480, v0  }
0xa: {  	s1 =	srdreg.scid;
	s4 =	rddreg [dreg:$0x0];
	v10 =	vor.u32 $0x500, v0;
	v11 =	vor.u32 $0x580, v0;
	v12 =	vor.u32 $0x600, v0  }
0xb: {  	s0 =	stileid.u32;
	s6 =	rddreg [dreg:$0x2];
	v13 =	vor.u32 $0x680, v0;
	v14 =	vor.u32 $0x700, v0;
	v15 =	vor.u32 $0x780, v0  }
0xc: {  	s10 =	simm.s32 $0x2;
	s11 =	simm.s32 $0x200;
	s12 =	simm.s32 $0x1000;
	v16 =	vor.u32 $0x800, v0;
	v17 =	vor.u32 $0x880, v0;
	v18 =	vor.u32 $0x900, v0  }
0xd: {  	s13 =	simm.s32 $0x20000;
	s5 =	sand.u32 $0x1, s1;
	s2 =	sshll.u32 s0, $0x1;
	v19 =	vor.u32 $0x980, v0;
	v20 =	vor.u32 $0xA00, v0;
	v21 =	vor.u32 $0xA80, v0  }
0xe: {  	s14 =	simm.s32 $0x2200;
	s15 =	simm.s32 $0x0;
	s2 =	sor.u32 s5, s2;
	v22 =	vor.u32 $0xB00, v0;
	v23 =	vor.u32 $0xB80, v0;
	v24 =	vor.u32 $0xC00, v0  }
0xf: {  	s1 =	rddreg [dreg:$0x1];
	s5 =	ssub.s32 $0x2, s5;
	s7 =	sshll.u32 s2, $0x9;
	v25 =	vor.u32 $0xC80, v0;
	v26 =	vor.u32 $0xD00, v0;
	v27 =	vor.u32 $0xD80, v0  }
0x10: {  	s3 =	sshll.u32 s2, $0x7;
	s2 =	rddreg [dreg:$0x3];
	s30 =	sshrl.u32 s5, $0x1;
	v28 =	vor.u32 $0xE00, v0;
	v29 =	vor.u32 $0xE80, v0;
	v30 =	vor.u32 $0xF00, v0  }
0x11: {  	v31 =	vor.u32 $0xF80, v0;
	v32 =	vor.u32 $0x1000, v0;
	v33 =	vor.u32 $0x1080, v0;
	s8 =	sand.u32 $0x3000, s7;
	s9 =	sand.u32 $0x380, s3;
	s3 =	simm.s32 $0x0  }
0x12: {  	v34 =	vor.u32 $0x1100, v0;
	v35 =	vor.u32 $0x1180, v0;
	v36 =	vor.u32 $0x1200, v0;
	s31 =	ssub.s32 s5, s30;
	s5 =	sadd.s32 s6, s7;
	s8 =	sor.u32 s9, s8  }
0x13: {  	v37 =	vor.u32 $0x1280, v0;
	v38 =	vor.u32 $0x1300, v0;
	v39 =	vor.u32 $0x1380, v0;
	s7 =	simm.s32 $0x80;
	[smem:$0x7FF] =	sst s3;
	s8 =	sshrl.u32 s8, $0x3  }
0x14: {  	v40 =	vor.u32 $0x1400, v0;
	v41 =	vor.u32 $0x1480, v0;
	v42 =	vor.u32 $0x1500, v0;
	s6 =	smax.u32 s31, $0x1;
	s9 =	simm.s32 $0x1;
	s4 =	sadd.s32 s8, s4  }
0x15: {  	v43 =	vor.u32 $0x1580, v0;
	v44 =	vor.u32 $0x1600, v0;
	v45 =	vor.u32 $0x1680, v0;
	_ =	strace $0x80000047;
	s8 =	simm.s32 $0x400;
	s4 =	sadd.s32 $0x400, s4  }
.LBB2_1:
0x16: {  	[tilespmem:s3], [sflag:$0x1] =	stream.strided.gather [hbm4b:s4+s7], $0x200, s8, s7, $0x38;
	[tilespmem:$0xA200] =	vst v63  }
0x17: {  	_ =	swait.ge [sflag:s9], $0x200  }
0x18: {  	[sflag:s9] =	ssyncset.done $0x0  }
0x19: {  	s16 =	simm.s32 $0x0;
	[sflag:s9] =	ssyncadd.s32 $0xFFFFFE00  }
.LBB2_2:
0x1a: {  	s17 =	sshll.u32 s16, $0x4  }
0x1b: {  	v46 =	vld [tilespmem:s17+$0x0];
	_ =	sdelay $0x4  }
0x1c: {  	v47 =	vand.u32 $0xFFFFFFF8, v46  }
0x1d: {  	v48 =	vnsel vm0, $0x0, v47  }
0x1e: {  	(xrf0) =	vadd.scan.msk.s32 $0xffff, v48;
	_ =	sdelay $0x5  }
0x1f: {  	v48, _, _ =	vpop (xrf0)  }
0x20: {  	(v2sf) =	vpush v48, $0xF;
	_ =	sdelay $0xe  }
0x21: {  	s18 =	spop (v2sf)  }
0x22: {  	s19 =	sshll.u32 s18, $0x3  }
0x23: {  	s18 =	sand.u32 $0x78, s18;
	s19 =	sand.u32 $0xFFFFFC00, s19  }
0x24: {  	s18 =	sor.u32 s18, s19  }
0x25: {  	s18 =	sshrl.u32 s18, $0x3  }
0x26: {  	s30 =	simm.s32 $0x200;
	s19 =	sadd.s32 s1, s18  }
0x27: {  	[tilespmem:s30], [sflag:$0x2] =	stream.linear.gather [hbm4b:s19+s3], $0x8, $0x38;
	[tilespmem:$0xA200] =	vst v63  }
0x28: {  	s20 =	simm.s32 $0x280;
	s31 =	sadd.s32 $0x10, s19  }
0x29: {  	[tilespmem:s20], [sflag:$0x2] =	stream.linear.gather [hbm4b:s31+s3], $0x8, $0x38;
	[tilespmem:$0xA200] =	vst v63  }
0x2a: {  	s22 =	simm.s32 $0x300;
	s24 =	simm.s32 $0x380;
	s21 =	sadd.s32 $0x20, s19  }
0x2b: {  	[tilespmem:s22], [sflag:$0x2] =	stream.linear.gather [hbm4b:s21+s3], $0x8, $0x38;
	[tilespmem:$0xA200] =	vst v63  }
0x2c: {  	s26 =	simm.s32 $0x400;
	s29 =	simm.s32 $0x480;
	s23 =	sadd.s32 $0x30, s19  }
0x2d: {  	[tilespmem:s24], [sflag:$0x2] =	stream.linear.gather [hbm4b:s23+s3], $0x8, $0x38;
	[tilespmem:$0xA200] =	vst v63  }
0x2e: {  	s18 =	simm.s32 $0x400;
	s25 =	sadd.s32 $0x40, s19;
	s28 =	sadd.s32 $0x50, s19  }
0x2f: {  	[tilespmem:s26], [sflag:$0x2] =	stream.linear.gather [hbm4b:s25+s3], $0x8, $0x38;
	[tilespmem:$0xA200] =	vst v63  }
0x30: {  	s30 =	sadd.s32 $0x60, s19;
	s31 =	simm.s32 $0x500;
	s20 =	simm.s32 $0x2000  }
0x31: {  	[tilespmem:s29], [sflag:$0x2] =	stream.linear.gather [hbm4b:s28+s3], $0x8, $0x38;
	[tilespmem:$0xA200] =	vst v63  }
0x32: {  	s21 =	sadd.s32 $0x70, s19;
	s22 =	simm.s32 $0x580;
	s19 =	sadd.s32 $0xF4280, s19  }
0x33: {  	[tilespmem:s31], [sflag:$0x2] =	stream.linear.gather [hbm4b:s30+s3], $0x8, $0x38;
	[tilespmem:$0xA200] =	vst v63  }
.LBB2_3:
0x34: {  	[tilespmem:s22], [sflag:$0x2] =	stream.linear.gather [hbm4b:s21+s3], $0x8, $0x38;
	[tilespmem:$0xA200] =	vst v63  }
0x35: {  	s22 =	smov.u32 s18;
	s18 =	smov.u32 s20  }
0x36: {  	s23 =	sadd.s32 $0x1000, s20;
	s18 =	sshra.s32 s18, $0x2;
	s21 =	sadd.s32 $0x200, s22  }
0x37: {  	[tilespmem:s21], [sflag:$0x2] =	stream.linear.gather [hbm4b:s19+s3], $0x8, $0x38;
	[tilespmem:$0xA200] =	vst v63  }
0x38: {  	p0 =	sne.s32 s20, $0x7000;
	s20 =	sadd.s32 $0x10, s19;
	s21 =	sadd.s32 $0x280, s22  }
0x39: {  	[tilespmem:s21], [sflag:$0x2] =	stream.linear.gather [hbm4b:s20+s3], $0x8, $0x38;
	[tilespmem:$0xA200] =	vst v63  }
0x3a: {  	s20 =	sadd.s32 $0x20, s19;
	s21 =	sadd.s32 $0x300, s22  }
0x3b: {  	[tilespmem:s21], [sflag:$0x2] =	stream.linear.gather [hbm4b:s20+s3], $0x8, $0x38;
	[tilespmem:$0xA200] =	vst v63  }
0x3c: {  	s20 =	sadd.s32 $0x30, s19;
	s21 =	sadd.s32 $0x380, s22  }
0x3d: {  	[tilespmem:s21], [sflag:$0x2] =	stream.linear.gather [hbm4b:s20+s3], $0x8, $0x38;
	[tilespmem:$0xA200] =	vst v63  }
0x3e: {  	s20 =	sadd.s32 $0x40, s19;
	s21 =	sadd.s32 $0x400, s22  }
0x3f: {  	[tilespmem:s21], [sflag:$0x2] =	stream.linear.gather [hbm4b:s20+s3], $0x8, $0x38;
	[tilespmem:$0xA200] =	vst v63  }
.Ltmp0:
0x40: {  	s20 =	sadd.s32 $0x50, s19;
	s21 =	sadd.s32 $0x480, s22;
	(pc) =	sbr.rel @p0 .LBB2_3-.Ltmp0, $4  }
0x41: {  	[tilespmem:s21], [sflag:$0x2] =	stream.linear.gather [hbm4b:s20+s3], $0x8, $0x38;
	[tilespmem:$0xA200] =	vst v63  }
0x42: {  	s20 =	sadd.s32 $0x60, s19;
	s21 =	sadd.s32 $0x500, s22;
	s22 =	sadd.s32 $0x580, s22  }
0x43: {  	[tilespmem:s21], [sflag:$0x2] =	stream.linear.gather [hbm4b:s20+s3], $0x8, $0x38;
	[tilespmem:$0xA200] =	vst v63  }
0x44: {  	s21 =	sadd.s32 $0x70, s19;
	s19 =	sadd.s32 $0xF4280, s19;
	s20 =	smov.u32 s23  }
0x45: {  	v48 =	vsel vm1, $0x0, v47  }
0x46: {  	(xrf0) =	vadd.scan.msk.s32 $0xffff, v48;
	_ =	sdelay $0x4  }
0x47: {  	[tilespmem:s22], [sflag:$0x2] =	stream.linear.gather [hbm4b:s21+s3], $0x8, $0x38;
	[tilespmem:$0xA200] =	vst v63  }
0x48: {  	s20 =	sadd.s32 $0x200, s18;
	v48, _, _ =	vpop (xrf0)  }
0x49: {  	[tilespmem:s20], [sflag:$0x2] =	stream.linear.gather [hbm4b:s19+s3], $0x8, $0x38;
	(v2sf) =	vpush v48, $0xF;
	[tilespmem:$0xA200] =	vst v63  }
0x4a: {  	s21 =	sadd.s32 $0x10, s19;
	s22 =	sadd.s32 $0x280, s18  }
0x4b: {  	[tilespmem:s22], [sflag:$0x2] =	stream.linear.gather [hbm4b:s21+s3], $0x8, $0x38;
	[tilespmem:$0xA200] =	vst v63  }
0x4c: {  	s23 =	sadd.s32 $0x20, s19;
	s24 =	sadd.s32 $0x300, s18  }
0x4d: {  	[tilespmem:s24], [sflag:$0x2] =	stream.linear.gather [hbm4b:s23+s3], $0x8, $0x38;
	[tilespmem:$0xA200] =	vst v63  }
0x4e: {  	s25 =	sadd.s32 $0x30, s19;
	s26 =	sadd.s32 $0x380, s18  }
0x4f: {  	[tilespmem:s26], [sflag:$0x2] =	stream.linear.gather [hbm4b:s25+s3], $0x8, $0x38;
	[tilespmem:$0xA200] =	vst v63  }
0x50: {  	s28 =	sadd.s32 $0x40, s19;
	s29 =	sadd.s32 $0x400, s18  }
0x51: {  	[tilespmem:s29], [sflag:$0x2] =	stream.linear.gather [hbm4b:s28+s3], $0x8, $0x38;
	[tilespmem:$0xA200] =	vst v63  }
0x52: {  	s30 =	sadd.s32 $0x50, s19;
	s31 =	sadd.s32 $0x480, s18  }
0x53: {  	[tilespmem:s31], [sflag:$0x2] =	stream.linear.gather [hbm4b:s30+s3], $0x8, $0x38;
	[tilespmem:$0xA200] =	vst v63  }
0x54: {  	s22 =	sadd.s32 $0x60, s19;
	s23 =	sadd.s32 $0x500, s18  }
0x55: {  	[tilespmem:s23], [sflag:$0x2] =	stream.linear.gather [hbm4b:s22+s3], $0x8, $0x38;
	[tilespmem:$0xA200] =	vst v63  }
0x56: {  	s24 =	sadd.s32 $0x70, s19;
	s25 =	sadd.s32 $0x580, s18  }
0x57: {  	[tilespmem:s25], [sflag:$0x2] =	stream.linear.gather [hbm4b:s24+s3], $0x8, $0x38;
	[tilespmem:$0xA200] =	vst v63  }
0x58: {  	s26 =	spop (v2sf)  }
0x59: {  	s28 =	sshll.u32 s26, $0x3  }
0x5a: {  	s18 =	sand.u32 $0x78, s26;
	s19 =	sand.u32 $0xFFFFFC00, s28  }
0x5b: {  	s18 =	sor.u32 s18, s19  }
0x5c: {  	s18 =	sshrl.u32 s18, $0x3  }
0x5d: {  	s29 =	simm.s32 $0x208;
	s19 =	sadd.s32 s1, s18  }
0x5e: {  	[tilespmem:s29], [sflag:$0x2] =	stream.linear.gather [hbm4b:s19+s3], $0x8, $0x38;
	[tilespmem:$0xA200] =	vst v63  }
0x5f: {  	s31 =	simm.s32 $0x288;
	s30 =	sadd.s32 $0x10, s19  }
0x60: {  	[tilespmem:s31], [sflag:$0x2] =	stream.linear.gather [hbm4b:s30+s3], $0x8, $0x38;
	[tilespmem:$0xA200] =	vst v63  }
0x61: {  	s20 =	simm.s32 $0x2000;
	s22 =	simm.s32 $0x308;
	s21 =	sadd.s32 $0x20, s19  }
0x62: {  	[tilespmem:s22], [sflag:$0x2] =	stream.linear.gather [hbm4b:s21+s3], $0x8, $0x38;
	[tilespmem:$0xA200] =	vst v63  }
0x63: {  	s24 =	simm.s32 $0x388;
	s26 =	simm.s32 $0x408;
	s23 =	sadd.s32 $0x30, s19  }
0x64: {  	[tilespmem:s24], [sflag:$0x2] =	stream.linear.gather [hbm4b:s23+s3], $0x8, $0x38;
	[tilespmem:$0xA200] =	vst v63  }
0x65: {  	s18 =	simm.s32 $0x400;
	s25 =	sadd.s32 $0x40, s19;
	s28 =	sadd.s32 $0x50, s19  }
0x66: {  	[tilespmem:s26], [sflag:$0x2] =	stream.linear.gather [hbm4b:s25+s3], $0x8, $0x38;
	[tilespmem:$0xA200] =	vst v63  }
0x67: {  	s29 =	simm.s32 $0x488;
	s30 =	sadd.s32 $0x60, s19;
	s31 =	simm.s32 $0x508  }
0x68: {  	[tilespmem:s29], [sflag:$0x2] =	stream.linear.gather [hbm4b:s28+s3], $0x8, $0x38;
	[tilespmem:$0xA200] =	vst v63  }
0x69: {  	s21 =	sadd.s32 $0x70, s19;
	s22 =	simm.s32 $0x588;
	s19 =	sadd.s32 $0xF4280, s19  }
0x6a: {  	[tilespmem:s31], [sflag:$0x2] =	stream.linear.gather [hbm4b:s30+s3], $0x8, $0x38;
	[tilespmem:$0xA200] =	vst v63  }
.LBB2_5:
0x6b: {  	[tilespmem:s22], [sflag:$0x2] =	stream.linear.gather [hbm4b:s21+s3], $0x8, $0x38;
	[tilespmem:$0xA200] =	vst v63  }
0x6c: {  	s22 =	smov.u32 s18;
	s18 =	smov.u32 s20  }
0x6d: {  	s23 =	sadd.s32 $0x1000, s20;
	s18 =	sshra.s32 s18, $0x2;
	s21 =	sadd.s32 $0x208, s22  }
0x6e: {  	[tilespmem:s21], [sflag:$0x2] =	stream.linear.gather [hbm4b:s19+s3], $0x8, $0x38;
	[tilespmem:$0xA200] =	vst v63  }
0x6f: {  	p0 =	sne.s32 s20, $0x7000;
	s20 =	sadd.s32 $0x10, s19;
	s21 =	sadd.s32 $0x288, s22  }
0x70: {  	[tilespmem:s21], [sflag:$0x2] =	stream.linear.gather [hbm4b:s20+s3], $0x8, $0x38;
	[tilespmem:$0xA200] =	vst v63  }
0x71: {  	s20 =	sadd.s32 $0x20, s19;
	s21 =	sadd.s32 $0x308, s22  }
0x72: {  	[tilespmem:s21], [sflag:$0x2] =	stream.linear.gather [hbm4b:s20+s3], $0x8, $0x38;
	[tilespmem:$0xA200] =	vst v63  }
0x73: {  	s20 =	sadd.s32 $0x30, s19;
	s21 =	sadd.s32 $0x388, s22  }
0x74: {  	[tilespmem:s21], [sflag:$0x2] =	stream.linear.gather [hbm4b:s20+s3], $0x8, $0x38;
	[tilespmem:$0xA200] =	vst v63  }
0x75: {  	s20 =	sadd.s32 $0x40, s19;
	s21 =	sadd.s32 $0x408, s22  }
0x76: {  	[tilespmem:s21], [sflag:$0x2] =	stream.linear.gather [hbm4b:s20+s3], $0x8, $0x38;
	[tilespmem:$0xA200] =	vst v63  }
.Ltmp1:
0x77: {  	s20 =	sadd.s32 $0x50, s19;
	s21 =	sadd.s32 $0x488, s22;
	(pc) =	sbr.rel @p0 .LBB2_5-.Ltmp1, $4  }
0x78: {  	[tilespmem:s21], [sflag:$0x2] =	stream.linear.gather [hbm4b:s20+s3], $0x8, $0x38;
	[tilespmem:$0xA200] =	vst v63  }
0x79: {  	s20 =	sadd.s32 $0x60, s19;
	s21 =	sadd.s32 $0x508, s22;
	s22 =	sadd.s32 $0x588, s22  }
0x7a: {  	[tilespmem:s21], [sflag:$0x2] =	stream.linear.gather [hbm4b:s20+s3], $0x8, $0x38;
	[tilespmem:$0xA200] =	vst v63  }
0x7b: {  	s21 =	sadd.s32 $0x70, s19;
	s19 =	sadd.s32 $0xF4280, s19;
	s20 =	smov.u32 s23  }
0x7c: {  	v48 =	vsel vm2, $0x0, v47  }
0x7d: {  	(xrf0) =	vadd.scan.msk.s32 $0xffff, v48;
	_ =	sdelay $0x4  }
0x7e: {  	[tilespmem:s22], [sflag:$0x2] =	stream.linear.gather [hbm4b:s21+s3], $0x8, $0x38;
	[tilespmem:$0xA200] =	vst v63  }
0x7f: {  	s20 =	sadd.s32 $0x208, s18;
	v48, _, _ =	vpop (xrf0)  }
0x80: {  	[tilespmem:s20], [sflag:$0x2] =	stream.linear.gather [hbm4b:s19+s3], $0x8, $0x38;
	(v2sf) =	vpush v48, $0xF;
	[tilespmem:$0xA200] =	vst v63  }
0x81: {  	s21 =	sadd.s32 $0x10, s19;
	s22 =	sadd.s32 $0x288, s18  }
0x82: {  	[tilespmem:s22], [sflag:$0x2] =	stream.linear.gather [hbm4b:s21+s3], $0x8, $0x38;
	[tilespmem:$0xA200] =	vst v63  }
0x83: {  	s23 =	sadd.s32 $0x20, s19;
	s24 =	sadd.s32 $0x308, s18  }
0x84: {  	[tilespmem:s24], [sflag:$0x2] =	stream.linear.gather [hbm4b:s23+s3], $0x8, $0x38;
	[tilespmem:$0xA200] =	vst v63  }
0x85: {  	s25 =	sadd.s32 $0x30, s19;
	s26 =	sadd.s32 $0x388, s18  }
0x86: {  	[tilespmem:s26], [sflag:$0x2] =	stream.linear.gather [hbm4b:s25+s3], $0x8, $0x38;
	[tilespmem:$0xA200] =	vst v63  }
0x87: {  	s28 =	sadd.s32 $0x40, s19;
	s29 =	sadd.s32 $0x408, s18  }
0x88: {  	[tilespmem:s29], [sflag:$0x2] =	stream.linear.gather [hbm4b:s28+s3], $0x8, $0x38;
	[tilespmem:$0xA200] =	vst v63  }
0x89: {  	s30 =	sadd.s32 $0x50, s19;
	s31 =	sadd.s32 $0x488, s18  }
0x8a: {  	[tilespmem:s31], [sflag:$0x2] =	stream.linear.gather [hbm4b:s30+s3], $0x8, $0x38;
	[tilespmem:$0xA200] =	vst v63  }
0x8b: {  	s22 =	sadd.s32 $0x60, s19;
	s23 =	sadd.s32 $0x508, s18  }
0x8c: {  	[tilespmem:s23], [sflag:$0x2] =	stream.linear.gather [hbm4b:s22+s3], $0x8, $0x38;
	[tilespmem:$0xA200] =	vst v63  }
0x8d: {  	s24 =	sadd.s32 $0x70, s19;
	s25 =	sadd.s32 $0x588, s18  }
0x8e: {  	[tilespmem:s25], [sflag:$0x2] =	stream.linear.gather [hbm4b:s24+s3], $0x8, $0x38;
	[tilespmem:$0xA200] =	vst v63  }
0x8f: {  	s26 =	spop (v2sf)  }
0x90: {  	s28 =	sshll.u32 s26, $0x3  }
0x91: {  	s18 =	sand.u32 $0x78, s26;
	s19 =	sand.u32 $0xFFFFFC00, s28  }
0x92: {  	s18 =	sor.u32 s18, s19  }
0x93: {  	s18 =	sshrl.u32 s18, $0x3  }
0x94: {  	s29 =	simm.s32 $0x210;
	s19 =	sadd.s32 s1, s18  }
0x95: {  	[tilespmem:s29], [sflag:$0x2] =	stream.linear.gather [hbm4b:s19+s3], $0x8, $0x38;
	[tilespmem:$0xA200] =	vst v63  }
0x96: {  	s31 =	simm.s32 $0x290;
	s30 =	sadd.s32 $0x10, s19  }
0x97: {  	[tilespmem:s31], [sflag:$0x2] =	stream.linear.gather [hbm4b:s30+s3], $0x8, $0x38;
	[tilespmem:$0xA200] =	vst v63  }
0x98: {  	s20 =	simm.s32 $0x2000;
	s22 =	simm.s32 $0x310;
	s21 =	sadd.s32 $0x20, s19  }
0x99: {  	[tilespmem:s22], [sflag:$0x2] =	stream.linear.gather [hbm4b:s21+s3], $0x8, $0x38;
	[tilespmem:$0xA200] =	vst v63  }
0x9a: {  	s24 =	simm.s32 $0x390;
	s26 =	simm.s32 $0x410;
	s23 =	sadd.s32 $0x30, s19  }
0x9b: {  	[tilespmem:s24], [sflag:$0x2] =	stream.linear.gather [hbm4b:s23+s3], $0x8, $0x38;
	[tilespmem:$0xA200] =	vst v63  }
0x9c: {  	s18 =	simm.s32 $0x400;
	s25 =	sadd.s32 $0x40, s19;
	s28 =	sadd.s32 $0x50, s19  }
0x9d: {  	[tilespmem:s26], [sflag:$0x2] =	stream.linear.gather [hbm4b:s25+s3], $0x8, $0x38;
	[tilespmem:$0xA200] =	vst v63  }
0x9e: {  	s29 =	simm.s32 $0x490;
	s30 =	sadd.s32 $0x60, s19;
	s31 =	simm.s32 $0x510  }
0x9f: {  	[tilespmem:s29], [sflag:$0x2] =	stream.linear.gather [hbm4b:s28+s3], $0x8, $0x38;
	[tilespmem:$0xA200] =	vst v63  }
0xa0: {  	s21 =	sadd.s32 $0x70, s19;
	s22 =	simm.s32 $0x590;
	s19 =	sadd.s32 $0xF4280, s19  }
0xa1: {  	[tilespmem:s31], [sflag:$0x2] =	stream.linear.gather [hbm4b:s30+s3], $0x8, $0x38;
	[tilespmem:$0xA200] =	vst v63  }
.LBB2_7:
0xa2: {  	[tilespmem:s22], [sflag:$0x2] =	stream.linear.gather [hbm4b:s21+s3], $0x8, $0x38;
	[tilespmem:$0xA200] =	vst v63  }
0xa3: {  	s22 =	smov.u32 s18;
	s18 =	smov.u32 s20  }
0xa4: {  	s23 =	sadd.s32 $0x1000, s20;
	s18 =	sshra.s32 s18, $0x2;
	s21 =	sadd.s32 $0x210, s22  }
0xa5: {  	[tilespmem:s21], [sflag:$0x2] =	stream.linear.gather [hbm4b:s19+s3], $0x8, $0x38;
	[tilespmem:$0xA200] =	vst v63  }
0xa6: {  	p0 =	sne.s32 s20, $0x7000;
	s20 =	sadd.s32 $0x10, s19;
	s21 =	sadd.s32 $0x290, s22  }
0xa7: {  	[tilespmem:s21], [sflag:$0x2] =	stream.linear.gather [hbm4b:s20+s3], $0x8, $0x38;
	[tilespmem:$0xA200] =	vst v63  }
0xa8: {  	s20 =	sadd.s32 $0x20, s19;
	s21 =	sadd.s32 $0x310, s22  }
0xa9: {  	[tilespmem:s21], [sflag:$0x2] =	stream.linear.gather [hbm4b:s20+s3], $0x8, $0x38;
	[tilespmem:$0xA200] =	vst v63  }
0xaa: {  	s20 =	sadd.s32 $0x30, s19;
	s21 =	sadd.s32 $0x390, s22  }
0xab: {  	[tilespmem:s21], [sflag:$0x2] =	stream.linear.gather [hbm4b:s20+s3], $0x8, $0x38;
	[tilespmem:$0xA200] =	vst v63  }
0xac: {  	s20 =	sadd.s32 $0x40, s19;
	s21 =	sadd.s32 $0x410, s22  }
0xad: {  	[tilespmem:s21], [sflag:$0x2] =	stream.linear.gather [hbm4b:s20+s3], $0x8, $0x38;
	[tilespmem:$0xA200] =	vst v63  }
.Ltmp2:
0xae: {  	s20 =	sadd.s32 $0x50, s19;
	s21 =	sadd.s32 $0x490, s22;
	(pc) =	sbr.rel @p0 .LBB2_7-.Ltmp2, $4  }
0xaf: {  	[tilespmem:s21], [sflag:$0x2] =	stream.linear.gather [hbm4b:s20+s3], $0x8, $0x38;
	[tilespmem:$0xA200] =	vst v63  }
0xb0: {  	s20 =	sadd.s32 $0x60, s19;
	s21 =	sadd.s32 $0x510, s22;
	s22 =	sadd.s32 $0x590, s22  }
0xb1: {  	[tilespmem:s21], [sflag:$0x2] =	stream.linear.gather [hbm4b:s20+s3], $0x8, $0x38;
	[tilespmem:$0xA200] =	vst v63  }
0xb2: {  	s21 =	sadd.s32 $0x70, s19;
	s19 =	sadd.s32 $0xF4280, s19;
	s20 =	smov.u32 s23  }
0xb3: {  	v48 =	vsel vm3, $0x0, v47  }
0xb4: {  	(xrf0) =	vadd.scan.msk.s32 $0xffff, v48;
	_ =	sdelay $0x4  }
0xb5: {  	[tilespmem:s22], [sflag:$0x2] =	stream.linear.gather [hbm4b:s21+s3], $0x8, $0x38;
	[tilespmem:$0xA200] =	vst v63  }
0xb6: {  	s20 =	sadd.s32 $0x210, s18;
	v48, _, _ =	vpop (xrf0)  }
0xb7: {  	[tilespmem:s20], [sflag:$0x2] =	stream.linear.gather [hbm4b:s19+s3], $0x8, $0x38;
	(v2sf) =	vpush v48, $0xF;
	[tilespmem:$0xA200] =	vst v63  }
0xb8: {  	s21 =	sadd.s32 $0x10, s19;
	s22 =	sadd.s32 $0x290, s18  }
0xb9: {  	[tilespmem:s22], [sflag:$0x2] =	stream.linear.gather [hbm4b:s21+s3], $0x8, $0x38;
	[tilespmem:$0xA200] =	vst v63  }
0xba: {  	s23 =	sadd.s32 $0x20, s19;
	s24 =	sadd.s32 $0x310, s18  }
0xbb: {  	[tilespmem:s24], [sflag:$0x2] =	stream.linear.gather [hbm4b:s23+s3], $0x8, $0x38;
	[tilespmem:$0xA200] =	vst v63  }
0xbc: {  	s25 =	sadd.s32 $0x30, s19;
	s26 =	sadd.s32 $0x390, s18  }
0xbd: {  	[tilespmem:s26], [sflag:$0x2] =	stream.linear.gather [hbm4b:s25+s3], $0x8, $0x38;
	[tilespmem:$0xA200] =	vst v63  }
0xbe: {  	s28 =	sadd.s32 $0x40, s19;
	s29 =	sadd.s32 $0x410, s18  }
0xbf: {  	[tilespmem:s29], [sflag:$0x2] =	stream.linear.gather [hbm4b:s28+s3], $0x8, $0x38;
	[tilespmem:$0xA200] =	vst v63  }
0xc0: {  	s30 =	sadd.s32 $0x50, s19;
	s31 =	sadd.s32 $0x490, s18  }
0xc1: {  	[tilespmem:s31], [sflag:$0x2] =	stream.linear.gather [hbm4b:s30+s3], $0x8, $0x38;
	[tilespmem:$0xA200] =	vst v63  }
0xc2: {  	s22 =	sadd.s32 $0x60, s19;
	s23 =	sadd.s32 $0x510, s18  }
0xc3: {  	[tilespmem:s23], [sflag:$0x2] =	stream.linear.gather [hbm4b:s22+s3], $0x8, $0x38;
	[tilespmem:$0xA200] =	vst v63  }
0xc4: {  	s24 =	sadd.s32 $0x70, s19;
	s25 =	sadd.s32 $0x590, s18  }
0xc5: {  	[tilespmem:s25], [sflag:$0x2] =	stream.linear.gather [hbm4b:s24+s3], $0x8, $0x38;
	[tilespmem:$0xA200] =	vst v63  }
0xc6: {  	s26 =	spop (v2sf)  }
0xc7: {  	s28 =	sshll.u32 s26, $0x3  }
0xc8: {  	s18 =	sand.u32 $0x78, s26;
	s19 =	sand.u32 $0xFFFFFC00, s28  }
0xc9: {  	s18 =	sor.u32 s18, s19  }
0xca: {  	s18 =	sshrl.u32 s18, $0x3  }
0xcb: {  	s29 =	simm.s32 $0x218;
	s19 =	sadd.s32 s1, s18  }
0xcc: {  	[tilespmem:s29], [sflag:$0x2] =	stream.linear.gather [hbm4b:s19+s3], $0x8, $0x38;
	[tilespmem:$0xA200] =	vst v63  }
0xcd: {  	s31 =	simm.s32 $0x298;
	s30 =	sadd.s32 $0x10, s19  }
0xce: {  	[tilespmem:s31], [sflag:$0x2] =	stream.linear.gather [hbm4b:s30+s3], $0x8, $0x38;
	[tilespmem:$0xA200] =	vst v63  }
0xcf: {  	s20 =	simm.s32 $0x2000;
	s22 =	simm.s32 $0x318;
	s21 =	sadd.s32 $0x20, s19  }
0xd0: {  	[tilespmem:s22], [sflag:$0x2] =	stream.linear.gather [hbm4b:s21+s3], $0x8, $0x38;
	[tilespmem:$0xA200] =	vst v63  }
0xd1: {  	s24 =	simm.s32 $0x398;
	s26 =	simm.s32 $0x418;
	s23 =	sadd.s32 $0x30, s19  }
0xd2: {  	[tilespmem:s24], [sflag:$0x2] =	stream.linear.gather [hbm4b:s23+s3], $0x8, $0x38;
	[tilespmem:$0xA200] =	vst v63  }
0xd3: {  	s18 =	simm.s32 $0x400;
	s25 =	sadd.s32 $0x40, s19;
	s28 =	sadd.s32 $0x50, s19  }
0xd4: {  	[tilespmem:s26], [sflag:$0x2] =	stream.linear.gather [hbm4b:s25+s3], $0x8, $0x38;
	[tilespmem:$0xA200] =	vst v63  }
0xd5: {  	s29 =	simm.s32 $0x498;
	s30 =	sadd.s32 $0x60, s19;
	s31 =	simm.s32 $0x518  }
0xd6: {  	[tilespmem:s29], [sflag:$0x2] =	stream.linear.gather [hbm4b:s28+s3], $0x8, $0x38;
	[tilespmem:$0xA200] =	vst v63  }
0xd7: {  	s21 =	sadd.s32 $0x70, s19;
	s22 =	simm.s32 $0x598;
	s19 =	sadd.s32 $0xF4280, s19  }
0xd8: {  	[tilespmem:s31], [sflag:$0x2] =	stream.linear.gather [hbm4b:s30+s3], $0x8, $0x38;
	[tilespmem:$0xA200] =	vst v63  }
.LBB2_9:
0xd9: {  	[tilespmem:s22], [sflag:$0x2] =	stream.linear.gather [hbm4b:s21+s3], $0x8, $0x38;
	[tilespmem:$0xA200] =	vst v63  }
0xda: {  	s22 =	smov.u32 s18;
	s18 =	smov.u32 s20  }
0xdb: {  	s23 =	sadd.s32 $0x1000, s20;
	s18 =	sshra.s32 s18, $0x2;
	s21 =	sadd.s32 $0x218, s22  }
0xdc: {  	[tilespmem:s21], [sflag:$0x2] =	stream.linear.gather [hbm4b:s19+s3], $0x8, $0x38;
	[tilespmem:$0xA200] =	vst v63  }
0xdd: {  	p0 =	sne.s32 s20, $0x7000;
	s20 =	sadd.s32 $0x10, s19;
	s21 =	sadd.s32 $0x298, s22  }
0xde: {  	[tilespmem:s21], [sflag:$0x2] =	stream.linear.gather [hbm4b:s20+s3], $0x8, $0x38;
	[tilespmem:$0xA200] =	vst v63  }
0xdf: {  	s20 =	sadd.s32 $0x20, s19;
	s21 =	sadd.s32 $0x318, s22  }
0xe0: {  	[tilespmem:s21], [sflag:$0x2] =	stream.linear.gather [hbm4b:s20+s3], $0x8, $0x38;
	[tilespmem:$0xA200] =	vst v63  }
0xe1: {  	s20 =	sadd.s32 $0x30, s19;
	s21 =	sadd.s32 $0x398, s22  }
0xe2: {  	[tilespmem:s21], [sflag:$0x2] =	stream.linear.gather [hbm4b:s20+s3], $0x8, $0x38;
	[tilespmem:$0xA200] =	vst v63  }
0xe3: {  	s20 =	sadd.s32 $0x40, s19;
	s21 =	sadd.s32 $0x418, s22  }
0xe4: {  	[tilespmem:s21], [sflag:$0x2] =	stream.linear.gather [hbm4b:s20+s3], $0x8, $0x38;
	[tilespmem:$0xA200] =	vst v63  }
.Ltmp3:
0xe5: {  	s20 =	sadd.s32 $0x50, s19;
	s21 =	sadd.s32 $0x498, s22;
	(pc) =	sbr.rel @p0 .LBB2_9-.Ltmp3, $4  }
0xe6: {  	[tilespmem:s21], [sflag:$0x2] =	stream.linear.gather [hbm4b:s20+s3], $0x8, $0x38;
	[tilespmem:$0xA200] =	vst v63  }
0xe7: {  	s20 =	sadd.s32 $0x60, s19;
	s21 =	sadd.s32 $0x518, s22;
	s22 =	sadd.s32 $0x598, s22  }
0xe8: {  	[tilespmem:s21], [sflag:$0x2] =	stream.linear.gather [hbm4b:s20+s3], $0x8, $0x38;
	[tilespmem:$0xA200] =	vst v63  }
0xe9: {  	s21 =	sadd.s32 $0x70, s19;
	s19 =	sadd.s32 $0xF4280, s19;
	s20 =	smov.u32 s23  }
0xea: {  	v48 =	vsel vm4, $0x0, v47  }
0xeb: {  	(xrf0) =	vadd.scan.msk.s32 $0xffff, v48;
	_ =	sdelay $0x4  }
0xec: {  	[tilespmem:s22], [sflag:$0x2] =	stream.linear.gather [hbm4b:s21+s3], $0x8, $0x38;
	[tilespmem:$0xA200] =	vst v63  }
0xed: {  	s20 =	sadd.s32 $0x218, s18;
	v48, _, _ =	vpop (xrf0)  }
0xee: {  	[tilespmem:s20], [sflag:$0x2] =	stream.linear.gather [hbm4b:s19+s3], $0x8, $0x38;
	(v2sf) =	vpush v48, $0xF;
	[tilespmem:$0xA200] =	vst v63  }
0xef: {  	s21 =	sadd.s32 $0x10, s19;
	s22 =	sadd.s32 $0x298, s18  }
0xf0: {  	[tilespmem:s22], [sflag:$0x2] =	stream.linear.gather [hbm4b:s21+s3], $0x8, $0x38;
	[tilespmem:$0xA200] =	vst v63  }
0xf1: {  	s23 =	sadd.s32 $0x20, s19;
	s24 =	sadd.s32 $0x318, s18  }
0xf2: {  	[tilespmem:s24], [sflag:$0x2] =	stream.linear.gather [hbm4b:s23+s3], $0x8, $0x38;
	[tilespmem:$0xA200] =	vst v63  }
0xf3: {  	s25 =	sadd.s32 $0x30, s19;
	s26 =	sadd.s32 $0x398, s18  }
0xf4: {  	[tilespmem:s26], [sflag:$0x2] =	stream.linear.gather [hbm4b:s25+s3], $0x8, $0x38;
	[tilespmem:$0xA200] =	vst v63  }
0xf5: {  	s28 =	sadd.s32 $0x40, s19;
	s29 =	sadd.s32 $0x418, s18  }
0xf6: {  	[tilespmem:s29], [sflag:$0x2] =	stream.linear.gather [hbm4b:s28+s3], $0x8, $0x38;
	[tilespmem:$0xA200] =	vst v63  }
0xf7: {  	s30 =	sadd.s32 $0x50, s19;
	s31 =	sadd.s32 $0x498, s18  }
0xf8: {  	[tilespmem:s31], [sflag:$0x2] =	stream.linear.gather [hbm4b:s30+s3], $0x8, $0x38;
	[tilespmem:$0xA200] =	vst v63  }
0xf9: {  	s22 =	sadd.s32 $0x60, s19;
	s23 =	sadd.s32 $0x518, s18  }
0xfa: {  	[tilespmem:s23], [sflag:$0x2] =	stream.linear.gather [hbm4b:s22+s3], $0x8, $0x38;
	[tilespmem:$0xA200] =	vst v63  }
0xfb: {  	s24 =	sadd.s32 $0x70, s19;
	s25 =	sadd.s32 $0x598, s18  }
0xfc: {  	[tilespmem:s25], [sflag:$0x2] =	stream.linear.gather [hbm4b:s24+s3], $0x8, $0x38;
	[tilespmem:$0xA200] =	vst v63  }
0xfd: {  	s26 =	spop (v2sf)  }
0xfe: {  	s28 =	sshll.u32 s26, $0x3  }
0xff: {  	s18 =	sand.u32 $0x78, s26;
	s19 =	sand.u32 $0xFFFFFC00, s28  }
0x100: {  	s18 =	sor.u32 s18, s19  }
0x101: {  	s18 =	sshrl.u32 s18, $0x3  }
0x102: {  	s29 =	simm.s32 $0x220;
	s19 =	sadd.s32 s1, s18  }
0x103: {  	[tilespmem:s29], [sflag:$0x2] =	stream.linear.gather [hbm4b:s19+s3], $0x8, $0x38;
	[tilespmem:$0xA200] =	vst v63  }
0x104: {  	s31 =	simm.s32 $0x2A0;
	s30 =	sadd.s32 $0x10, s19  }
0x105: {  	[tilespmem:s31], [sflag:$0x2] =	stream.linear.gather [hbm4b:s30+s3], $0x8, $0x38;
	[tilespmem:$0xA200] =	vst v63  }
0x106: {  	s20 =	simm.s32 $0x2000;
	s22 =	simm.s32 $0x320;
	s21 =	sadd.s32 $0x20, s19  }
0x107: {  	[tilespmem:s22], [sflag:$0x2] =	stream.linear.gather [hbm4b:s21+s3], $0x8, $0x38;
	[tilespmem:$0xA200] =	vst v63  }
0x108: {  	s24 =	simm.s32 $0x3A0;
	s26 =	simm.s32 $0x420;
	s23 =	sadd.s32 $0x30, s19  }
0x109: {  	[tilespmem:s24], [sflag:$0x2] =	stream.linear.gather [hbm4b:s23+s3], $0x8, $0x38;
	[tilespmem:$0xA200] =	vst v63  }
0x10a: {  	s18 =	simm.s32 $0x400;
	s25 =	sadd.s32 $0x40, s19;
	s28 =	sadd.s32 $0x50, s19  }
0x10b: {  	[tilespmem:s26], [sflag:$0x2] =	stream.linear.gather [hbm4b:s25+s3], $0x8, $0x38;
	[tilespmem:$0xA200] =	vst v63  }
0x10c: {  	s29 =	simm.s32 $0x4A0;
	s30 =	sadd.s32 $0x60, s19;
	s31 =	simm.s32 $0x520  }
0x10d: {  	[tilespmem:s29], [sflag:$0x2] =	stream.linear.gather [hbm4b:s28+s3], $0x8, $0x38;
	[tilespmem:$0xA200] =	vst v63  }
0x10e: {  	s21 =	sadd.s32 $0x70, s19;
	s22 =	simm.s32 $0x5A0;
	s19 =	sadd.s32 $0xF4280, s19  }
0x10f: {  	[tilespmem:s31], [sflag:$0x2] =	stream.linear.gather [hbm4b:s30+s3], $0x8, $0x38;
	[tilespmem:$0xA200] =	vst v63  }
.LBB2_11:
0x110: {  	[tilespmem:s22], [sflag:$0x2] =	stream.linear.gather [hbm4b:s21+s3], $0x8, $0x38;
	[tilespmem:$0xA200] =	vst v63  }
0x111: {  	s22 =	smov.u32 s18;
	s18 =	smov.u32 s20  }
0x112: {  	s23 =	sadd.s32 $0x1000, s20;
	s18 =	sshra.s32 s18, $0x2;
	s21 =	sadd.s32 $0x220, s22  }
0x113: {  	[tilespmem:s21], [sflag:$0x2] =	stream.linear.gather [hbm4b:s19+s3], $0x8, $0x38;
	[tilespmem:$0xA200] =	vst v63  }
0x114: {  	p0 =	sne.s32 s20, $0x7000;
	s20 =	sadd.s32 $0x10, s19;
	s21 =	sadd.s32 $0x2A0, s22  }
0x115: {  	[tilespmem:s21], [sflag:$0x2] =	stream.linear.gather [hbm4b:s20+s3], $0x8, $0x38;
	[tilespmem:$0xA200] =	vst v63  }
0x116: {  	s20 =	sadd.s32 $0x20, s19;
	s21 =	sadd.s32 $0x320, s22  }
0x117: {  	[tilespmem:s21], [sflag:$0x2] =	stream.linear.gather [hbm4b:s20+s3], $0x8, $0x38;
	[tilespmem:$0xA200] =	vst v63  }
0x118: {  	s20 =	sadd.s32 $0x30, s19;
	s21 =	sadd.s32 $0x3A0, s22  }
0x119: {  	[tilespmem:s21], [sflag:$0x2] =	stream.linear.gather [hbm4b:s20+s3], $0x8, $0x38;
	[tilespmem:$0xA200] =	vst v63  }
0x11a: {  	s20 =	sadd.s32 $0x40, s19;
	s21 =	sadd.s32 $0x420, s22  }
0x11b: {  	[tilespmem:s21], [sflag:$0x2] =	stream.linear.gather [hbm4b:s20+s3], $0x8, $0x38;
	[tilespmem:$0xA200] =	vst v63  }
.Ltmp4:
0x11c: {  	s20 =	sadd.s32 $0x50, s19;
	s21 =	sadd.s32 $0x4A0, s22;
	(pc) =	sbr.rel @p0 .LBB2_11-.Ltmp4, $4  }
0x11d: {  	[tilespmem:s21], [sflag:$0x2] =	stream.linear.gather [hbm4b:s20+s3], $0x8, $0x38;
	[tilespmem:$0xA200] =	vst v63  }
0x11e: {  	s20 =	sadd.s32 $0x60, s19;
	s21 =	sadd.s32 $0x520, s22;
	s22 =	sadd.s32 $0x5A0, s22  }
0x11f: {  	[tilespmem:s21], [sflag:$0x2] =	stream.linear.gather [hbm4b:s20+s3], $0x8, $0x38;
	[tilespmem:$0xA200] =	vst v63  }
0x120: {  	s21 =	sadd.s32 $0x70, s19;
	s19 =	sadd.s32 $0xF4280, s19;
	s20 =	smov.u32 s23  }
0x121: {  	v48 =	vsel vm5, $0x0, v47  }
0x122: {  	(xrf0) =	vadd.scan.msk.s32 $0xffff, v48;
	_ =	sdelay $0x4  }
0x123: {  	[tilespmem:s22], [sflag:$0x2] =	stream.linear.gather [hbm4b:s21+s3], $0x8, $0x38;
	[tilespmem:$0xA200] =	vst v63  }
0x124: {  	s20 =	sadd.s32 $0x220, s18;
	v48, _, _ =	vpop (xrf0)  }
0x125: {  	[tilespmem:s20], [sflag:$0x2] =	stream.linear.gather [hbm4b:s19+s3], $0x8, $0x38;
	(v2sf) =	vpush v48, $0xF;
	[tilespmem:$0xA200] =	vst v63  }
0x126: {  	s21 =	sadd.s32 $0x10, s19;
	s22 =	sadd.s32 $0x2A0, s18  }
0x127: {  	[tilespmem:s22], [sflag:$0x2] =	stream.linear.gather [hbm4b:s21+s3], $0x8, $0x38;
	[tilespmem:$0xA200] =	vst v63  }
0x128: {  	s23 =	sadd.s32 $0x20, s19;
	s24 =	sadd.s32 $0x320, s18  }
0x129: {  	[tilespmem:s24], [sflag:$0x2] =	stream.linear.gather [hbm4b:s23+s3], $0x8, $0x38;
	[tilespmem:$0xA200] =	vst v63  }
0x12a: {  	s25 =	sadd.s32 $0x30, s19;
	s26 =	sadd.s32 $0x3A0, s18  }
0x12b: {  	[tilespmem:s26], [sflag:$0x2] =	stream.linear.gather [hbm4b:s25+s3], $0x8, $0x38;
	[tilespmem:$0xA200] =	vst v63  }
0x12c: {  	s28 =	sadd.s32 $0x40, s19;
	s29 =	sadd.s32 $0x420, s18  }
0x12d: {  	[tilespmem:s29], [sflag:$0x2] =	stream.linear.gather [hbm4b:s28+s3], $0x8, $0x38;
	[tilespmem:$0xA200] =	vst v63  }
0x12e: {  	s30 =	sadd.s32 $0x50, s19;
	s31 =	sadd.s32 $0x4A0, s18  }
0x12f: {  	[tilespmem:s31], [sflag:$0x2] =	stream.linear.gather [hbm4b:s30+s3], $0x8, $0x38;
	[tilespmem:$0xA200] =	vst v63  }
0x130: {  	s22 =	sadd.s32 $0x60, s19;
	s23 =	sadd.s32 $0x520, s18  }
0x131: {  	[tilespmem:s23], [sflag:$0x2] =	stream.linear.gather [hbm4b:s22+s3], $0x8, $0x38;
	[tilespmem:$0xA200] =	vst v63  }
0x132: {  	s24 =	sadd.s32 $0x70, s19;
	s25 =	sadd.s32 $0x5A0, s18  }
0x133: {  	[tilespmem:s25], [sflag:$0x2] =	stream.linear.gather [hbm4b:s24+s3], $0x8, $0x38;
	[tilespmem:$0xA200] =	vst v63  }
0x134: {  	s26 =	spop (v2sf)  }
0x135: {  	s28 =	sshll.u32 s26, $0x3  }
0x136: {  	s18 =	sand.u32 $0x78, s26;
	s19 =	sand.u32 $0xFFFFFC00, s28  }
0x137: {  	s18 =	sor.u32 s18, s19  }
0x138: {  	s18 =	sshrl.u32 s18, $0x3  }
0x139: {  	s29 =	simm.s32 $0x228;
	s19 =	sadd.s32 s1, s18  }
0x13a: {  	[tilespmem:s29], [sflag:$0x2] =	stream.linear.gather [hbm4b:s19+s3], $0x8, $0x38;
	[tilespmem:$0xA200] =	vst v63  }
0x13b: {  	s31 =	simm.s32 $0x2A8;
	s30 =	sadd.s32 $0x10, s19  }
0x13c: {  	[tilespmem:s31], [sflag:$0x2] =	stream.linear.gather [hbm4b:s30+s3], $0x8, $0x38;
	[tilespmem:$0xA200] =	vst v63  }
0x13d: {  	s20 =	simm.s32 $0x2000;
	s22 =	simm.s32 $0x328;
	s21 =	sadd.s32 $0x20, s19  }
0x13e: {  	[tilespmem:s22], [sflag:$0x2] =	stream.linear.gather [hbm4b:s21+s3], $0x8, $0x38;
	[tilespmem:$0xA200] =	vst v63  }
0x13f: {  	s24 =	simm.s32 $0x3A8;
	s26 =	simm.s32 $0x428;
	s23 =	sadd.s32 $0x30, s19  }
0x140: {  	[tilespmem:s24], [sflag:$0x2] =	stream.linear.gather [hbm4b:s23+s3], $0x8, $0x38;
	[tilespmem:$0xA200] =	vst v63  }
0x141: {  	s18 =	simm.s32 $0x400;
	s25 =	sadd.s32 $0x40, s19;
	s28 =	sadd.s32 $0x50, s19  }
0x142: {  	[tilespmem:s26], [sflag:$0x2] =	stream.linear.gather [hbm4b:s25+s3], $0x8, $0x38;
	[tilespmem:$0xA200] =	vst v63  }
0x143: {  	s29 =	simm.s32 $0x4A8;
	s30 =	sadd.s32 $0x60, s19;
	s31 =	simm.s32 $0x528  }
0x144: {  	[tilespmem:s29], [sflag:$0x2] =	stream.linear.gather [hbm4b:s28+s3], $0x8, $0x38;
	[tilespmem:$0xA200] =	vst v63  }
0x145: {  	s21 =	sadd.s32 $0x70, s19;
	s22 =	simm.s32 $0x5A8;
	s19 =	sadd.s32 $0xF4280, s19  }
0x146: {  	[tilespmem:s31], [sflag:$0x2] =	stream.linear.gather [hbm4b:s30+s3], $0x8, $0x38;
	[tilespmem:$0xA200] =	vst v63  }
.LBB2_13:
0x147: {  	[tilespmem:s22], [sflag:$0x2] =	stream.linear.gather [hbm4b:s21+s3], $0x8, $0x38;
	[tilespmem:$0xA200] =	vst v63  }
0x148: {  	s22 =	smov.u32 s18;
	s18 =	smov.u32 s20  }
0x149: {  	s23 =	sadd.s32 $0x1000, s20;
	s18 =	sshra.s32 s18, $0x2;
	s21 =	sadd.s32 $0x228, s22  }
0x14a: {  	[tilespmem:s21], [sflag:$0x2] =	stream.linear.gather [hbm4b:s19+s3], $0x8, $0x38;
	[tilespmem:$0xA200] =	vst v63  }
0x14b: {  	p0 =	sne.s32 s20, $0x7000;
	s20 =	sadd.s32 $0x10, s19;
	s21 =	sadd.s32 $0x2A8, s22  }
0x14c: {  	[tilespmem:s21], [sflag:$0x2] =	stream.linear.gather [hbm4b:s20+s3], $0x8, $0x38;
	[tilespmem:$0xA200] =	vst v63  }
0x14d: {  	s20 =	sadd.s32 $0x20, s19;
	s21 =	sadd.s32 $0x328, s22  }
0x14e: {  	[tilespmem:s21], [sflag:$0x2] =	stream.linear.gather [hbm4b:s20+s3], $0x8, $0x38;
	[tilespmem:$0xA200] =	vst v63  }
0x14f: {  	s20 =	sadd.s32 $0x30, s19;
	s21 =	sadd.s32 $0x3A8, s22  }
0x150: {  	[tilespmem:s21], [sflag:$0x2] =	stream.linear.gather [hbm4b:s20+s3], $0x8, $0x38;
	[tilespmem:$0xA200] =	vst v63  }
0x151: {  	s20 =	sadd.s32 $0x40, s19;
	s21 =	sadd.s32 $0x428, s22  }
0x152: {  	[tilespmem:s21], [sflag:$0x2] =	stream.linear.gather [hbm4b:s20+s3], $0x8, $0x38;
	[tilespmem:$0xA200] =	vst v63  }
.Ltmp5:
0x153: {  	s20 =	sadd.s32 $0x50, s19;
	s21 =	sadd.s32 $0x4A8, s22;
	(pc) =	sbr.rel @p0 .LBB2_13-.Ltmp5, $4  }
0x154: {  	[tilespmem:s21], [sflag:$0x2] =	stream.linear.gather [hbm4b:s20+s3], $0x8, $0x38;
	[tilespmem:$0xA200] =	vst v63  }
0x155: {  	s20 =	sadd.s32 $0x60, s19;
	s21 =	sadd.s32 $0x528, s22;
	s22 =	sadd.s32 $0x5A8, s22  }
0x156: {  	[tilespmem:s21], [sflag:$0x2] =	stream.linear.gather [hbm4b:s20+s3], $0x8, $0x38;
	[tilespmem:$0xA200] =	vst v63  }
0x157: {  	s21 =	sadd.s32 $0x70, s19;
	s19 =	sadd.s32 $0xF4280, s19;
	s20 =	smov.u32 s23  }
0x158: {  	v48 =	vsel vm6, $0x0, v47  }
0x159: {  	(xrf0) =	vadd.scan.msk.s32 $0xffff, v48;
	_ =	sdelay $0x4  }
0x15a: {  	[tilespmem:s22], [sflag:$0x2] =	stream.linear.gather [hbm4b:s21+s3], $0x8, $0x38;
	[tilespmem:$0xA200] =	vst v63  }
0x15b: {  	s20 =	sadd.s32 $0x228, s18;
	v48, _, _ =	vpop (xrf0)  }
0x15c: {  	[tilespmem:s20], [sflag:$0x2] =	stream.linear.gather [hbm4b:s19+s3], $0x8, $0x38;
	(v2sf) =	vpush v48, $0xF;
	[tilespmem:$0xA200] =	vst v63  }
0x15d: {  	s21 =	sadd.s32 $0x10, s19;
	s22 =	sadd.s32 $0x2A8, s18  }
0x15e: {  	[tilespmem:s22], [sflag:$0x2] =	stream.linear.gather [hbm4b:s21+s3], $0x8, $0x38;
	[tilespmem:$0xA200] =	vst v63  }
0x15f: {  	s23 =	sadd.s32 $0x20, s19;
	s24 =	sadd.s32 $0x328, s18  }
0x160: {  	[tilespmem:s24], [sflag:$0x2] =	stream.linear.gather [hbm4b:s23+s3], $0x8, $0x38;
	[tilespmem:$0xA200] =	vst v63  }
0x161: {  	s25 =	sadd.s32 $0x30, s19;
	s26 =	sadd.s32 $0x3A8, s18  }
0x162: {  	[tilespmem:s26], [sflag:$0x2] =	stream.linear.gather [hbm4b:s25+s3], $0x8, $0x38;
	[tilespmem:$0xA200] =	vst v63  }
0x163: {  	s28 =	sadd.s32 $0x40, s19;
	s29 =	sadd.s32 $0x428, s18  }
0x164: {  	[tilespmem:s29], [sflag:$0x2] =	stream.linear.gather [hbm4b:s28+s3], $0x8, $0x38;
	[tilespmem:$0xA200] =	vst v63  }
0x165: {  	s30 =	sadd.s32 $0x50, s19;
	s31 =	sadd.s32 $0x4A8, s18  }
0x166: {  	[tilespmem:s31], [sflag:$0x2] =	stream.linear.gather [hbm4b:s30+s3], $0x8, $0x38;
	[tilespmem:$0xA200] =	vst v63  }
0x167: {  	s22 =	sadd.s32 $0x60, s19;
	s23 =	sadd.s32 $0x528, s18  }
0x168: {  	[tilespmem:s23], [sflag:$0x2] =	stream.linear.gather [hbm4b:s22+s3], $0x8, $0x38;
	[tilespmem:$0xA200] =	vst v63  }
0x169: {  	s24 =	sadd.s32 $0x70, s19;
	s25 =	sadd.s32 $0x5A8, s18  }
0x16a: {  	[tilespmem:s25], [sflag:$0x2] =	stream.linear.gather [hbm4b:s24+s3], $0x8, $0x38;
	[tilespmem:$0xA200] =	vst v63  }
0x16b: {  	s26 =	spop (v2sf)  }
0x16c: {  	s28 =	sshll.u32 s26, $0x3  }
0x16d: {  	s18 =	sand.u32 $0x78, s26;
	s19 =	sand.u32 $0xFFFFFC00, s28  }
0x16e: {  	s18 =	sor.u32 s18, s19  }
0x16f: {  	s18 =	sshrl.u32 s18, $0x3  }
0x170: {  	s29 =	simm.s32 $0x230;
	s19 =	sadd.s32 s1, s18  }
0x171: {  	[tilespmem:s29], [sflag:$0x2] =	stream.linear.gather [hbm4b:s19+s3], $0x8, $0x38;
	[tilespmem:$0xA200] =	vst v63  }
0x172: {  	s31 =	simm.s32 $0x2B0;
	s30 =	sadd.s32 $0x10, s19  }
0x173: {  	[tilespmem:s31], [sflag:$0x2] =	stream.linear.gather [hbm4b:s30+s3], $0x8, $0x38;
	[tilespmem:$0xA200] =	vst v63  }
0x174: {  	s20 =	simm.s32 $0x2000;
	s22 =	simm.s32 $0x330;
	s21 =	sadd.s32 $0x20, s19  }
0x175: {  	[tilespmem:s22], [sflag:$0x2] =	stream.linear.gather [hbm4b:s21+s3], $0x8, $0x38;
	[tilespmem:$0xA200] =	vst v63  }
0x176: {  	s24 =	simm.s32 $0x3B0;
	s26 =	simm.s32 $0x430;
	s23 =	sadd.s32 $0x30, s19  }
0x177: {  	[tilespmem:s24], [sflag:$0x2] =	stream.linear.gather [hbm4b:s23+s3], $0x8, $0x38;
	[tilespmem:$0xA200] =	vst v63  }
0x178: {  	s18 =	simm.s32 $0x400;
	s25 =	sadd.s32 $0x40, s19;
	s28 =	sadd.s32 $0x50, s19  }
0x179: {  	[tilespmem:s26], [sflag:$0x2] =	stream.linear.gather [hbm4b:s25+s3], $0x8, $0x38;
	[tilespmem:$0xA200] =	vst v63  }
0x17a: {  	s29 =	simm.s32 $0x4B0;
	s30 =	sadd.s32 $0x60, s19;
	s31 =	simm.s32 $0x530  }
0x17b: {  	[tilespmem:s29], [sflag:$0x2] =	stream.linear.gather [hbm4b:s28+s3], $0x8, $0x38;
	[tilespmem:$0xA200] =	vst v63  }
0x17c: {  	s21 =	sadd.s32 $0x70, s19;
	s22 =	simm.s32 $0x5B0;
	s19 =	sadd.s32 $0xF4280, s19  }
0x17d: {  	[tilespmem:s31], [sflag:$0x2] =	stream.linear.gather [hbm4b:s30+s3], $0x8, $0x38;
	[tilespmem:$0xA200] =	vst v63  }
.LBB2_15:
0x17e: {  	[tilespmem:s22], [sflag:$0x2] =	stream.linear.gather [hbm4b:s21+s3], $0x8, $0x38;
	[tilespmem:$0xA200] =	vst v63  }
0x17f: {  	s22 =	smov.u32 s18;
	s18 =	smov.u32 s20  }
0x180: {  	s23 =	sadd.s32 $0x1000, s20;
	s18 =	sshra.s32 s18, $0x2;
	s21 =	sadd.s32 $0x230, s22  }
0x181: {  	[tilespmem:s21], [sflag:$0x2] =	stream.linear.gather [hbm4b:s19+s3], $0x8, $0x38;
	[tilespmem:$0xA200] =	vst v63  }
0x182: {  	p0 =	sne.s32 s20, $0x7000;
	s20 =	sadd.s32 $0x10, s19;
	s21 =	sadd.s32 $0x2B0, s22  }
0x183: {  	[tilespmem:s21], [sflag:$0x2] =	stream.linear.gather [hbm4b:s20+s3], $0x8, $0x38;
	[tilespmem:$0xA200] =	vst v63  }
0x184: {  	s20 =	sadd.s32 $0x20, s19;
	s21 =	sadd.s32 $0x330, s22  }
0x185: {  	[tilespmem:s21], [sflag:$0x2] =	stream.linear.gather [hbm4b:s20+s3], $0x8, $0x38;
	[tilespmem:$0xA200] =	vst v63  }
0x186: {  	s20 =	sadd.s32 $0x30, s19;
	s21 =	sadd.s32 $0x3B0, s22  }
0x187: {  	[tilespmem:s21], [sflag:$0x2] =	stream.linear.gather [hbm4b:s20+s3], $0x8, $0x38;
	[tilespmem:$0xA200] =	vst v63  }
0x188: {  	s20 =	sadd.s32 $0x40, s19;
	s21 =	sadd.s32 $0x430, s22  }
0x189: {  	[tilespmem:s21], [sflag:$0x2] =	stream.linear.gather [hbm4b:s20+s3], $0x8, $0x38;
	[tilespmem:$0xA200] =	vst v63  }
.Ltmp6:
0x18a: {  	s20 =	sadd.s32 $0x50, s19;
	s21 =	sadd.s32 $0x4B0, s22;
	(pc) =	sbr.rel @p0 .LBB2_15-.Ltmp6, $4  }
0x18b: {  	[tilespmem:s21], [sflag:$0x2] =	stream.linear.gather [hbm4b:s20+s3], $0x8, $0x38;
	[tilespmem:$0xA200] =	vst v63  }
0x18c: {  	s20 =	sadd.s32 $0x60, s19;
	s21 =	sadd.s32 $0x530, s22;
	s22 =	sadd.s32 $0x5B0, s22  }
0x18d: {  	[tilespmem:s21], [sflag:$0x2] =	stream.linear.gather [hbm4b:s20+s3], $0x8, $0x38;
	[tilespmem:$0xA200] =	vst v63  }
0x18e: {  	s21 =	sadd.s32 $0x70, s19;
	s19 =	sadd.s32 $0xF4280, s19;
	s20 =	smov.u32 s23  }
0x18f: {  	v48 =	vsel vm7, $0x0, v47  }
0x190: {  	(xrf0) =	vadd.scan.msk.s32 $0xffff, v48;
	_ =	sdelay $0x4  }
0x191: {  	[tilespmem:s22], [sflag:$0x2] =	stream.linear.gather [hbm4b:s21+s3], $0x8, $0x38;
	[tilespmem:$0xA200] =	vst v63  }
0x192: {  	s20 =	sadd.s32 $0x230, s18;
	v48, _, _ =	vpop (xrf0)  }
0x193: {  	[tilespmem:s20], [sflag:$0x2] =	stream.linear.gather [hbm4b:s19+s3], $0x8, $0x38;
	(v2sf) =	vpush v48, $0xF;
	[tilespmem:$0xA200] =	vst v63  }
0x194: {  	s21 =	sadd.s32 $0x10, s19;
	s22 =	sadd.s32 $0x2B0, s18  }
0x195: {  	[tilespmem:s22], [sflag:$0x2] =	stream.linear.gather [hbm4b:s21+s3], $0x8, $0x38;
	[tilespmem:$0xA200] =	vst v63  }
0x196: {  	s23 =	sadd.s32 $0x20, s19;
	s24 =	sadd.s32 $0x330, s18  }
0x197: {  	[tilespmem:s24], [sflag:$0x2] =	stream.linear.gather [hbm4b:s23+s3], $0x8, $0x38;
	[tilespmem:$0xA200] =	vst v63  }
0x198: {  	s25 =	sadd.s32 $0x30, s19;
	s26 =	sadd.s32 $0x3B0, s18  }
0x199: {  	[tilespmem:s26], [sflag:$0x2] =	stream.linear.gather [hbm4b:s25+s3], $0x8, $0x38;
	[tilespmem:$0xA200] =	vst v63  }
0x19a: {  	s28 =	sadd.s32 $0x40, s19;
	s29 =	sadd.s32 $0x430, s18  }
0x19b: {  	[tilespmem:s29], [sflag:$0x2] =	stream.linear.gather [hbm4b:s28+s3], $0x8, $0x38;
	[tilespmem:$0xA200] =	vst v63  }
0x19c: {  	s30 =	sadd.s32 $0x50, s19;
	s31 =	sadd.s32 $0x4B0, s18  }
0x19d: {  	[tilespmem:s31], [sflag:$0x2] =	stream.linear.gather [hbm4b:s30+s3], $0x8, $0x38;
	[tilespmem:$0xA200] =	vst v63  }
0x19e: {  	s22 =	sadd.s32 $0x60, s19;
	s23 =	sadd.s32 $0x530, s18  }
0x19f: {  	[tilespmem:s23], [sflag:$0x2] =	stream.linear.gather [hbm4b:s22+s3], $0x8, $0x38;
	[tilespmem:$0xA200] =	vst v63  }
0x1a0: {  	s24 =	sadd.s32 $0x70, s19;
	s25 =	sadd.s32 $0x5B0, s18  }
0x1a1: {  	[tilespmem:s25], [sflag:$0x2] =	stream.linear.gather [hbm4b:s24+s3], $0x8, $0x38;
	[tilespmem:$0xA200] =	vst v63  }
0x1a2: {  	s26 =	spop (v2sf)  }
0x1a3: {  	s28 =	sshll.u32 s26, $0x3  }
0x1a4: {  	s18 =	sand.u32 $0x78, s26;
	s19 =	sand.u32 $0xFFFFFC00, s28  }
0x1a5: {  	s18 =	sor.u32 s18, s19  }
0x1a6: {  	s18 =	sshrl.u32 s18, $0x3  }
0x1a7: {  	s29 =	simm.s32 $0x238;
	s19 =	sadd.s32 s1, s18  }
0x1a8: {  	[tilespmem:s29], [sflag:$0x2] =	stream.linear.gather [hbm4b:s19+s3], $0x8, $0x38;
	[tilespmem:$0xA200] =	vst v63  }
0x1a9: {  	s31 =	simm.s32 $0x2B8;
	s30 =	sadd.s32 $0x10, s19  }
0x1aa: {  	[tilespmem:s31], [sflag:$0x2] =	stream.linear.gather [hbm4b:s30+s3], $0x8, $0x38;
	[tilespmem:$0xA200] =	vst v63  }
0x1ab: {  	s20 =	simm.s32 $0x2000;
	s22 =	simm.s32 $0x338;
	s21 =	sadd.s32 $0x20, s19  }
0x1ac: {  	[tilespmem:s22], [sflag:$0x2] =	stream.linear.gather [hbm4b:s21+s3], $0x8, $0x38;
	[tilespmem:$0xA200] =	vst v63  }
0x1ad: {  	s24 =	simm.s32 $0x3B8;
	s26 =	simm.s32 $0x438;
	s23 =	sadd.s32 $0x30, s19  }
0x1ae: {  	[tilespmem:s24], [sflag:$0x2] =	stream.linear.gather [hbm4b:s23+s3], $0x8, $0x38;
	[tilespmem:$0xA200] =	vst v63  }
0x1af: {  	s18 =	simm.s32 $0x400;
	s25 =	sadd.s32 $0x40, s19;
	s28 =	sadd.s32 $0x50, s19  }
0x1b0: {  	[tilespmem:s26], [sflag:$0x2] =	stream.linear.gather [hbm4b:s25+s3], $0x8, $0x38;
	[tilespmem:$0xA200] =	vst v63  }
0x1b1: {  	s29 =	simm.s32 $0x4B8;
	s30 =	sadd.s32 $0x60, s19;
	s31 =	simm.s32 $0x538  }
0x1b2: {  	[tilespmem:s29], [sflag:$0x2] =	stream.linear.gather [hbm4b:s28+s3], $0x8, $0x38;
	[tilespmem:$0xA200] =	vst v63  }
0x1b3: {  	s21 =	sadd.s32 $0x70, s19;
	s22 =	simm.s32 $0x5B8;
	s19 =	sadd.s32 $0xF4280, s19  }
0x1b4: {  	[tilespmem:s31], [sflag:$0x2] =	stream.linear.gather [hbm4b:s30+s3], $0x8, $0x38;
	[tilespmem:$0xA200] =	vst v63  }
.LBB2_17:
0x1b5: {  	[tilespmem:s22], [sflag:$0x2] =	stream.linear.gather [hbm4b:s21+s3], $0x8, $0x38;
	[tilespmem:$0xA200] =	vst v63  }
0x1b6: {  	s22 =	smov.u32 s18;
	s18 =	smov.u32 s20  }
0x1b7: {  	s23 =	sadd.s32 $0x1000, s20;
	s18 =	sshra.s32 s18, $0x2;
	s21 =	sadd.s32 $0x238, s22  }
0x1b8: {  	[tilespmem:s21], [sflag:$0x2] =	stream.linear.gather [hbm4b:s19+s3], $0x8, $0x38;
	[tilespmem:$0xA200] =	vst v63  }
0x1b9: {  	p0 =	sne.s32 s20, $0x7000;
	s20 =	sadd.s32 $0x10, s19;
	s21 =	sadd.s32 $0x2B8, s22  }
0x1ba: {  	[tilespmem:s21], [sflag:$0x2] =	stream.linear.gather [hbm4b:s20+s3], $0x8, $0x38;
	[tilespmem:$0xA200] =	vst v63  }
0x1bb: {  	s20 =	sadd.s32 $0x20, s19;
	s21 =	sadd.s32 $0x338, s22  }
0x1bc: {  	[tilespmem:s21], [sflag:$0x2] =	stream.linear.gather [hbm4b:s20+s3], $0x8, $0x38;
	[tilespmem:$0xA200] =	vst v63  }
0x1bd: {  	s20 =	sadd.s32 $0x30, s19;
	s21 =	sadd.s32 $0x3B8, s22  }
0x1be: {  	[tilespmem:s21], [sflag:$0x2] =	stream.linear.gather [hbm4b:s20+s3], $0x8, $0x38;
	[tilespmem:$0xA200] =	vst v63  }
0x1bf: {  	s20 =	sadd.s32 $0x40, s19;
	s21 =	sadd.s32 $0x438, s22  }
0x1c0: {  	[tilespmem:s21], [sflag:$0x2] =	stream.linear.gather [hbm4b:s20+s3], $0x8, $0x38;
	[tilespmem:$0xA200] =	vst v63  }
.Ltmp7:
0x1c1: {  	s20 =	sadd.s32 $0x50, s19;
	s21 =	sadd.s32 $0x4B8, s22;
	(pc) =	sbr.rel @p0 .LBB2_17-.Ltmp7, $4  }
0x1c2: {  	[tilespmem:s21], [sflag:$0x2] =	stream.linear.gather [hbm4b:s20+s3], $0x8, $0x38;
	[tilespmem:$0xA200] =	vst v63  }
0x1c3: {  	s20 =	sadd.s32 $0x60, s19;
	s21 =	sadd.s32 $0x538, s22;
	s22 =	sadd.s32 $0x5B8, s22  }
0x1c4: {  	[tilespmem:s21], [sflag:$0x2] =	stream.linear.gather [hbm4b:s20+s3], $0x8, $0x38;
	[tilespmem:$0xA200] =	vst v63  }
0x1c5: {  	s21 =	sadd.s32 $0x70, s19;
	s19 =	sadd.s32 $0xF4280, s19;
	s20 =	smov.u32 s23  }
0x1c6: {  	v48 =	vsel vm8, $0x0, v47  }
0x1c7: {  	(xrf0) =	vadd.scan.msk.s32 $0xffff, v48;
	_ =	sdelay $0x4  }
0x1c8: {  	[tilespmem:s22], [sflag:$0x2] =	stream.linear.gather [hbm4b:s21+s3], $0x8, $0x38;
	[tilespmem:$0xA200] =	vst v63  }
0x1c9: {  	s20 =	sadd.s32 $0x238, s18;
	v48, _, _ =	vpop (xrf0)  }
0x1ca: {  	[tilespmem:s20], [sflag:$0x2] =	stream.linear.gather [hbm4b:s19+s3], $0x8, $0x38;
	(v2sf) =	vpush v48, $0xF;
	[tilespmem:$0xA200] =	vst v63  }
0x1cb: {  	s21 =	sadd.s32 $0x10, s19;
	s22 =	sadd.s32 $0x2B8, s18  }
0x1cc: {  	[tilespmem:s22], [sflag:$0x2] =	stream.linear.gather [hbm4b:s21+s3], $0x8, $0x38;
	[tilespmem:$0xA200] =	vst v63  }
0x1cd: {  	s23 =	sadd.s32 $0x20, s19;
	s24 =	sadd.s32 $0x338, s18  }
0x1ce: {  	[tilespmem:s24], [sflag:$0x2] =	stream.linear.gather [hbm4b:s23+s3], $0x8, $0x38;
	[tilespmem:$0xA200] =	vst v63  }
0x1cf: {  	s25 =	sadd.s32 $0x30, s19;
	s26 =	sadd.s32 $0x3B8, s18  }
0x1d0: {  	[tilespmem:s26], [sflag:$0x2] =	stream.linear.gather [hbm4b:s25+s3], $0x8, $0x38;
	[tilespmem:$0xA200] =	vst v63  }
0x1d1: {  	s28 =	sadd.s32 $0x40, s19;
	s29 =	sadd.s32 $0x438, s18  }
0x1d2: {  	[tilespmem:s29], [sflag:$0x2] =	stream.linear.gather [hbm4b:s28+s3], $0x8, $0x38;
	[tilespmem:$0xA200] =	vst v63  }
0x1d3: {  	s30 =	sadd.s32 $0x50, s19;
	s31 =	sadd.s32 $0x4B8, s18  }
0x1d4: {  	[tilespmem:s31], [sflag:$0x2] =	stream.linear.gather [hbm4b:s30+s3], $0x8, $0x38;
	[tilespmem:$0xA200] =	vst v63  }
0x1d5: {  	s22 =	sadd.s32 $0x60, s19;
	s23 =	sadd.s32 $0x538, s18  }
0x1d6: {  	[tilespmem:s23], [sflag:$0x2] =	stream.linear.gather [hbm4b:s22+s3], $0x8, $0x38;
	[tilespmem:$0xA200] =	vst v63  }
0x1d7: {  	s24 =	sadd.s32 $0x70, s19;
	s25 =	sadd.s32 $0x5B8, s18  }
0x1d8: {  	[tilespmem:s25], [sflag:$0x2] =	stream.linear.gather [hbm4b:s24+s3], $0x8, $0x38;
	[tilespmem:$0xA200] =	vst v63  }
0x1d9: {  	s26 =	spop (v2sf)  }
0x1da: {  	s28 =	sshll.u32 s26, $0x3  }
0x1db: {  	s18 =	sand.u32 $0x78, s26;
	s19 =	sand.u32 $0xFFFFFC00, s28  }
0x1dc: {  	s18 =	sor.u32 s18, s19  }
0x1dd: {  	s18 =	sshrl.u32 s18, $0x3  }
0x1de: {  	s29 =	simm.s32 $0x240;
	s19 =	sadd.s32 s1, s18  }
0x1df: {  	[tilespmem:s29], [sflag:$0x2] =	stream.linear.gather [hbm4b:s19+s3], $0x8, $0x38;
	[tilespmem:$0xA200] =	vst v63  }
0x1e0: {  	s31 =	simm.s32 $0x2C0;
	s30 =	sadd.s32 $0x10, s19  }
0x1e1: {  	[tilespmem:s31], [sflag:$0x2] =	stream.linear.gather [hbm4b:s30+s3], $0x8, $0x38;
	[tilespmem:$0xA200] =	vst v63  }
0x1e2: {  	s20 =	simm.s32 $0x2000;
	s22 =	simm.s32 $0x340;
	s21 =	sadd.s32 $0x20, s19  }
0x1e3: {  	[tilespmem:s22], [sflag:$0x2] =	stream.linear.gather [hbm4b:s21+s3], $0x8, $0x38;
	[tilespmem:$0xA200] =	vst v63  }
0x1e4: {  	s24 =	simm.s32 $0x3C0;
	s26 =	simm.s32 $0x440;
	s23 =	sadd.s32 $0x30, s19  }
0x1e5: {  	[tilespmem:s24], [sflag:$0x2] =	stream.linear.gather [hbm4b:s23+s3], $0x8, $0x38;
	[tilespmem:$0xA200] =	vst v63  }
0x1e6: {  	s18 =	simm.s32 $0x400;
	s25 =	sadd.s32 $0x40, s19;
	s28 =	sadd.s32 $0x50, s19  }
0x1e7: {  	[tilespmem:s26], [sflag:$0x2] =	stream.linear.gather [hbm4b:s25+s3], $0x8, $0x38;
	[tilespmem:$0xA200] =	vst v63  }
0x1e8: {  	s29 =	simm.s32 $0x4C0;
	s30 =	sadd.s32 $0x60, s19;
	s31 =	simm.s32 $0x540  }
0x1e9: {  	[tilespmem:s29], [sflag:$0x2] =	stream.linear.gather [hbm4b:s28+s3], $0x8, $0x38;
	[tilespmem:$0xA200] =	vst v63  }
0x1ea: {  	s21 =	sadd.s32 $0x70, s19;
	s22 =	simm.s32 $0x5C0;
	s19 =	sadd.s32 $0xF4280, s19  }
0x1eb: {  	[tilespmem:s31], [sflag:$0x2] =	stream.linear.gather [hbm4b:s30+s3], $0x8, $0x38;
	[tilespmem:$0xA200] =	vst v63  }
.LBB2_19:
0x1ec: {  	[tilespmem:s22], [sflag:$0x2] =	stream.linear.gather [hbm4b:s21+s3], $0x8, $0x38;
	[tilespmem:$0xA200] =	vst v63  }
0x1ed: {  	s22 =	smov.u32 s18;
	s18 =	smov.u32 s20  }
0x1ee: {  	s23 =	sadd.s32 $0x1000, s20;
	s18 =	sshra.s32 s18, $0x2;
	s21 =	sadd.s32 $0x240, s22  }
0x1ef: {  	[tilespmem:s21], [sflag:$0x2] =	stream.linear.gather [hbm4b:s19+s3], $0x8, $0x38;
	[tilespmem:$0xA200] =	vst v63  }
0x1f0: {  	p0 =	sne.s32 s20, $0x7000;
	s20 =	sadd.s32 $0x10, s19;
	s21 =	sadd.s32 $0x2C0, s22  }
0x1f1: {  	[tilespmem:s21], [sflag:$0x2] =	stream.linear.gather [hbm4b:s20+s3], $0x8, $0x38;
	[tilespmem:$0xA200] =	vst v63  }
0x1f2: {  	s20 =	sadd.s32 $0x20, s19;
	s21 =	sadd.s32 $0x340, s22  }
0x1f3: {  	[tilespmem:s21], [sflag:$0x2] =	stream.linear.gather [hbm4b:s20+s3], $0x8, $0x38;
	[tilespmem:$0xA200] =	vst v63  }
0x1f4: {  	s20 =	sadd.s32 $0x30, s19;
	s21 =	sadd.s32 $0x3C0, s22  }
0x1f5: {  	[tilespmem:s21], [sflag:$0x2] =	stream.linear.gather [hbm4b:s20+s3], $0x8, $0x38;
	[tilespmem:$0xA200] =	vst v63  }
0x1f6: {  	s20 =	sadd.s32 $0x40, s19;
	s21 =	sadd.s32 $0x440, s22  }
0x1f7: {  	[tilespmem:s21], [sflag:$0x2] =	stream.linear.gather [hbm4b:s20+s3], $0x8, $0x38;
	[tilespmem:$0xA200] =	vst v63  }
.Ltmp8:
0x1f8: {  	s20 =	sadd.s32 $0x50, s19;
	s21 =	sadd.s32 $0x4C0, s22;
	(pc) =	sbr.rel @p0 .LBB2_19-.Ltmp8, $4  }
0x1f9: {  	[tilespmem:s21], [sflag:$0x2] =	stream.linear.gather [hbm4b:s20+s3], $0x8, $0x38;
	[tilespmem:$0xA200] =	vst v63  }
0x1fa: {  	s20 =	sadd.s32 $0x60, s19;
	s21 =	sadd.s32 $0x540, s22;
	s22 =	sadd.s32 $0x5C0, s22  }
0x1fb: {  	[tilespmem:s21], [sflag:$0x2] =	stream.linear.gather [hbm4b:s20+s3], $0x8, $0x38;
	[tilespmem:$0xA200] =	vst v63  }
0x1fc: {  	s21 =	sadd.s32 $0x70, s19;
	s19 =	sadd.s32 $0xF4280, s19;
	s20 =	smov.u32 s23  }
0x1fd: {  	v48 =	vsel vm9, $0x0, v47  }
0x1fe: {  	(xrf0) =	vadd.scan.msk.s32 $0xffff, v48;
	_ =	sdelay $0x4  }
0x1ff: {  	[tilespmem:s22], [sflag:$0x2] =	stream.linear.gather [hbm4b:s21+s3], $0x8, $0x38;
	[tilespmem:$0xA200] =	vst v63  }
0x200: {  	s20 =	sadd.s32 $0x240, s18;
	v48, _, _ =	vpop (xrf0)  }
0x201: {  	[tilespmem:s20], [sflag:$0x2] =	stream.linear.gather [hbm4b:s19+s3], $0x8, $0x38;
	(v2sf) =	vpush v48, $0xF;
	[tilespmem:$0xA200] =	vst v63  }
0x202: {  	s21 =	sadd.s32 $0x10, s19;
	s22 =	sadd.s32 $0x2C0, s18  }
0x203: {  	[tilespmem:s22], [sflag:$0x2] =	stream.linear.gather [hbm4b:s21+s3], $0x8, $0x38;
	[tilespmem:$0xA200] =	vst v63  }
0x204: {  	s23 =	sadd.s32 $0x20, s19;
	s24 =	sadd.s32 $0x340, s18  }
0x205: {  	[tilespmem:s24], [sflag:$0x2] =	stream.linear.gather [hbm4b:s23+s3], $0x8, $0x38;
	[tilespmem:$0xA200] =	vst v63  }
0x206: {  	s25 =	sadd.s32 $0x30, s19;
	s26 =	sadd.s32 $0x3C0, s18  }
0x207: {  	[tilespmem:s26], [sflag:$0x2] =	stream.linear.gather [hbm4b:s25+s3], $0x8, $0x38;
	[tilespmem:$0xA200] =	vst v63  }
0x208: {  	s28 =	sadd.s32 $0x40, s19;
	s29 =	sadd.s32 $0x440, s18  }
0x209: {  	[tilespmem:s29], [sflag:$0x2] =	stream.linear.gather [hbm4b:s28+s3], $0x8, $0x38;
	[tilespmem:$0xA200] =	vst v63  }
0x20a: {  	s30 =	sadd.s32 $0x50, s19;
	s31 =	sadd.s32 $0x4C0, s18  }
0x20b: {  	[tilespmem:s31], [sflag:$0x2] =	stream.linear.gather [hbm4b:s30+s3], $0x8, $0x38;
	[tilespmem:$0xA200] =	vst v63  }
0x20c: {  	s22 =	sadd.s32 $0x60, s19;
	s23 =	sadd.s32 $0x540, s18  }
0x20d: {  	[tilespmem:s23], [sflag:$0x2] =	stream.linear.gather [hbm4b:s22+s3], $0x8, $0x38;
	[tilespmem:$0xA200] =	vst v63  }
0x20e: {  	s24 =	sadd.s32 $0x70, s19;
	s25 =	sadd.s32 $0x5C0, s18  }
0x20f: {  	[tilespmem:s25], [sflag:$0x2] =	stream.linear.gather [hbm4b:s24+s3], $0x8, $0x38;
	[tilespmem:$0xA200] =	vst v63  }
0x210: {  	s26 =	spop (v2sf)  }
0x211: {  	s28 =	sshll.u32 s26, $0x3  }
0x212: {  	s18 =	sand.u32 $0x78, s26;
	s19 =	sand.u32 $0xFFFFFC00, s28  }
0x213: {  	s18 =	sor.u32 s18, s19  }
0x214: {  	s18 =	sshrl.u32 s18, $0x3  }
0x215: {  	s29 =	simm.s32 $0x248;
	s19 =	sadd.s32 s1, s18  }
0x216: {  	[tilespmem:s29], [sflag:$0x2] =	stream.linear.gather [hbm4b:s19+s3], $0x8, $0x38;
	[tilespmem:$0xA200] =	vst v63  }
0x217: {  	s31 =	simm.s32 $0x2C8;
	s30 =	sadd.s32 $0x10, s19  }
0x218: {  	[tilespmem:s31], [sflag:$0x2] =	stream.linear.gather [hbm4b:s30+s3], $0x8, $0x38;
	[tilespmem:$0xA200] =	vst v63  }
0x219: {  	s20 =	simm.s32 $0x2000;
	s22 =	simm.s32 $0x348;
	s21 =	sadd.s32 $0x20, s19  }
0x21a: {  	[tilespmem:s22], [sflag:$0x2] =	stream.linear.gather [hbm4b:s21+s3], $0x8, $0x38;
	[tilespmem:$0xA200] =	vst v63  }
0x21b: {  	s24 =	simm.s32 $0x3C8;
	s26 =	simm.s32 $0x448;
	s23 =	sadd.s32 $0x30, s19  }
0x21c: {  	[tilespmem:s24], [sflag:$0x2] =	stream.linear.gather [hbm4b:s23+s3], $0x8, $0x38;
	[tilespmem:$0xA200] =	vst v63  }
0x21d: {  	s18 =	simm.s32 $0x400;
	s25 =	sadd.s32 $0x40, s19;
	s28 =	sadd.s32 $0x50, s19  }
0x21e: {  	[tilespmem:s26], [sflag:$0x2] =	stream.linear.gather [hbm4b:s25+s3], $0x8, $0x38;
	[tilespmem:$0xA200] =	vst v63  }
0x21f: {  	s29 =	simm.s32 $0x4C8;
	s30 =	sadd.s32 $0x60, s19;
	s31 =	simm.s32 $0x548  }
0x220: {  	[tilespmem:s29], [sflag:$0x2] =	stream.linear.gather [hbm4b:s28+s3], $0x8, $0x38;
	[tilespmem:$0xA200] =	vst v63  }
0x221: {  	s21 =	sadd.s32 $0x70, s19;
	s22 =	simm.s32 $0x5C8;
	s19 =	sadd.s32 $0xF4280, s19  }
0x222: {  	[tilespmem:s31], [sflag:$0x2] =	stream.linear.gather [hbm4b:s30+s3], $0x8, $0x38;
	[tilespmem:$0xA200] =	vst v63  }
.LBB2_21:
0x223: {  	[tilespmem:s22], [sflag:$0x2] =	stream.linear.gather [hbm4b:s21+s3], $0x8, $0x38;
	[tilespmem:$0xA200] =	vst v63  }
0x224: {  	s22 =	smov.u32 s18;
	s18 =	smov.u32 s20  }
0x225: {  	s23 =	sadd.s32 $0x1000, s20;
	s18 =	sshra.s32 s18, $0x2;
	s21 =	sadd.s32 $0x248, s22  }
0x226: {  	[tilespmem:s21], [sflag:$0x2] =	stream.linear.gather [hbm4b:s19+s3], $0x8, $0x38;
	[tilespmem:$0xA200] =	vst v63  }
0x227: {  	p0 =	sne.s32 s20, $0x7000;
	s20 =	sadd.s32 $0x10, s19;
	s21 =	sadd.s32 $0x2C8, s22  }
0x228: {  	[tilespmem:s21], [sflag:$0x2] =	stream.linear.gather [hbm4b:s20+s3], $0x8, $0x38;
	[tilespmem:$0xA200] =	vst v63  }
0x229: {  	s20 =	sadd.s32 $0x20, s19;
	s21 =	sadd.s32 $0x348, s22  }
0x22a: {  	[tilespmem:s21], [sflag:$0x2] =	stream.linear.gather [hbm4b:s20+s3], $0x8, $0x38;
	[tilespmem:$0xA200] =	vst v63  }
0x22b: {  	s20 =	sadd.s32 $0x30, s19;
	s21 =	sadd.s32 $0x3C8, s22  }
0x22c: {  	[tilespmem:s21], [sflag:$0x2] =	stream.linear.gather [hbm4b:s20+s3], $0x8, $0x38;
	[tilespmem:$0xA200] =	vst v63  }
0x22d: {  	s20 =	sadd.s32 $0x40, s19;
	s21 =	sadd.s32 $0x448, s22  }
0x22e: {  	[tilespmem:s21], [sflag:$0x2] =	stream.linear.gather [hbm4b:s20+s3], $0x8, $0x38;
	[tilespmem:$0xA200] =	vst v63  }
.Ltmp9:
0x22f: {  	s20 =	sadd.s32 $0x50, s19;
	s21 =	sadd.s32 $0x4C8, s22;
	(pc) =	sbr.rel @p0 .LBB2_21-.Ltmp9, $4  }
0x230: {  	[tilespmem:s21], [sflag:$0x2] =	stream.linear.gather [hbm4b:s20+s3], $0x8, $0x38;
	[tilespmem:$0xA200] =	vst v63  }
0x231: {  	s20 =	sadd.s32 $0x60, s19;
	s21 =	sadd.s32 $0x548, s22;
	s22 =	sadd.s32 $0x5C8, s22  }
0x232: {  	[tilespmem:s21], [sflag:$0x2] =	stream.linear.gather [hbm4b:s20+s3], $0x8, $0x38;
	[tilespmem:$0xA200] =	vst v63  }
0x233: {  	s21 =	sadd.s32 $0x70, s19;
	s19 =	sadd.s32 $0xF4280, s19;
	s20 =	smov.u32 s23  }
0x234: {  	v48 =	vsel vm10, $0x0, v47  }
0x235: {  	(xrf0) =	vadd.scan.msk.s32 $0xffff, v48;
	_ =	sdelay $0x4  }
0x236: {  	[tilespmem:s22], [sflag:$0x2] =	stream.linear.gather [hbm4b:s21+s3], $0x8, $0x38;
	[tilespmem:$0xA200] =	vst v63  }
0x237: {  	s20 =	sadd.s32 $0x248, s18;
	v48, _, _ =	vpop (xrf0)  }
0x238: {  	[tilespmem:s20], [sflag:$0x2] =	stream.linear.gather [hbm4b:s19+s3], $0x8, $0x38;
	(v2sf) =	vpush v48, $0xF;
	[tilespmem:$0xA200] =	vst v63  }
0x239: {  	s21 =	sadd.s32 $0x10, s19;
	s22 =	sadd.s32 $0x2C8, s18  }
0x23a: {  	[tilespmem:s22], [sflag:$0x2] =	stream.linear.gather [hbm4b:s21+s3], $0x8, $0x38;
	[tilespmem:$0xA200] =	vst v63  }
0x23b: {  	s23 =	sadd.s32 $0x20, s19;
	s24 =	sadd.s32 $0x348, s18  }
0x23c: {  	[tilespmem:s24], [sflag:$0x2] =	stream.linear.gather [hbm4b:s23+s3], $0x8, $0x38;
	[tilespmem:$0xA200] =	vst v63  }
0x23d: {  	s25 =	sadd.s32 $0x30, s19;
	s26 =	sadd.s32 $0x3C8, s18  }
0x23e: {  	[tilespmem:s26], [sflag:$0x2] =	stream.linear.gather [hbm4b:s25+s3], $0x8, $0x38;
	[tilespmem:$0xA200] =	vst v63  }
0x23f: {  	s28 =	sadd.s32 $0x40, s19;
	s29 =	sadd.s32 $0x448, s18  }
0x240: {  	[tilespmem:s29], [sflag:$0x2] =	stream.linear.gather [hbm4b:s28+s3], $0x8, $0x38;
	[tilespmem:$0xA200] =	vst v63  }
0x241: {  	s30 =	sadd.s32 $0x50, s19;
	s31 =	sadd.s32 $0x4C8, s18  }
0x242: {  	[tilespmem:s31], [sflag:$0x2] =	stream.linear.gather [hbm4b:s30+s3], $0x8, $0x38;
	[tilespmem:$0xA200] =	vst v63  }
0x243: {  	s22 =	sadd.s32 $0x60, s19;
	s23 =	sadd.s32 $0x548, s18  }
0x244: {  	[tilespmem:s23], [sflag:$0x2] =	stream.linear.gather [hbm4b:s22+s3], $0x8, $0x38;
	[tilespmem:$0xA200] =	vst v63  }
0x245: {  	s24 =	sadd.s32 $0x70, s19;
	s25 =	sadd.s32 $0x5C8, s18  }
0x246: {  	[tilespmem:s25], [sflag:$0x2] =	stream.linear.gather [hbm4b:s24+s3], $0x8, $0x38;
	[tilespmem:$0xA200] =	vst v63  }
0x247: {  	s26 =	spop (v2sf)  }
0x248: {  	s28 =	sshll.u32 s26, $0x3  }
0x249: {  	s18 =	sand.u32 $0x78, s26;
	s19 =	sand.u32 $0xFFFFFC00, s28  }
0x24a: {  	s18 =	sor.u32 s18, s19  }
0x24b: {  	s18 =	sshrl.u32 s18, $0x3  }
0x24c: {  	s29 =	simm.s32 $0x250;
	s19 =	sadd.s32 s1, s18  }
0x24d: {  	[tilespmem:s29], [sflag:$0x2] =	stream.linear.gather [hbm4b:s19+s3], $0x8, $0x38;
	[tilespmem:$0xA200] =	vst v63  }
0x24e: {  	s31 =	simm.s32 $0x2D0;
	s30 =	sadd.s32 $0x10, s19  }
0x24f: {  	[tilespmem:s31], [sflag:$0x2] =	stream.linear.gather [hbm4b:s30+s3], $0x8, $0x38;
	[tilespmem:$0xA200] =	vst v63  }
0x250: {  	s20 =	simm.s32 $0x2000;
	s22 =	simm.s32 $0x350;
	s21 =	sadd.s32 $0x20, s19  }
0x251: {  	[tilespmem:s22], [sflag:$0x2] =	stream.linear.gather [hbm4b:s21+s3], $0x8, $0x38;
	[tilespmem:$0xA200] =	vst v63  }
0x252: {  	s24 =	simm.s32 $0x3D0;
	s26 =	simm.s32 $0x450;
	s23 =	sadd.s32 $0x30, s19  }
0x253: {  	[tilespmem:s24], [sflag:$0x2] =	stream.linear.gather [hbm4b:s23+s3], $0x8, $0x38;
	[tilespmem:$0xA200] =	vst v63  }
0x254: {  	s18 =	simm.s32 $0x400;
	s25 =	sadd.s32 $0x40, s19;
	s28 =	sadd.s32 $0x50, s19  }
0x255: {  	[tilespmem:s26], [sflag:$0x2] =	stream.linear.gather [hbm4b:s25+s3], $0x8, $0x38;
	[tilespmem:$0xA200] =	vst v63  }
0x256: {  	s29 =	simm.s32 $0x4D0;
	s30 =	sadd.s32 $0x60, s19;
	s31 =	simm.s32 $0x550  }
0x257: {  	[tilespmem:s29], [sflag:$0x2] =	stream.linear.gather [hbm4b:s28+s3], $0x8, $0x38;
	[tilespmem:$0xA200] =	vst v63  }
0x258: {  	s21 =	sadd.s32 $0x70, s19;
	s22 =	simm.s32 $0x5D0;
	s19 =	sadd.s32 $0xF4280, s19  }
0x259: {  	[tilespmem:s31], [sflag:$0x2] =	stream.linear.gather [hbm4b:s30+s3], $0x8, $0x38;
	[tilespmem:$0xA200] =	vst v63  }
.LBB2_23:
0x25a: {  	[tilespmem:s22], [sflag:$0x2] =	stream.linear.gather [hbm4b:s21+s3], $0x8, $0x38;
	[tilespmem:$0xA200] =	vst v63  }
0x25b: {  	s22 =	smov.u32 s18;
	s18 =	smov.u32 s20  }
0x25c: {  	s23 =	sadd.s32 $0x1000, s20;
	s18 =	sshra.s32 s18, $0x2;
	s21 =	sadd.s32 $0x250, s22  }
0x25d: {  	[tilespmem:s21], [sflag:$0x2] =	stream.linear.gather [hbm4b:s19+s3], $0x8, $0x38;
	[tilespmem:$0xA200] =	vst v63  }
0x25e: {  	p0 =	sne.s32 s20, $0x7000;
	s20 =	sadd.s32 $0x10, s19;
	s21 =	sadd.s32 $0x2D0, s22  }
0x25f: {  	[tilespmem:s21], [sflag:$0x2] =	stream.linear.gather [hbm4b:s20+s3], $0x8, $0x38;
	[tilespmem:$0xA200] =	vst v63  }
0x260: {  	s20 =	sadd.s32 $0x20, s19;
	s21 =	sadd.s32 $0x350, s22  }
0x261: {  	[tilespmem:s21], [sflag:$0x2] =	stream.linear.gather [hbm4b:s20+s3], $0x8, $0x38;
	[tilespmem:$0xA200] =	vst v63  }
0x262: {  	s20 =	sadd.s32 $0x30, s19;
	s21 =	sadd.s32 $0x3D0, s22  }
0x263: {  	[tilespmem:s21], [sflag:$0x2] =	stream.linear.gather [hbm4b:s20+s3], $0x8, $0x38;
	[tilespmem:$0xA200] =	vst v63  }
0x264: {  	s20 =	sadd.s32 $0x40, s19;
	s21 =	sadd.s32 $0x450, s22  }
0x265: {  	[tilespmem:s21], [sflag:$0x2] =	stream.linear.gather [hbm4b:s20+s3], $0x8, $0x38;
	[tilespmem:$0xA200] =	vst v63  }
.Ltmp10:
0x266: {  	s20 =	sadd.s32 $0x50, s19;
	s21 =	sadd.s32 $0x4D0, s22;
	(pc) =	sbr.rel @p0 .LBB2_23-.Ltmp10, $4  }
0x267: {  	[tilespmem:s21], [sflag:$0x2] =	stream.linear.gather [hbm4b:s20+s3], $0x8, $0x38;
	[tilespmem:$0xA200] =	vst v63  }
0x268: {  	s20 =	sadd.s32 $0x60, s19;
	s21 =	sadd.s32 $0x550, s22;
	s22 =	sadd.s32 $0x5D0, s22  }
0x269: {  	[tilespmem:s21], [sflag:$0x2] =	stream.linear.gather [hbm4b:s20+s3], $0x8, $0x38;
	[tilespmem:$0xA200] =	vst v63  }
0x26a: {  	s21 =	sadd.s32 $0x70, s19;
	s19 =	sadd.s32 $0xF4280, s19;
	s20 =	smov.u32 s23  }
0x26b: {  	v48 =	vsel vm11, $0x0, v47  }
0x26c: {  	(xrf0) =	vadd.scan.msk.s32 $0xffff, v48;
	_ =	sdelay $0x4  }
0x26d: {  	[tilespmem:s22], [sflag:$0x2] =	stream.linear.gather [hbm4b:s21+s3], $0x8, $0x38;
	[tilespmem:$0xA200] =	vst v63  }
0x26e: {  	s20 =	sadd.s32 $0x250, s18;
	v48, _, _ =	vpop (xrf0)  }
0x26f: {  	[tilespmem:s20], [sflag:$0x2] =	stream.linear.gather [hbm4b:s19+s3], $0x8, $0x38;
	(v2sf) =	vpush v48, $0xF;
	[tilespmem:$0xA200] =	vst v63  }
0x270: {  	s21 =	sadd.s32 $0x10, s19;
	s22 =	sadd.s32 $0x2D0, s18  }
0x271: {  	[tilespmem:s22], [sflag:$0x2] =	stream.linear.gather [hbm4b:s21+s3], $0x8, $0x38;
	[tilespmem:$0xA200] =	vst v63  }
0x272: {  	s23 =	sadd.s32 $0x20, s19;
	s24 =	sadd.s32 $0x350, s18  }
0x273: {  	[tilespmem:s24], [sflag:$0x2] =	stream.linear.gather [hbm4b:s23+s3], $0x8, $0x38;
	[tilespmem:$0xA200] =	vst v63  }
0x274: {  	s25 =	sadd.s32 $0x30, s19;
	s26 =	sadd.s32 $0x3D0, s18  }
0x275: {  	[tilespmem:s26], [sflag:$0x2] =	stream.linear.gather [hbm4b:s25+s3], $0x8, $0x38;
	[tilespmem:$0xA200] =	vst v63  }
0x276: {  	s28 =	sadd.s32 $0x40, s19;
	s29 =	sadd.s32 $0x450, s18  }
0x277: {  	[tilespmem:s29], [sflag:$0x2] =	stream.linear.gather [hbm4b:s28+s3], $0x8, $0x38;
	[tilespmem:$0xA200] =	vst v63  }
0x278: {  	s30 =	sadd.s32 $0x50, s19;
	s31 =	sadd.s32 $0x4D0, s18  }
0x279: {  	[tilespmem:s31], [sflag:$0x2] =	stream.linear.gather [hbm4b:s30+s3], $0x8, $0x38;
	[tilespmem:$0xA200] =	vst v63  }
0x27a: {  	s22 =	sadd.s32 $0x60, s19;
	s23 =	sadd.s32 $0x550, s18  }
0x27b: {  	[tilespmem:s23], [sflag:$0x2] =	stream.linear.gather [hbm4b:s22+s3], $0x8, $0x38;
	[tilespmem:$0xA200] =	vst v63  }
0x27c: {  	s24 =	sadd.s32 $0x70, s19;
	s25 =	sadd.s32 $0x5D0, s18  }
0x27d: {  	[tilespmem:s25], [sflag:$0x2] =	stream.linear.gather [hbm4b:s24+s3], $0x8, $0x38;
	[tilespmem:$0xA200] =	vst v63  }
0x27e: {  	s26 =	spop (v2sf)  }
0x27f: {  	s28 =	sshll.u32 s26, $0x3  }
0x280: {  	s18 =	sand.u32 $0x78, s26;
	s19 =	sand.u32 $0xFFFFFC00, s28  }
0x281: {  	s18 =	sor.u32 s18, s19  }
0x282: {  	s18 =	sshrl.u32 s18, $0x3  }
0x283: {  	s29 =	simm.s32 $0x258;
	s19 =	sadd.s32 s1, s18  }
0x284: {  	[tilespmem:s29], [sflag:$0x2] =	stream.linear.gather [hbm4b:s19+s3], $0x8, $0x38;
	[tilespmem:$0xA200] =	vst v63  }
0x285: {  	s31 =	simm.s32 $0x2D8;
	s30 =	sadd.s32 $0x10, s19  }
0x286: {  	[tilespmem:s31], [sflag:$0x2] =	stream.linear.gather [hbm4b:s30+s3], $0x8, $0x38;
	[tilespmem:$0xA200] =	vst v63  }
0x287: {  	s20 =	simm.s32 $0x2000;
	s22 =	simm.s32 $0x358;
	s21 =	sadd.s32 $0x20, s19  }
0x288: {  	[tilespmem:s22], [sflag:$0x2] =	stream.linear.gather [hbm4b:s21+s3], $0x8, $0x38;
	[tilespmem:$0xA200] =	vst v63  }
0x289: {  	s24 =	simm.s32 $0x3D8;
	s26 =	simm.s32 $0x458;
	s23 =	sadd.s32 $0x30, s19  }
0x28a: {  	[tilespmem:s24], [sflag:$0x2] =	stream.linear.gather [hbm4b:s23+s3], $0x8, $0x38;
	[tilespmem:$0xA200] =	vst v63  }
0x28b: {  	s18 =	simm.s32 $0x400;
	s25 =	sadd.s32 $0x40, s19;
	s28 =	sadd.s32 $0x50, s19  }
0x28c: {  	[tilespmem:s26], [sflag:$0x2] =	stream.linear.gather [hbm4b:s25+s3], $0x8, $0x38;
	[tilespmem:$0xA200] =	vst v63  }
0x28d: {  	s29 =	simm.s32 $0x4D8;
	s30 =	sadd.s32 $0x60, s19;
	s31 =	simm.s32 $0x558  }
0x28e: {  	[tilespmem:s29], [sflag:$0x2] =	stream.linear.gather [hbm4b:s28+s3], $0x8, $0x38;
	[tilespmem:$0xA200] =	vst v63  }
0x28f: {  	s21 =	sadd.s32 $0x70, s19;
	s22 =	simm.s32 $0x5D8;
	s19 =	sadd.s32 $0xF4280, s19  }
0x290: {  	[tilespmem:s31], [sflag:$0x2] =	stream.linear.gather [hbm4b:s30+s3], $0x8, $0x38;
	[tilespmem:$0xA200] =	vst v63  }
.LBB2_25:
0x291: {  	[tilespmem:s22], [sflag:$0x2] =	stream.linear.gather [hbm4b:s21+s3], $0x8, $0x38;
	[tilespmem:$0xA200] =	vst v63  }
0x292: {  	s22 =	smov.u32 s18;
	s18 =	smov.u32 s20  }
0x293: {  	s23 =	sadd.s32 $0x1000, s20;
	s18 =	sshra.s32 s18, $0x2;
	s21 =	sadd.s32 $0x258, s22  }
0x294: {  	[tilespmem:s21], [sflag:$0x2] =	stream.linear.gather [hbm4b:s19+s3], $0x8, $0x38;
	[tilespmem:$0xA200] =	vst v63  }
0x295: {  	p0 =	sne.s32 s20, $0x7000;
	s20 =	sadd.s32 $0x10, s19;
	s21 =	sadd.s32 $0x2D8, s22  }
0x296: {  	[tilespmem:s21], [sflag:$0x2] =	stream.linear.gather [hbm4b:s20+s3], $0x8, $0x38;
	[tilespmem:$0xA200] =	vst v63  }
0x297: {  	s20 =	sadd.s32 $0x20, s19;
	s21 =	sadd.s32 $0x358, s22  }
0x298: {  	[tilespmem:s21], [sflag:$0x2] =	stream.linear.gather [hbm4b:s20+s3], $0x8, $0x38;
	[tilespmem:$0xA200] =	vst v63  }
0x299: {  	s20 =	sadd.s32 $0x30, s19;
	s21 =	sadd.s32 $0x3D8, s22  }
0x29a: {  	[tilespmem:s21], [sflag:$0x2] =	stream.linear.gather [hbm4b:s20+s3], $0x8, $0x38;
	[tilespmem:$0xA200] =	vst v63  }
0x29b: {  	s20 =	sadd.s32 $0x40, s19;
	s21 =	sadd.s32 $0x458, s22  }
0x29c: {  	[tilespmem:s21], [sflag:$0x2] =	stream.linear.gather [hbm4b:s20+s3], $0x8, $0x38;
	[tilespmem:$0xA200] =	vst v63  }
.Ltmp11:
0x29d: {  	s20 =	sadd.s32 $0x50, s19;
	s21 =	sadd.s32 $0x4D8, s22;
	(pc) =	sbr.rel @p0 .LBB2_25-.Ltmp11, $4  }
0x29e: {  	[tilespmem:s21], [sflag:$0x2] =	stream.linear.gather [hbm4b:s20+s3], $0x8, $0x38;
	[tilespmem:$0xA200] =	vst v63  }
0x29f: {  	s20 =	sadd.s32 $0x60, s19;
	s21 =	sadd.s32 $0x558, s22;
	s22 =	sadd.s32 $0x5D8, s22  }
0x2a0: {  	[tilespmem:s21], [sflag:$0x2] =	stream.linear.gather [hbm4b:s20+s3], $0x8, $0x38;
	[tilespmem:$0xA200] =	vst v63  }
0x2a1: {  	s21 =	sadd.s32 $0x70, s19;
	s19 =	sadd.s32 $0xF4280, s19;
	s20 =	smov.u32 s23  }
0x2a2: {  	v48 =	vsel vm12, $0x0, v47  }
0x2a3: {  	(xrf0) =	vadd.scan.msk.s32 $0xffff, v48;
	_ =	sdelay $0x4  }
0x2a4: {  	[tilespmem:s22], [sflag:$0x2] =	stream.linear.gather [hbm4b:s21+s3], $0x8, $0x38;
	[tilespmem:$0xA200] =	vst v63  }
0x2a5: {  	s20 =	sadd.s32 $0x258, s18;
	v48, _, _ =	vpop (xrf0)  }
0x2a6: {  	[tilespmem:s20], [sflag:$0x2] =	stream.linear.gather [hbm4b:s19+s3], $0x8, $0x38;
	(v2sf) =	vpush v48, $0xF;
	[tilespmem:$0xA200] =	vst v63  }
0x2a7: {  	s21 =	sadd.s32 $0x10, s19;
	s22 =	sadd.s32 $0x2D8, s18  }
0x2a8: {  	[tilespmem:s22], [sflag:$0x2] =	stream.linear.gather [hbm4b:s21+s3], $0x8, $0x38;
	[tilespmem:$0xA200] =	vst v63  }
0x2a9: {  	s23 =	sadd.s32 $0x20, s19;
	s24 =	sadd.s32 $0x358, s18  }
0x2aa: {  	[tilespmem:s24], [sflag:$0x2] =	stream.linear.gather [hbm4b:s23+s3], $0x8, $0x38;
	[tilespmem:$0xA200] =	vst v63  }
0x2ab: {  	s25 =	sadd.s32 $0x30, s19;
	s26 =	sadd.s32 $0x3D8, s18  }
0x2ac: {  	[tilespmem:s26], [sflag:$0x2] =	stream.linear.gather [hbm4b:s25+s3], $0x8, $0x38;
	[tilespmem:$0xA200] =	vst v63  }
0x2ad: {  	s28 =	sadd.s32 $0x40, s19;
	s29 =	sadd.s32 $0x458, s18  }
0x2ae: {  	[tilespmem:s29], [sflag:$0x2] =	stream.linear.gather [hbm4b:s28+s3], $0x8, $0x38;
	[tilespmem:$0xA200] =	vst v63  }
0x2af: {  	s30 =	sadd.s32 $0x50, s19;
	s31 =	sadd.s32 $0x4D8, s18  }
0x2b0: {  	[tilespmem:s31], [sflag:$0x2] =	stream.linear.gather [hbm4b:s30+s3], $0x8, $0x38;
	[tilespmem:$0xA200] =	vst v63  }
0x2b1: {  	s22 =	sadd.s32 $0x60, s19;
	s23 =	sadd.s32 $0x558, s18  }
0x2b2: {  	[tilespmem:s23], [sflag:$0x2] =	stream.linear.gather [hbm4b:s22+s3], $0x8, $0x38;
	[tilespmem:$0xA200] =	vst v63  }
0x2b3: {  	s24 =	sadd.s32 $0x70, s19;
	s25 =	sadd.s32 $0x5D8, s18  }
0x2b4: {  	[tilespmem:s25], [sflag:$0x2] =	stream.linear.gather [hbm4b:s24+s3], $0x8, $0x38;
	[tilespmem:$0xA200] =	vst v63  }
0x2b5: {  	s26 =	spop (v2sf)  }
0x2b6: {  	s28 =	sshll.u32 s26, $0x3  }
0x2b7: {  	s18 =	sand.u32 $0x78, s26;
	s19 =	sand.u32 $0xFFFFFC00, s28  }
0x2b8: {  	s18 =	sor.u32 s18, s19  }
0x2b9: {  	s18 =	sshrl.u32 s18, $0x3  }
0x2ba: {  	s29 =	simm.s32 $0x260;
	s19 =	sadd.s32 s1, s18  }
0x2bb: {  	[tilespmem:s29], [sflag:$0x2] =	stream.linear.gather [hbm4b:s19+s3], $0x8, $0x38;
	[tilespmem:$0xA200] =	vst v63  }
0x2bc: {  	s31 =	simm.s32 $0x2E0;
	s30 =	sadd.s32 $0x10, s19  }
0x2bd: {  	[tilespmem:s31], [sflag:$0x2] =	stream.linear.gather [hbm4b:s30+s3], $0x8, $0x38;
	[tilespmem:$0xA200] =	vst v63  }
0x2be: {  	s20 =	simm.s32 $0x2000;
	s22 =	simm.s32 $0x360;
	s21 =	sadd.s32 $0x20, s19  }
0x2bf: {  	[tilespmem:s22], [sflag:$0x2] =	stream.linear.gather [hbm4b:s21+s3], $0x8, $0x38;
	[tilespmem:$0xA200] =	vst v63  }
0x2c0: {  	s24 =	simm.s32 $0x3E0;
	s26 =	simm.s32 $0x460;
	s23 =	sadd.s32 $0x30, s19  }
0x2c1: {  	[tilespmem:s24], [sflag:$0x2] =	stream.linear.gather [hbm4b:s23+s3], $0x8, $0x38;
	[tilespmem:$0xA200] =	vst v63  }
0x2c2: {  	s18 =	simm.s32 $0x400;
	s25 =	sadd.s32 $0x40, s19;
	s28 =	sadd.s32 $0x50, s19  }
0x2c3: {  	[tilespmem:s26], [sflag:$0x2] =	stream.linear.gather [hbm4b:s25+s3], $0x8, $0x38;
	[tilespmem:$0xA200] =	vst v63  }
0x2c4: {  	s29 =	simm.s32 $0x4E0;
	s30 =	sadd.s32 $0x60, s19;
	s31 =	simm.s32 $0x560  }
0x2c5: {  	[tilespmem:s29], [sflag:$0x2] =	stream.linear.gather [hbm4b:s28+s3], $0x8, $0x38;
	[tilespmem:$0xA200] =	vst v63  }
0x2c6: {  	s21 =	sadd.s32 $0x70, s19;
	s22 =	simm.s32 $0x5E0;
	s19 =	sadd.s32 $0xF4280, s19  }
0x2c7: {  	[tilespmem:s31], [sflag:$0x2] =	stream.linear.gather [hbm4b:s30+s3], $0x8, $0x38;
	[tilespmem:$0xA200] =	vst v63  }
.LBB2_27:
0x2c8: {  	[tilespmem:s22], [sflag:$0x2] =	stream.linear.gather [hbm4b:s21+s3], $0x8, $0x38;
	[tilespmem:$0xA200] =	vst v63  }
0x2c9: {  	s22 =	smov.u32 s18;
	s18 =	smov.u32 s20  }
0x2ca: {  	s23 =	sadd.s32 $0x1000, s20;
	s18 =	sshra.s32 s18, $0x2;
	s21 =	sadd.s32 $0x260, s22  }
0x2cb: {  	[tilespmem:s21], [sflag:$0x2] =	stream.linear.gather [hbm4b:s19+s3], $0x8, $0x38;
	[tilespmem:$0xA200] =	vst v63  }
0x2cc: {  	p0 =	sne.s32 s20, $0x7000;
	s20 =	sadd.s32 $0x10, s19;
	s21 =	sadd.s32 $0x2E0, s22  }
0x2cd: {  	[tilespmem:s21], [sflag:$0x2] =	stream.linear.gather [hbm4b:s20+s3], $0x8, $0x38;
	[tilespmem:$0xA200] =	vst v63  }
0x2ce: {  	s20 =	sadd.s32 $0x20, s19;
	s21 =	sadd.s32 $0x360, s22  }
0x2cf: {  	[tilespmem:s21], [sflag:$0x2] =	stream.linear.gather [hbm4b:s20+s3], $0x8, $0x38;
	[tilespmem:$0xA200] =	vst v63  }
0x2d0: {  	s20 =	sadd.s32 $0x30, s19;
	s21 =	sadd.s32 $0x3E0, s22  }
0x2d1: {  	[tilespmem:s21], [sflag:$0x2] =	stream.linear.gather [hbm4b:s20+s3], $0x8, $0x38;
	[tilespmem:$0xA200] =	vst v63  }
0x2d2: {  	s20 =	sadd.s32 $0x40, s19;
	s21 =	sadd.s32 $0x460, s22  }
0x2d3: {  	[tilespmem:s21], [sflag:$0x2] =	stream.linear.gather [hbm4b:s20+s3], $0x8, $0x38;
	[tilespmem:$0xA200] =	vst v63  }
.Ltmp12:
0x2d4: {  	s20 =	sadd.s32 $0x50, s19;
	s21 =	sadd.s32 $0x4E0, s22;
	(pc) =	sbr.rel @p0 .LBB2_27-.Ltmp12, $4  }
0x2d5: {  	[tilespmem:s21], [sflag:$0x2] =	stream.linear.gather [hbm4b:s20+s3], $0x8, $0x38;
	[tilespmem:$0xA200] =	vst v63  }
0x2d6: {  	s20 =	sadd.s32 $0x60, s19;
	s21 =	sadd.s32 $0x560, s22;
	s22 =	sadd.s32 $0x5E0, s22  }
0x2d7: {  	[tilespmem:s21], [sflag:$0x2] =	stream.linear.gather [hbm4b:s20+s3], $0x8, $0x38;
	[tilespmem:$0xA200] =	vst v63  }
0x2d8: {  	s21 =	sadd.s32 $0x70, s19;
	s19 =	sadd.s32 $0xF4280, s19;
	s20 =	smov.u32 s23  }
0x2d9: {  	v48 =	vsel vm13, $0x0, v47  }
0x2da: {  	(xrf0) =	vadd.scan.msk.s32 $0xffff, v48;
	_ =	sdelay $0x4  }
0x2db: {  	[tilespmem:s22], [sflag:$0x2] =	stream.linear.gather [hbm4b:s21+s3], $0x8, $0x38;
	[tilespmem:$0xA200] =	vst v63  }
0x2dc: {  	s20 =	sadd.s32 $0x260, s18;
	v48, _, _ =	vpop (xrf0)  }
0x2dd: {  	[tilespmem:s20], [sflag:$0x2] =	stream.linear.gather [hbm4b:s19+s3], $0x8, $0x38;
	(v2sf) =	vpush v48, $0xF;
	[tilespmem:$0xA200] =	vst v63  }
0x2de: {  	s21 =	sadd.s32 $0x10, s19;
	s22 =	sadd.s32 $0x2E0, s18  }
0x2df: {  	[tilespmem:s22], [sflag:$0x2] =	stream.linear.gather [hbm4b:s21+s3], $0x8, $0x38;
	[tilespmem:$0xA200] =	vst v63  }
0x2e0: {  	s23 =	sadd.s32 $0x20, s19;
	s24 =	sadd.s32 $0x360, s18  }
0x2e1: {  	[tilespmem:s24], [sflag:$0x2] =	stream.linear.gather [hbm4b:s23+s3], $0x8, $0x38;
	[tilespmem:$0xA200] =	vst v63  }
0x2e2: {  	s25 =	sadd.s32 $0x30, s19;
	s26 =	sadd.s32 $0x3E0, s18  }
0x2e3: {  	[tilespmem:s26], [sflag:$0x2] =	stream.linear.gather [hbm4b:s25+s3], $0x8, $0x38;
	[tilespmem:$0xA200] =	vst v63  }
0x2e4: {  	s28 =	sadd.s32 $0x40, s19;
	s29 =	sadd.s32 $0x460, s18  }
0x2e5: {  	[tilespmem:s29], [sflag:$0x2] =	stream.linear.gather [hbm4b:s28+s3], $0x8, $0x38;
	[tilespmem:$0xA200] =	vst v63  }
0x2e6: {  	s30 =	sadd.s32 $0x50, s19;
	s31 =	sadd.s32 $0x4E0, s18  }
0x2e7: {  	[tilespmem:s31], [sflag:$0x2] =	stream.linear.gather [hbm4b:s30+s3], $0x8, $0x38;
	[tilespmem:$0xA200] =	vst v63  }
0x2e8: {  	s22 =	sadd.s32 $0x60, s19;
	s23 =	sadd.s32 $0x560, s18  }
0x2e9: {  	[tilespmem:s23], [sflag:$0x2] =	stream.linear.gather [hbm4b:s22+s3], $0x8, $0x38;
	[tilespmem:$0xA200] =	vst v63  }
0x2ea: {  	s24 =	sadd.s32 $0x70, s19;
	s25 =	sadd.s32 $0x5E0, s18  }
0x2eb: {  	[tilespmem:s25], [sflag:$0x2] =	stream.linear.gather [hbm4b:s24+s3], $0x8, $0x38;
	[tilespmem:$0xA200] =	vst v63  }
0x2ec: {  	s26 =	spop (v2sf)  }
0x2ed: {  	s28 =	sshll.u32 s26, $0x3  }
0x2ee: {  	s18 =	sand.u32 $0x78, s26;
	s19 =	sand.u32 $0xFFFFFC00, s28  }
0x2ef: {  	s18 =	sor.u32 s18, s19  }
0x2f0: {  	s18 =	sshrl.u32 s18, $0x3  }
0x2f1: {  	s29 =	simm.s32 $0x268;
	s19 =	sadd.s32 s1, s18  }
0x2f2: {  	[tilespmem:s29], [sflag:$0x2] =	stream.linear.gather [hbm4b:s19+s3], $0x8, $0x38;
	[tilespmem:$0xA200] =	vst v63  }
0x2f3: {  	s31 =	simm.s32 $0x2E8;
	s30 =	sadd.s32 $0x10, s19  }
0x2f4: {  	[tilespmem:s31], [sflag:$0x2] =	stream.linear.gather [hbm4b:s30+s3], $0x8, $0x38;
	[tilespmem:$0xA200] =	vst v63  }
0x2f5: {  	s20 =	simm.s32 $0x2000;
	s22 =	simm.s32 $0x368;
	s21 =	sadd.s32 $0x20, s19  }
0x2f6: {  	[tilespmem:s22], [sflag:$0x2] =	stream.linear.gather [hbm4b:s21+s3], $0x8, $0x38;
	[tilespmem:$0xA200] =	vst v63  }
0x2f7: {  	s24 =	simm.s32 $0x3E8;
	s26 =	simm.s32 $0x468;
	s23 =	sadd.s32 $0x30, s19  }
0x2f8: {  	[tilespmem:s24], [sflag:$0x2] =	stream.linear.gather [hbm4b:s23+s3], $0x8, $0x38;
	[tilespmem:$0xA200] =	vst v63  }
0x2f9: {  	s18 =	simm.s32 $0x400;
	s25 =	sadd.s32 $0x40, s19;
	s28 =	sadd.s32 $0x50, s19  }
0x2fa: {  	[tilespmem:s26], [sflag:$0x2] =	stream.linear.gather [hbm4b:s25+s3], $0x8, $0x38;
	[tilespmem:$0xA200] =	vst v63  }
0x2fb: {  	s29 =	simm.s32 $0x4E8;
	s30 =	sadd.s32 $0x60, s19;
	s31 =	simm.s32 $0x568  }
0x2fc: {  	[tilespmem:s29], [sflag:$0x2] =	stream.linear.gather [hbm4b:s28+s3], $0x8, $0x38;
	[tilespmem:$0xA200] =	vst v63  }
0x2fd: {  	s21 =	sadd.s32 $0x70, s19;
	s22 =	simm.s32 $0x5E8;
	s19 =	sadd.s32 $0xF4280, s19  }
0x2fe: {  	[tilespmem:s31], [sflag:$0x2] =	stream.linear.gather [hbm4b:s30+s3], $0x8, $0x38;
	[tilespmem:$0xA200] =	vst v63  }
.LBB2_29:
0x2ff: {  	[tilespmem:s22], [sflag:$0x2] =	stream.linear.gather [hbm4b:s21+s3], $0x8, $0x38;
	[tilespmem:$0xA200] =	vst v63  }
0x300: {  	s22 =	smov.u32 s18;
	s18 =	smov.u32 s20  }
0x301: {  	s23 =	sadd.s32 $0x1000, s20;
	s18 =	sshra.s32 s18, $0x2;
	s21 =	sadd.s32 $0x268, s22  }
0x302: {  	[tilespmem:s21], [sflag:$0x2] =	stream.linear.gather [hbm4b:s19+s3], $0x8, $0x38;
	[tilespmem:$0xA200] =	vst v63  }
0x303: {  	p0 =	sne.s32 s20, $0x7000;
	s20 =	sadd.s32 $0x10, s19;
	s21 =	sadd.s32 $0x2E8, s22  }
0x304: {  	[tilespmem:s21], [sflag:$0x2] =	stream.linear.gather [hbm4b:s20+s3], $0x8, $0x38;
	[tilespmem:$0xA200] =	vst v63  }
0x305: {  	s20 =	sadd.s32 $0x20, s19;
	s21 =	sadd.s32 $0x368, s22  }
0x306: {  	[tilespmem:s21], [sflag:$0x2] =	stream.linear.gather [hbm4b:s20+s3], $0x8, $0x38;
	[tilespmem:$0xA200] =	vst v63  }
0x307: {  	s20 =	sadd.s32 $0x30, s19;
	s21 =	sadd.s32 $0x3E8, s22  }
0x308: {  	[tilespmem:s21], [sflag:$0x2] =	stream.linear.gather [hbm4b:s20+s3], $0x8, $0x38;
	[tilespmem:$0xA200] =	vst v63  }
0x309: {  	s20 =	sadd.s32 $0x40, s19;
	s21 =	sadd.s32 $0x468, s22  }
0x30a: {  	[tilespmem:s21], [sflag:$0x2] =	stream.linear.gather [hbm4b:s20+s3], $0x8, $0x38;
	[tilespmem:$0xA200] =	vst v63  }
.Ltmp13:
0x30b: {  	s20 =	sadd.s32 $0x50, s19;
	s21 =	sadd.s32 $0x4E8, s22;
	(pc) =	sbr.rel @p0 .LBB2_29-.Ltmp13, $4  }
0x30c: {  	[tilespmem:s21], [sflag:$0x2] =	stream.linear.gather [hbm4b:s20+s3], $0x8, $0x38;
	[tilespmem:$0xA200] =	vst v63  }
0x30d: {  	s20 =	sadd.s32 $0x60, s19;
	s21 =	sadd.s32 $0x568, s22;
	s22 =	sadd.s32 $0x5E8, s22  }
0x30e: {  	[tilespmem:s21], [sflag:$0x2] =	stream.linear.gather [hbm4b:s20+s3], $0x8, $0x38;
	[tilespmem:$0xA200] =	vst v63  }
0x30f: {  	s21 =	sadd.s32 $0x70, s19;
	s19 =	sadd.s32 $0xF4280, s19;
	s20 =	smov.u32 s23  }
0x310: {  	v48 =	vsel vm14, $0x0, v47  }
0x311: {  	(xrf0) =	vadd.scan.msk.s32 $0xffff, v48;
	_ =	sdelay $0x4  }
0x312: {  	[tilespmem:s22], [sflag:$0x2] =	stream.linear.gather [hbm4b:s21+s3], $0x8, $0x38;
	[tilespmem:$0xA200] =	vst v63  }
0x313: {  	s20 =	sadd.s32 $0x268, s18;
	v48, _, _ =	vpop (xrf0)  }
0x314: {  	[tilespmem:s20], [sflag:$0x2] =	stream.linear.gather [hbm4b:s19+s3], $0x8, $0x38;
	(v2sf) =	vpush v48, $0xF;
	[tilespmem:$0xA200] =	vst v63  }
0x315: {  	s21 =	sadd.s32 $0x10, s19;
	s22 =	sadd.s32 $0x2E8, s18  }
0x316: {  	[tilespmem:s22], [sflag:$0x2] =	stream.linear.gather [hbm4b:s21+s3], $0x8, $0x38;
	[tilespmem:$0xA200] =	vst v63  }
0x317: {  	s23 =	sadd.s32 $0x20, s19;
	s24 =	sadd.s32 $0x368, s18  }
0x318: {  	[tilespmem:s24], [sflag:$0x2] =	stream.linear.gather [hbm4b:s23+s3], $0x8, $0x38;
	[tilespmem:$0xA200] =	vst v63  }
0x319: {  	s25 =	sadd.s32 $0x30, s19;
	s26 =	sadd.s32 $0x3E8, s18  }
0x31a: {  	[tilespmem:s26], [sflag:$0x2] =	stream.linear.gather [hbm4b:s25+s3], $0x8, $0x38;
	[tilespmem:$0xA200] =	vst v63  }
0x31b: {  	s28 =	sadd.s32 $0x40, s19;
	s29 =	sadd.s32 $0x468, s18  }
0x31c: {  	[tilespmem:s29], [sflag:$0x2] =	stream.linear.gather [hbm4b:s28+s3], $0x8, $0x38;
	[tilespmem:$0xA200] =	vst v63  }
0x31d: {  	s30 =	sadd.s32 $0x50, s19;
	s31 =	sadd.s32 $0x4E8, s18  }
0x31e: {  	[tilespmem:s31], [sflag:$0x2] =	stream.linear.gather [hbm4b:s30+s3], $0x8, $0x38;
	[tilespmem:$0xA200] =	vst v63  }
0x31f: {  	s22 =	sadd.s32 $0x60, s19;
	s23 =	sadd.s32 $0x568, s18  }
0x320: {  	[tilespmem:s23], [sflag:$0x2] =	stream.linear.gather [hbm4b:s22+s3], $0x8, $0x38;
	[tilespmem:$0xA200] =	vst v63  }
0x321: {  	s24 =	sadd.s32 $0x70, s19;
	s25 =	sadd.s32 $0x5E8, s18  }
0x322: {  	[tilespmem:s25], [sflag:$0x2] =	stream.linear.gather [hbm4b:s24+s3], $0x8, $0x38;
	[tilespmem:$0xA200] =	vst v63  }
0x323: {  	s26 =	spop (v2sf)  }
0x324: {  	s28 =	sshll.u32 s26, $0x3  }
0x325: {  	s18 =	sand.u32 $0x78, s26;
	s19 =	sand.u32 $0xFFFFFC00, s28  }
0x326: {  	s18 =	sor.u32 s18, s19  }
0x327: {  	s18 =	sshrl.u32 s18, $0x3  }
0x328: {  	s29 =	simm.s32 $0x270;
	s19 =	sadd.s32 s1, s18  }
0x329: {  	[tilespmem:s29], [sflag:$0x2] =	stream.linear.gather [hbm4b:s19+s3], $0x8, $0x38;
	[tilespmem:$0xA200] =	vst v63  }
0x32a: {  	s31 =	simm.s32 $0x2F0;
	s30 =	sadd.s32 $0x10, s19  }
0x32b: {  	[tilespmem:s31], [sflag:$0x2] =	stream.linear.gather [hbm4b:s30+s3], $0x8, $0x38;
	[tilespmem:$0xA200] =	vst v63  }
0x32c: {  	s20 =	simm.s32 $0x2000;
	s22 =	simm.s32 $0x370;
	s21 =	sadd.s32 $0x20, s19  }
0x32d: {  	[tilespmem:s22], [sflag:$0x2] =	stream.linear.gather [hbm4b:s21+s3], $0x8, $0x38;
	[tilespmem:$0xA200] =	vst v63  }
0x32e: {  	s24 =	simm.s32 $0x3F0;
	s26 =	simm.s32 $0x470;
	s23 =	sadd.s32 $0x30, s19  }
0x32f: {  	[tilespmem:s24], [sflag:$0x2] =	stream.linear.gather [hbm4b:s23+s3], $0x8, $0x38;
	[tilespmem:$0xA200] =	vst v63  }
0x330: {  	s18 =	simm.s32 $0x400;
	s25 =	sadd.s32 $0x40, s19;
	s28 =	sadd.s32 $0x50, s19  }
0x331: {  	[tilespmem:s26], [sflag:$0x2] =	stream.linear.gather [hbm4b:s25+s3], $0x8, $0x38;
	[tilespmem:$0xA200] =	vst v63  }
0x332: {  	s29 =	simm.s32 $0x4F0;
	s30 =	sadd.s32 $0x60, s19;
	s31 =	simm.s32 $0x570  }
0x333: {  	[tilespmem:s29], [sflag:$0x2] =	stream.linear.gather [hbm4b:s28+s3], $0x8, $0x38;
	[tilespmem:$0xA200] =	vst v63  }
0x334: {  	s21 =	sadd.s32 $0x70, s19;
	s22 =	simm.s32 $0x5F0;
	s19 =	sadd.s32 $0xF4280, s19  }
0x335: {  	[tilespmem:s31], [sflag:$0x2] =	stream.linear.gather [hbm4b:s30+s3], $0x8, $0x38;
	[tilespmem:$0xA200] =	vst v63  }
.LBB2_31:
0x336: {  	[tilespmem:s22], [sflag:$0x2] =	stream.linear.gather [hbm4b:s21+s3], $0x8, $0x38;
	[tilespmem:$0xA200] =	vst v63  }
0x337: {  	s22 =	smov.u32 s18;
	s18 =	smov.u32 s20  }
0x338: {  	s23 =	sadd.s32 $0x1000, s20;
	s18 =	sshra.s32 s18, $0x2;
	s21 =	sadd.s32 $0x270, s22  }
0x339: {  	[tilespmem:s21], [sflag:$0x2] =	stream.linear.gather [hbm4b:s19+s3], $0x8, $0x38;
	[tilespmem:$0xA200] =	vst v63  }
0x33a: {  	p0 =	sne.s32 s20, $0x7000;
	s20 =	sadd.s32 $0x10, s19;
	s21 =	sadd.s32 $0x2F0, s22  }
0x33b: {  	[tilespmem:s21], [sflag:$0x2] =	stream.linear.gather [hbm4b:s20+s3], $0x8, $0x38;
	[tilespmem:$0xA200] =	vst v63  }
0x33c: {  	s20 =	sadd.s32 $0x20, s19;
	s21 =	sadd.s32 $0x370, s22  }
0x33d: {  	[tilespmem:s21], [sflag:$0x2] =	stream.linear.gather [hbm4b:s20+s3], $0x8, $0x38;
	[tilespmem:$0xA200] =	vst v63  }
0x33e: {  	s20 =	sadd.s32 $0x30, s19;
	s21 =	sadd.s32 $0x3F0, s22  }
0x33f: {  	[tilespmem:s21], [sflag:$0x2] =	stream.linear.gather [hbm4b:s20+s3], $0x8, $0x38;
	[tilespmem:$0xA200] =	vst v63  }
0x340: {  	s20 =	sadd.s32 $0x40, s19;
	s21 =	sadd.s32 $0x470, s22  }
0x341: {  	[tilespmem:s21], [sflag:$0x2] =	stream.linear.gather [hbm4b:s20+s3], $0x8, $0x38;
	[tilespmem:$0xA200] =	vst v63  }
.Ltmp14:
0x342: {  	s20 =	sadd.s32 $0x50, s19;
	s21 =	sadd.s32 $0x4F0, s22;
	(pc) =	sbr.rel @p0 .LBB2_31-.Ltmp14, $4  }
0x343: {  	[tilespmem:s21], [sflag:$0x2] =	stream.linear.gather [hbm4b:s20+s3], $0x8, $0x38;
	[tilespmem:$0xA200] =	vst v63  }
0x344: {  	s20 =	sadd.s32 $0x60, s19;
	s21 =	sadd.s32 $0x570, s22;
	s22 =	sadd.s32 $0x5F0, s22  }
0x345: {  	[tilespmem:s21], [sflag:$0x2] =	stream.linear.gather [hbm4b:s20+s3], $0x8, $0x38;
	[tilespmem:$0xA200] =	vst v63  }
0x346: {  	s21 =	sadd.s32 $0x70, s19;
	s19 =	sadd.s32 $0xF4280, s19;
	s20 =	smov.u32 s23  }
0x347: {  	v47 =	vsel vm15, $0x0, v47  }
0x348: {  	(xrf0) =	vadd.scan.msk.s32 $0xffff, v47;
	_ =	sdelay $0x4  }
0x349: {  	[tilespmem:s22], [sflag:$0x2] =	stream.linear.gather [hbm4b:s21+s3], $0x8, $0x38;
	[tilespmem:$0xA200] =	vst v63  }
0x34a: {  	s20 =	sadd.s32 $0x270, s18;
	v47, _, _ =	vpop (xrf0)  }
0x34b: {  	[tilespmem:s20], [sflag:$0x2] =	stream.linear.gather [hbm4b:s19+s3], $0x8, $0x38;
	(v2sf) =	vpush v47, $0xF;
	[tilespmem:$0xA200] =	vst v63  }
0x34c: {  	s21 =	sadd.s32 $0x10, s19;
	s22 =	sadd.s32 $0x2F0, s18  }
0x34d: {  	[tilespmem:s22], [sflag:$0x2] =	stream.linear.gather [hbm4b:s21+s3], $0x8, $0x38;
	[tilespmem:$0xA200] =	vst v63  }
0x34e: {  	s23 =	sadd.s32 $0x20, s19;
	s24 =	sadd.s32 $0x370, s18  }
0x34f: {  	[tilespmem:s24], [sflag:$0x2] =	stream.linear.gather [hbm4b:s23+s3], $0x8, $0x38;
	[tilespmem:$0xA200] =	vst v63  }
0x350: {  	s25 =	sadd.s32 $0x30, s19;
	s26 =	sadd.s32 $0x3F0, s18  }
0x351: {  	[tilespmem:s26], [sflag:$0x2] =	stream.linear.gather [hbm4b:s25+s3], $0x8, $0x38;
	[tilespmem:$0xA200] =	vst v63  }
0x352: {  	s28 =	sadd.s32 $0x40, s19;
	s29 =	sadd.s32 $0x470, s18  }
0x353: {  	[tilespmem:s29], [sflag:$0x2] =	stream.linear.gather [hbm4b:s28+s3], $0x8, $0x38;
	[tilespmem:$0xA200] =	vst v63  }
0x354: {  	s30 =	sadd.s32 $0x50, s19;
	s31 =	sadd.s32 $0x4F0, s18  }
0x355: {  	[tilespmem:s31], [sflag:$0x2] =	stream.linear.gather [hbm4b:s30+s3], $0x8, $0x38;
	[tilespmem:$0xA200] =	vst v63  }
0x356: {  	s22 =	sadd.s32 $0x60, s19;
	s23 =	sadd.s32 $0x570, s18  }
0x357: {  	[tilespmem:s23], [sflag:$0x2] =	stream.linear.gather [hbm4b:s22+s3], $0x8, $0x38;
	[tilespmem:$0xA200] =	vst v63  }
0x358: {  	s24 =	sadd.s32 $0x70, s19;
	s25 =	sadd.s32 $0x5F0, s18  }
0x359: {  	[tilespmem:s25], [sflag:$0x2] =	stream.linear.gather [hbm4b:s24+s3], $0x8, $0x38;
	[tilespmem:$0xA200] =	vst v63  }
0x35a: {  	s26 =	spop (v2sf)  }
0x35b: {  	s28 =	sshll.u32 s26, $0x3  }
0x35c: {  	s18 =	sand.u32 $0x78, s26;
	s19 =	sand.u32 $0xFFFFFC00, s28  }
0x35d: {  	s18 =	sor.u32 s18, s19  }
0x35e: {  	s18 =	sshrl.u32 s18, $0x3  }
0x35f: {  	s29 =	simm.s32 $0x278;
	s19 =	sadd.s32 s1, s18  }
0x360: {  	[tilespmem:s29], [sflag:$0x2] =	stream.linear.gather [hbm4b:s19+s3], $0x8, $0x38;
	[tilespmem:$0xA200] =	vst v63  }
0x361: {  	s31 =	simm.s32 $0x2F8;
	s30 =	sadd.s32 $0x10, s19  }
0x362: {  	[tilespmem:s31], [sflag:$0x2] =	stream.linear.gather [hbm4b:s30+s3], $0x8, $0x38;
	[tilespmem:$0xA200] =	vst v63  }
0x363: {  	s20 =	simm.s32 $0x2000;
	s22 =	simm.s32 $0x378;
	s21 =	sadd.s32 $0x20, s19  }
0x364: {  	[tilespmem:s22], [sflag:$0x2] =	stream.linear.gather [hbm4b:s21+s3], $0x8, $0x38;
	[tilespmem:$0xA200] =	vst v63  }
0x365: {  	s24 =	simm.s32 $0x3F8;
	s26 =	simm.s32 $0x478;
	s23 =	sadd.s32 $0x30, s19  }
0x366: {  	[tilespmem:s24], [sflag:$0x2] =	stream.linear.gather [hbm4b:s23+s3], $0x8, $0x38;
	[tilespmem:$0xA200] =	vst v63  }
0x367: {  	s18 =	simm.s32 $0x400;
	s25 =	sadd.s32 $0x40, s19;
	s28 =	sadd.s32 $0x50, s19  }
0x368: {  	[tilespmem:s26], [sflag:$0x2] =	stream.linear.gather [hbm4b:s25+s3], $0x8, $0x38;
	[tilespmem:$0xA200] =	vst v63  }
0x369: {  	s29 =	simm.s32 $0x4F8;
	s30 =	sadd.s32 $0x60, s19;
	s31 =	simm.s32 $0x578  }
0x36a: {  	[tilespmem:s29], [sflag:$0x2] =	stream.linear.gather [hbm4b:s28+s3], $0x8, $0x38;
	[tilespmem:$0xA200] =	vst v63  }
0x36b: {  	s21 =	sadd.s32 $0x70, s19;
	s22 =	simm.s32 $0x5F8;
	s19 =	sadd.s32 $0xF4280, s19  }
0x36c: {  	[tilespmem:s31], [sflag:$0x2] =	stream.linear.gather [hbm4b:s30+s3], $0x8, $0x38;
	[tilespmem:$0xA200] =	vst v63  }
.LBB2_33:
0x36d: {  	[tilespmem:s22], [sflag:$0x2] =	stream.linear.gather [hbm4b:s21+s3], $0x8, $0x38;
	[tilespmem:$0xA200] =	vst v63  }
0x36e: {  	s22 =	smov.u32 s18;
	s18 =	smov.u32 s20  }
0x36f: {  	s23 =	sadd.s32 $0x1000, s20;
	s18 =	sshra.s32 s18, $0x2;
	s21 =	sadd.s32 $0x278, s22  }
0x370: {  	[tilespmem:s21], [sflag:$0x2] =	stream.linear.gather [hbm4b:s19+s3], $0x8, $0x38;
	[tilespmem:$0xA200] =	vst v63  }
0x371: {  	p0 =	sne.s32 s20, $0x7000;
	s20 =	sadd.s32 $0x10, s19;
	s21 =	sadd.s32 $0x2F8, s22  }
0x372: {  	[tilespmem:s21], [sflag:$0x2] =	stream.linear.gather [hbm4b:s20+s3], $0x8, $0x38;
	[tilespmem:$0xA200] =	vst v63  }
0x373: {  	s20 =	sadd.s32 $0x20, s19;
	s21 =	sadd.s32 $0x378, s22  }
0x374: {  	[tilespmem:s21], [sflag:$0x2] =	stream.linear.gather [hbm4b:s20+s3], $0x8, $0x38;
	[tilespmem:$0xA200] =	vst v63  }
0x375: {  	s20 =	sadd.s32 $0x30, s19;
	s21 =	sadd.s32 $0x3F8, s22  }
0x376: {  	[tilespmem:s21], [sflag:$0x2] =	stream.linear.gather [hbm4b:s20+s3], $0x8, $0x38;
	[tilespmem:$0xA200] =	vst v63  }
0x377: {  	s20 =	sadd.s32 $0x40, s19;
	s21 =	sadd.s32 $0x478, s22  }
0x378: {  	[tilespmem:s21], [sflag:$0x2] =	stream.linear.gather [hbm4b:s20+s3], $0x8, $0x38;
	[tilespmem:$0xA200] =	vst v63  }
.Ltmp15:
0x379: {  	s20 =	sadd.s32 $0x50, s19;
	s21 =	sadd.s32 $0x4F8, s22;
	(pc) =	sbr.rel @p0 .LBB2_33-.Ltmp15, $4  }
0x37a: {  	[tilespmem:s21], [sflag:$0x2] =	stream.linear.gather [hbm4b:s20+s3], $0x8, $0x38;
	[tilespmem:$0xA200] =	vst v63  }
0x37b: {  	s20 =	sadd.s32 $0x60, s19;
	s21 =	sadd.s32 $0x578, s22;
	s22 =	sadd.s32 $0x5F8, s22  }
0x37c: {  	[tilespmem:s21], [sflag:$0x2] =	stream.linear.gather [hbm4b:s20+s3], $0x8, $0x38;
	[tilespmem:$0xA200] =	vst v63  }
0x37d: {  	s21 =	sadd.s32 $0x70, s19;
	s19 =	sadd.s32 $0xF4280, s19;
	s20 =	smov.u32 s23  }
0x37e: {  	[tilespmem:s22], [sflag:$0x2] =	stream.linear.gather [hbm4b:s21+s3], $0x8, $0x38;
	[tilespmem:$0xA200] =	vst v63  }
0x37f: {  	s20 =	sadd.s32 $0x278, s18  }
0x380: {  	[tilespmem:s20], [sflag:$0x2] =	stream.linear.gather [hbm4b:s19+s3], $0x8, $0x38;
	[tilespmem:$0xA200] =	vst v63  }
0x381: {  	s23 =	sadd.s32 $0x10, s19;
	s24 =	sadd.s32 $0x2F8, s18  }
0x382: {  	[tilespmem:s24], [sflag:$0x2] =	stream.linear.gather [hbm4b:s23+s3], $0x8, $0x38;
	[tilespmem:$0xA200] =	vst v63  }
0x383: {  	s25 =	sadd.s32 $0x20, s19;
	s26 =	sadd.s32 $0x378, s18  }
0x384: {  	[tilespmem:s26], [sflag:$0x2] =	stream.linear.gather [hbm4b:s25+s3], $0x8, $0x38;
	[tilespmem:$0xA200] =	vst v63  }
0x385: {  	s28 =	sadd.s32 $0x30, s19;
	s29 =	sadd.s32 $0x3F8, s18  }
0x386: {  	[tilespmem:s29], [sflag:$0x2] =	stream.linear.gather [hbm4b:s28+s3], $0x8, $0x38;
	[tilespmem:$0xA200] =	vst v63  }
0x387: {  	s30 =	sadd.s32 $0x40, s19;
	s31 =	sadd.s32 $0x478, s18  }
0x388: {  	[tilespmem:s31], [sflag:$0x2] =	stream.linear.gather [hbm4b:s30+s3], $0x8, $0x38;
	[tilespmem:$0xA200] =	vst v63  }
0x389: {  	s21 =	sadd.s32 $0x50, s19;
	s22 =	sadd.s32 $0x4F8, s18  }
0x38a: {  	[tilespmem:s22], [sflag:$0x2] =	stream.linear.gather [hbm4b:s21+s3], $0x8, $0x38;
	[tilespmem:$0xA200] =	vst v63  }
0x38b: {  	s23 =	sadd.s32 $0x60, s19;
	s24 =	sadd.s32 $0x578, s18  }
0x38c: {  	v46 =	vand.u32 $0x7, v46;
	[tilespmem:s24], [sflag:$0x2] =	stream.linear.gather [hbm4b:s23+s3], $0x8, $0x38;
	[tilespmem:$0xA200] =	vst v63  }
0x38d: {  	v47 =	vor.u32 v0, v46;
	s25 =	sadd.s32 $0x70, s19;
	s26 =	sadd.s32 $0x5F8, s18  }
0x38e: {  	[tilespmem:s26], [sflag:$0x2] =	stream.linear.gather [hbm4b:s25+s3], $0x8, $0x38;
	[tilespmem:$0xA200] =	vst v63  }
0x38f: {  	_ =	swait.ge [sflag:s10], $0x2000  }
0x390: {  	[sflag:s10] =	ssyncset.done $0x0  }
0x391: {  	[sflag:s10] =	ssyncadd.s32 $0xFFFFE000  }
0x392: {  	v47 =	vld.idx.msk [tilespmem:v47+s11+$0x0], $0xffff  }
0x393: {  	v48 =	vor.u32 v1, v46  }
0x394: {  	s28 =	sshll.u32 s16, $0x7  }
0x395: {  	s29 =	sand.u32 $0x70, s17;
	s30 =	sand.u32 $0xC00, s28  }
0x396: {  	s18 =	sor.u32 s29, s30  }
0x397: {  	[tilespmem:s18+$0x2200] =	vst v47  }
0x398: {  	v47 =	vld.idx.msk [tilespmem:v48+s11+$0x0], $0xffff  }
0x399: {  	v62 =	vor.u32 v2, v46;
	_ =	sdelay $0x3  }
0x39a: {  	[tilespmem:s18+$0x2280] =	vst v47  }
0x39b: {  	v47 =	vld.idx.msk [tilespmem:v62+s11+$0x0], $0xffff  }
0x39c: {  	v63 =	vor.u32 v3, v46;
	_ =	sdelay $0x3  }
0x39d: {  	[tilespmem:s18+$0x2300] =	vst v47  }
0x39e: {  	v47 =	vld.idx.msk [tilespmem:v63+s11+$0x0], $0xffff  }
0x39f: {  	v52 =	vor.u32 v4, v46;
	_ =	sdelay $0x3  }
0x3a0: {  	[tilespmem:s18+$0x2380] =	vst v47  }
0x3a1: {  	v47 =	vld.idx.msk [tilespmem:v52+s11+$0x0], $0xffff  }
0x3a2: {  	v53 =	vor.u32 v5, v46;
	_ =	sdelay $0x3  }
0x3a3: {  	[tilespmem:s18+$0x2400] =	vst v47  }
0x3a4: {  	v47 =	vld.idx.msk [tilespmem:v53+s11+$0x0], $0xffff  }
0x3a5: {  	v54 =	vor.u32 v6, v46;
	_ =	sdelay $0x3  }
0x3a6: {  	[tilespmem:s18+$0x2480] =	vst v47  }
0x3a7: {  	v47 =	vld.idx.msk [tilespmem:v54+s11+$0x0], $0xffff  }
0x3a8: {  	v55 =	vor.u32 v7, v46;
	_ =	sdelay $0x3  }
0x3a9: {  	[tilespmem:s18+$0x2500] =	vst v47  }
0x3aa: {  	v47 =	vld.idx.msk [tilespmem:v55+s11+$0x0], $0xffff  }
0x3ab: {  	v56 =	vor.u32 v8, v46;
	_ =	sdelay $0x1  }
0x3ac: {  	s31 =	sor.u32 s28, s17  }
0x3ad: {  	s17 =	sor.u32 $0x380, s31  }
0x3ae: {  	[tilespmem:s17+$0x2200] =	vst v47  }
0x3af: {  	v47 =	vld.idx.msk [tilespmem:v56+s11+$0x0], $0xffff  }
0x3b0: {  	v57 =	vor.u32 v9, v46;
	_ =	sdelay $0x3  }
0x3b1: {  	[tilespmem:s18+$0x3200] =	vst v47  }
0x3b2: {  	v47 =	vld.idx.msk [tilespmem:v57+s11+$0x0], $0xffff  }
0x3b3: {  	v58 =	vor.u32 v10, v46;
	_ =	sdelay $0x3  }
0x3b4: {  	[tilespmem:s18+$0x3280] =	vst v47  }
0x3b5: {  	v47 =	vld.idx.msk [tilespmem:v58+s11+$0x0], $0xffff  }
0x3b6: {  	v59 =	vor.u32 v11, v46;
	_ =	sdelay $0x3  }
0x3b7: {  	[tilespmem:s18+$0x3300] =	vst v47  }
0x3b8: {  	v47 =	vld.idx.msk [tilespmem:v59+s11+$0x0], $0xffff  }
0x3b9: {  	v60 =	vor.u32 v12, v46;
	_ =	sdelay $0x3  }
0x3ba: {  	[tilespmem:s18+$0x3380] =	vst v47  }
0x3bb: {  	v47 =	vld.idx.msk [tilespmem:v60+s11+$0x0], $0xffff  }
0x3bc: {  	v61 =	vor.u32 v13, v46;
	_ =	sdelay $0x3  }
0x3bd: {  	[tilespmem:s18+$0x3400] =	vst v47  }
0x3be: {  	v47 =	vld.idx.msk [tilespmem:v61+s11+$0x0], $0xffff  }
0x3bf: {  	v62 =	vor.u32 v14, v46;
	_ =	sdelay $0x3  }
0x3c0: {  	[tilespmem:s18+$0x3480] =	vst v47  }
0x3c1: {  	v47 =	vld.idx.msk [tilespmem:v62+s11+$0x0], $0xffff  }
0x3c2: {  	v63 =	vor.u32 v15, v46;
	_ =	sdelay $0x3  }
0x3c3: {  	[tilespmem:s18+$0x3500] =	vst v47  }
0x3c4: {  	v47 =	vld.idx.msk [tilespmem:v63+s11+$0x0], $0xffff  }
0x3c5: {  	v52 =	vor.u32 v16, v46;
	_ =	sdelay $0x3  }
0x3c6: {  	[tilespmem:s18+$0x3580] =	vst v47  }
0x3c7: {  	v47 =	vld.idx.msk [tilespmem:v52+s11+$0x0], $0xffff  }
0x3c8: {  	v53 =	vor.u32 v17, v46;
	_ =	sdelay $0x3  }
0x3c9: {  	[tilespmem:s18+$0x4200] =	vst v47  }
0x3ca: {  	v47 =	vld.idx.msk [tilespmem:v53+s11+$0x0], $0xffff  }
0x3cb: {  	v54 =	vor.u32 v18, v46;
	_ =	sdelay $0x3  }
0x3cc: {  	[tilespmem:s18+$0x4280] =	vst v47  }
0x3cd: {  	v47 =	vld.idx.msk [tilespmem:v54+s11+$0x0], $0xffff  }
0x3ce: {  	v55 =	vor.u32 v19, v46;
	_ =	sdelay $0x3  }
0x3cf: {  	[tilespmem:s18+$0x4300] =	vst v47  }
0x3d0: {  	v47 =	vld.idx.msk [tilespmem:v55+s11+$0x0], $0xffff  }
0x3d1: {  	v56 =	vor.u32 v20, v46;
	_ =	sdelay $0x3  }
0x3d2: {  	[tilespmem:s18+$0x4380] =	vst v47  }
0x3d3: {  	v47 =	vld.idx.msk [tilespmem:v56+s11+$0x0], $0xffff  }
0x3d4: {  	v57 =	vor.u32 v21, v46;
	_ =	sdelay $0x3  }
0x3d5: {  	[tilespmem:s18+$0x4400] =	vst v47  }
0x3d6: {  	v47 =	vld.idx.msk [tilespmem:v57+s11+$0x0], $0xffff  }
0x3d7: {  	v58 =	vor.u32 v22, v46;
	_ =	sdelay $0x3  }
0x3d8: {  	[tilespmem:s18+$0x4480] =	vst v47  }
0x3d9: {  	v47 =	vld.idx.msk [tilespmem:v58+s11+$0x0], $0xffff  }
0x3da: {  	v59 =	vor.u32 v23, v46;
	_ =	sdelay $0x3  }
0x3db: {  	[tilespmem:s18+$0x4500] =	vst v47  }
0x3dc: {  	v47 =	vld.idx.msk [tilespmem:v59+s11+$0x0], $0xffff  }
0x3dd: {  	v60 =	vor.u32 v24, v46;
	_ =	sdelay $0x3  }
0x3de: {  	[tilespmem:s18+$0x4580] =	vst v47  }
0x3df: {  	v47 =	vld.idx.msk [tilespmem:v60+s11+$0x0], $0xffff  }
0x3e0: {  	v61 =	vor.u32 v25, v46;
	_ =	sdelay $0x3  }
0x3e1: {  	[tilespmem:s18+$0x5200] =	vst v47  }
0x3e2: {  	v47 =	vld.idx.msk [tilespmem:v61+s11+$0x0], $0xffff  }
0x3e3: {  	v62 =	vor.u32 v26, v46;
	_ =	sdelay $0x3  }
0x3e4: {  	[tilespmem:s18+$0x5280] =	vst v47  }
0x3e5: {  	v47 =	vld.idx.msk [tilespmem:v62+s11+$0x0], $0xffff  }
0x3e6: {  	v63 =	vor.u32 v27, v46;
	_ =	sdelay $0x3  }
0x3e7: {  	[tilespmem:s18+$0x5300] =	vst v47  }
0x3e8: {  	v47 =	vld.idx.msk [tilespmem:v63+s11+$0x0], $0xffff  }
0x3e9: {  	v52 =	vor.u32 v28, v46;
	_ =	sdelay $0x3  }
0x3ea: {  	[tilespmem:s18+$0x5380] =	vst v47  }
0x3eb: {  	v47 =	vld.idx.msk [tilespmem:v52+s11+$0x0], $0xffff  }
0x3ec: {  	v53 =	vor.u32 v29, v46;
	_ =	sdelay $0x3  }
0x3ed: {  	[tilespmem:s18+$0x5400] =	vst v47  }
0x3ee: {  	v47 =	vld.idx.msk [tilespmem:v53+s11+$0x0], $0xffff  }
0x3ef: {  	v54 =	vor.u32 v30, v46;
	_ =	sdelay $0x3  }
0x3f0: {  	[tilespmem:s18+$0x5480] =	vst v47  }
0x3f1: {  	v47 =	vld.idx.msk [tilespmem:v54+s11+$0x0], $0xffff  }
0x3f2: {  	v55 =	vor.u32 v31, v46;
	_ =	sdelay $0x3  }
0x3f3: {  	[tilespmem:s18+$0x5500] =	vst v47  }
0x3f4: {  	v47 =	vld.idx.msk [tilespmem:v55+s11+$0x0], $0xffff  }
0x3f5: {  	v56 =	vor.u32 v32, v46;
	_ =	sdelay $0x3  }
0x3f6: {  	[tilespmem:s18+$0x5580] =	vst v47  }
0x3f7: {  	v47 =	vld.idx.msk [tilespmem:v56+s11+$0x0], $0xffff  }
0x3f8: {  	v57 =	vor.u32 v33, v46;
	_ =	sdelay $0x3  }
0x3f9: {  	[tilespmem:s18+$0x6200] =	vst v47  }
0x3fa: {  	v47 =	vld.idx.msk [tilespmem:v57+s11+$0x0], $0xffff  }
0x3fb: {  	v58 =	vor.u32 v34, v46;
	_ =	sdelay $0x3  }
0x3fc: {  	[tilespmem:s18+$0x6280] =	vst v47  }
0x3fd: {  	v47 =	vld.idx.msk [tilespmem:v58+s11+$0x0], $0xffff  }
0x3fe: {  	v59 =	vor.u32 v35, v46;
	_ =	sdelay $0x3  }
0x3ff: {  	[tilespmem:s18+$0x6300] =	vst v47  }
0x400: {  	v47 =	vld.idx.msk [tilespmem:v59+s11+$0x0], $0xffff  }
0x401: {  	v60 =	vor.u32 v36, v46;
	_ =	sdelay $0x3  }
0x402: {  	[tilespmem:s18+$0x6380] =	vst v47  }
0x403: {  	v47 =	vld.idx.msk [tilespmem:v60+s11+$0x0], $0xffff  }
0x404: {  	v61 =	vor.u32 v37, v46;
	_ =	sdelay $0x3  }
0x405: {  	[tilespmem:s18+$0x6400] =	vst v47  }
0x406: {  	v47 =	vld.idx.msk [tilespmem:v61+s11+$0x0], $0xffff  }
0x407: {  	v62 =	vor.u32 v38, v46;
	_ =	sdelay $0x3  }
0x408: {  	[tilespmem:s18+$0x6480] =	vst v47  }
0x409: {  	v47 =	vld.idx.msk [tilespmem:v62+s11+$0x0], $0xffff  }
0x40a: {  	v63 =	vor.u32 v39, v46;
	_ =	sdelay $0x3  }
0x40b: {  	[tilespmem:s18+$0x6500] =	vst v47  }
0x40c: {  	v47 =	vld.idx.msk [tilespmem:v63+s11+$0x0], $0xffff  }
0x40d: {  	v52 =	vor.u32 v40, v46;
	_ =	sdelay $0x3  }
0x40e: {  	[tilespmem:s18+$0x6580] =	vst v47  }
0x40f: {  	v47 =	vld.idx.msk [tilespmem:v52+s11+$0x0], $0xffff  }
0x410: {  	v53 =	vor.u32 v41, v46;
	_ =	sdelay $0x3  }
0x411: {  	[tilespmem:s18+$0x7200] =	vst v47  }
0x412: {  	v47 =	vld.idx.msk [tilespmem:v53+s11+$0x0], $0xffff  }
0x413: {  	v54 =	vor.u32 v42, v46;
	_ =	sdelay $0x3  }
0x414: {  	[tilespmem:s18+$0x7280] =	vst v47  }
0x415: {  	v47 =	vld.idx.msk [tilespmem:v54+s11+$0x0], $0xffff  }
0x416: {  	v55 =	vor.u32 v43, v46;
	_ =	sdelay $0x3  }
0x417: {  	[tilespmem:s18+$0x7300] =	vst v47  }
0x418: {  	v47 =	vld.idx.msk [tilespmem:v55+s11+$0x0], $0xffff  }
0x419: {  	v56 =	vor.u32 v44, v46;
	_ =	sdelay $0x3  }
0x41a: {  	[tilespmem:s18+$0x7380] =	vst v47  }
0x41b: {  	v47 =	vld.idx.msk [tilespmem:v56+s11+$0x0], $0xffff  }
0x41c: {  	v57 =	vor.u32 v45, v46;
	_ =	sdelay $0x3  }
0x41d: {  	[tilespmem:s18+$0x7400] =	vst v47  }
0x41e: {  	v58 =	vor.u32 $0x1700, v0;
	v47 =	vld.idx.msk [tilespmem:v57+s11+$0x0], $0xffff  }
0x41f: {  	v48 =	vor.u32 v58, v46;
	_ =	sdelay $0x3  }
0x420: {  	[tilespmem:s18+$0x7480] =	vst v47  }
0x421: {  	v59 =	vor.u32 $0x1780, v0;
	v47 =	vld.idx.msk [tilespmem:v48+s11+$0x0], $0xffff  }
0x422: {  	v48 =	vor.u32 v59, v46;
	_ =	sdelay $0x3  }
0x423: {  	[tilespmem:s18+$0x7500] =	vst v47  }
0x424: {  	v60 =	vor.u32 $0x1800, v0;
	v47 =	vld.idx.msk [tilespmem:v48+s11+$0x0], $0xffff  }
0x425: {  	v48 =	vor.u32 v60, v46;
	_ =	sdelay $0x3  }
0x426: {  	[tilespmem:s18+$0x7580] =	vst v47  }
0x427: {  	v61 =	vor.u32 $0x1880, v0;
	v47 =	vld.idx.msk [tilespmem:v48+s11+$0x0], $0xffff  }
0x428: {  	v48 =	vor.u32 v61, v46;
	_ =	sdelay $0x3  }
0x429: {  	[tilespmem:s18+$0x8200] =	vst v47  }
0x42a: {  	v62 =	vor.u32 $0x1900, v0;
	v47 =	vld.idx.msk [tilespmem:v48+s11+$0x0], $0xffff  }
0x42b: {  	v48 =	vor.u32 v62, v46;
	_ =	sdelay $0x3  }
0x42c: {  	[tilespmem:s18+$0x8280] =	vst v47  }
0x42d: {  	v63 =	vor.u32 $0x1980, v0;
	v47 =	vld.idx.msk [tilespmem:v48+s11+$0x0], $0xffff  }
0x42e: {  	v48 =	vor.u32 v63, v46;
	_ =	sdelay $0x3  }
0x42f: {  	[tilespmem:s18+$0x8300] =	vst v47  }
0x430: {  	v52 =	vor.u32 $0x1A00, v0;
	v47 =	vld.idx.msk [tilespmem:v48+s11+$0x0], $0xffff  }
0x431: {  	v48 =	vor.u32 v52, v46;
	_ =	sdelay $0x3  }
0x432: {  	[tilespmem:s18+$0x8380] =	vst v47  }
0x433: {  	v53 =	vor.u32 $0x1A80, v0;
	v47 =	vld.idx.msk [tilespmem:v48+s11+$0x0], $0xffff  }
0x434: {  	v48 =	vor.u32 v53, v46;
	_ =	sdelay $0x3  }
0x435: {  	[tilespmem:s18+$0x8400] =	vst v47  }
0x436: {  	v54 =	vor.u32 $0x1B00, v0;
	v47 =	vld.idx.msk [tilespmem:v48+s11+$0x0], $0xffff  }
0x437: {  	v48 =	vor.u32 v54, v46;
	_ =	sdelay $0x3  }
0x438: {  	[tilespmem:s18+$0x8480] =	vst v47  }
0x439: {  	v55 =	vor.u32 $0x1B80, v0;
	v47 =	vld.idx.msk [tilespmem:v48+s11+$0x0], $0xffff  }
0x43a: {  	v48 =	vor.u32 v55, v46;
	_ =	sdelay $0x3  }
0x43b: {  	[tilespmem:s18+$0x8500] =	vst v47  }
0x43c: {  	v56 =	vor.u32 $0x1C00, v0;
	v47 =	vld.idx.msk [tilespmem:v48+s11+$0x0], $0xffff  }
0x43d: {  	v48 =	vor.u32 v56, v46;
	_ =	sdelay $0x3  }
0x43e: {  	[tilespmem:s18+$0x8580] =	vst v47  }
0x43f: {  	v57 =	vor.u32 $0x1C80, v0;
	v47 =	vld.idx.msk [tilespmem:v48+s11+$0x0], $0xffff  }
0x440: {  	v48 =	vor.u32 v57, v46;
	_ =	sdelay $0x3  }
0x441: {  	[tilespmem:s18+$0x9200] =	vst v47  }
0x442: {  	v58 =	vor.u32 $0x1D00, v0;
	v47 =	vld.idx.msk [tilespmem:v48+s11+$0x0], $0xffff  }
0x443: {  	v48 =	vor.u32 v58, v46;
	_ =	sdelay $0x3  }
0x444: {  	[tilespmem:s18+$0x9280] =	vst v47  }
0x445: {  	v59 =	vor.u32 $0x1D80, v0;
	v47 =	vld.idx.msk [tilespmem:v48+s11+$0x0], $0xffff  }
0x446: {  	v48 =	vor.u32 v59, v46;
	_ =	sdelay $0x3  }
0x447: {  	[tilespmem:s18+$0x9300] =	vst v47  }
0x448: {  	v60 =	vor.u32 $0x1E00, v0;
	v47 =	vld.idx.msk [tilespmem:v48+s11+$0x0], $0xffff  }
0x449: {  	v48 =	vor.u32 v60, v46;
	_ =	sdelay $0x3  }
0x44a: {  	[tilespmem:s18+$0x9380] =	vst v47  }
0x44b: {  	v61 =	vor.u32 $0x1E80, v0;
	v47 =	vld.idx.msk [tilespmem:v48+s11+$0x0], $0xffff  }
0x44c: {  	v48 =	vor.u32 v61, v46;
	_ =	sdelay $0x3  }
0x44d: {  	[tilespmem:s18+$0x9400] =	vst v47  }
0x44e: {  	v62 =	vor.u32 $0x1F00, v0;
	v47 =	vld.idx.msk [tilespmem:v48+s11+$0x0], $0xffff  }
0x44f: {  	v48 =	vor.u32 v62, v46;
	_ =	sdelay $0x3  }
0x450: {  	[tilespmem:s18+$0x9480] =	vst v47  }
0x451: {  	v63 =	vor.u32 $0x1F80, v0;
	v47 =	vld.idx.msk [tilespmem:v48+s11+$0x0], $0xffff  }
0x452: {  	v46 =	vor.u32 v63, v46;
	_ =	sdelay $0x3  }
0x453: {  	s16 =	sadd.s32 $0x1, s16;
	[tilespmem:s18+$0x9500] =	vst v47  }
0x454: {  	p0 =	sne.s32 s16, $0x20;
	v46 =	vld.idx.msk [tilespmem:v46+s11+$0x0], $0xffff  }
.Ltmp16:
0x455: {  	_ = 	snop;
	(pc) =	sbr.rel @p0 .LBB2_2-.Ltmp16, $2  }
0x456: {  	_ =	sdelay $0x2  }
0x457: {  	[tilespmem:s18+$0x9580] =	vst v46  }
0x458: {  	s15 =	sadd.s32 $0x1, s15  }
0x459: {  	p0 =	sne.s32 s15, s6  }
.Ltmp17:
0x45a: {  	_ = 	snop;
	(pc) =	sbr.rel @p0 .LBB2_1-.Ltmp17, $4  }
0x45b: {  	[hbm4b:s5+s12] =	stream.strided.scatter [tilespmem:s14], [sflag:$0x1], $0x8000, s13, s12, $0x38;
	[tilespmem:$0xA200] =	vst v63  }
0x45c: {  	_ =	swait.ge [sflag:s9], $0x8000  }
0x45d: {  	[sflag:s9] =	ssyncset.done $0x0  }
0x45e: {  	[sflag:s9] =	ssyncadd.s32 $0xFFFF8000  }
0x45f: {  	_ =	sfence.sel $0x180000  }
0x460: {  	[bflag:$0x0] =	sbarrier.arrive $0xFFFF  }
0x461: {  	p0 =	sne.s32 s0, $0x0;
	_ =	strace $0x90000047  }
0x462: {  	s0 =	sadd.s32 @!p0 $0x100000, s2;
	[bflag:$0x2] =	sbarrier.arrive $0xFFFF  }
0x463: {  	[sflag:s0] =	ssyncadd.tile.s32 @!p0 $0x1;
	_ =	shalt  }
.Lfunc_end2:
_tile_overlayer_lowered:
.L_overlay_start_2:
0x464: {  	(tag) =	ssettag $0x2  }
0x465: {  	s0 =	rddreg [dreg:$0x0];
	s2 =	stileid.u32  }
0x466: {  	s1 =	rddreg [dreg:$0x1];
	p0 =	sne.s32 s2, $0x0  }
0x467: {  	s3 =	rddreg [dreg:$0x2];
	[bflag:$0x3] =	sbarrier.arrive $0xFFFF;
	s2 =	simm.s32 @!p0 $0x1C03  }
0x468: {  	[timem:s3], [sflag:s2] =	dma.local @!p0 [hbm:s0], s1  }
0x469: {  	s0 =	simm.s32 @!p0 $0x3  }
0x46a: {  	_ =	swait.ge @!p0 [sflag:s0], s1  }
0x46b: {  	s1 =	ssub.s32 @!p0 $0x0, s1;
	[sflag:s0] =	ssyncset.done @!p0 $0x0  }
0x46c: {  	[sflag:s0] =	ssyncadd.s32 @!p0 s1  }
0x46d: {  	[bflag:$0x3] =	sbarrier.arrive $0xFFFF  }
0x46e: {  	_ =	shalt  }

</sc_bundles>
